<compile_context>
chip_gen: v7x
topology: tpu7x:2x2x1
jax: 0.10.2.dev20260603
libtpu: 0.0.44.dev20260713+nightly
codegen_flags: <defaults>
</compile_context>

<pallas_src>
import functools

import jax
import jax.numpy as jnp
from jax import lax
from jax.experimental import pallas as pl
from jax.experimental.pallas import tpu as pltpu
from jax.experimental.pallas import tpu_sc as plsc

NSAMP = 1024
NEXP = 8192
KT = 32
LSEQ = 200

NWORKER = 32
ROWS_PER = NSAMP // NWORKER
CHUNK = 128
NCH = NEXP // CHUNK


def _stage_ab(ev_ref, t_ref, alpha_ref, mu_ref, bu_ref, exp_ref, prm_in_ref,
              st_ref, thr_ref, prm_ref, w_ref):
    tle = prm_in_ref[0, 0]
    bnd = prm_in_ref[0, 1]
    beta = prm_in_ref[0, 2]
    onehot_t = (jax.lax.broadcasted_iota(jnp.int32, (KT, LSEQ), 0)
                == ev_ref[:, :]).astype(jnp.float32)
    w0 = 0.1 * jnp.exp(-beta * (tle - t_ref[:, :]))
    s_col = jax.lax.dot_general(onehot_t, w0, (((1,), (1,)), ((), ())),
                                preferred_element_type=jnp.float32)
    c_col = jax.lax.dot_general(alpha_ref[:, :], s_col, (((0,), (0,)), ((), ())),
                                preferred_element_type=jnp.float32)

    def total_intensity(ebs):
        acc = jnp.zeros_like(ebs)
        for k in range(KT):
            acc = acc + jax.nn.softplus(mu_ref[0, k] + ebs * c_col[k, 0])
        return acc + KT * 1e-6

    tfb_rel = bu_ref[:, :] * (bnd - tle)
    sums = total_intensity(jnp.exp(-beta * tfb_rel))
    rate = jnp.max(sums) * 5.0
    e_row = -jnp.log1p(-exp_ref[:, :]) / rate
    e = jnp.concatenate([e_row[:, i * 128:(i + 1) * 128] for i in range(64)],
                        axis=0)
    ii = jax.lax.broadcasted_iota(jnp.int32, (128, 128), 0)
    jj = jax.lax.broadcasted_iota(jnp.int32, (128, 128), 1)
    upper = (ii <= jj).astype(jnp.float32)
    y = jnp.dot(e, upper, preferred_element_type=jnp.float32)
    totals = y[:, 127:128]
    i2 = jax.lax.broadcasted_iota(jnp.int32, (64, 64), 0)
    j2 = jax.lax.broadcasted_iota(jnp.int32, (64, 64), 1)
    lstrict = (j2 < i2).astype(jnp.float32)
    off = jnp.dot(lstrict, totals, preferred_element_type=jnp.float32)
    strel = y + off
    st_ref[:, :] = strel + tle
    ti = total_intensity(jnp.exp(-beta * strel))
    thr_ref[:, :] = ti / rate
    stlast = strel[63:64, 127:128] + tle
    bigv = stlast + 1.0
    fbv = jnp.where(stlast > bnd, stlast, bnd)
    lane = jax.lax.broadcasted_iota(jnp.int32, (1, 16), 1)
    prm_ref[:, :] = jnp.where(lane == 0, bigv, jnp.where(lane == 1, fbv, 0.0))
    w_ref[:, :] = jnp.full((8, 128), 1.0 / NSAMP, jnp.float32)


def _vmin16(v):
    vals = [v[j] for j in range(16)]
    while len(vals) > 1:
        vals = [jnp.minimum(vals[i], vals[i + 1]) for i in range(0, len(vals), 2)]
    return vals[0]


def _vmax16(v):
    vals = [v[j] for j in range(16)]
    while len(vals) > 1:
        vals = [jnp.maximum(vals[i], vals[i + 1]) for i in range(0, len(vals), 2)]
    return vals[0]


def _make_sc_scan():
    mesh = plsc.VectorSubcoreMesh(core_axis_name="c", subcore_axis_name="s")

    @functools.partial(
        pl.kernel, mesh=mesh,
        out_type=jax.ShapeDtypeStruct((NSAMP,), jnp.float32),
        scratch_types=[
            pltpu.VMEM((1, 128), jnp.float32),
            pltpu.VMEM((1, 128), jnp.float32),
            pltpu.VMEM((ROWS_PER, CHUNK), jnp.float32),
            pltpu.VMEM((1, 16), jnp.float32),
            pltpu.VMEM((ROWS_PER,), jnp.float32),
            pltpu.SemaphoreType.DMA,
        ],
    )
    def scan_k(u_hbm, thr_hbm, st_hbm, prm_hbm, out_hbm,
               thr_v, st_v, u_v, prm_v, res_v, sem):
        wid = lax.axis_index("s") * 2 + lax.axis_index("c")
        base = wid * ROWS_PER

        def start_dmas(c):
            cp_u = pltpu.make_async_copy(
                u_hbm.at[pl.ds(base, ROWS_PER), pl.ds(c * CHUNK, CHUNK)],
                u_v, sem)
            cp_t = pltpu.make_async_copy(
                thr_hbm.at[pl.ds(c, 1), :], thr_v, sem)
            cp_s = pltpu.make_async_copy(
                st_hbm.at[pl.ds(c, 1), :], st_v, sem)
            cp_u.start()
            cp_t.start()
            cp_s.start()
            return cp_u, cp_t, cp_s

        def wait_dmas(cps):
            for cp in cps:
                cp.wait()

        cps0 = start_dmas(0)
        pltpu.sync_copy(prm_hbm, prm_v)
        pv = prm_v[0, pl.ds(0, 16)]
        big = pv[0]
        fb = pv[1]
        bigv = jnp.full((16,), big, jnp.float32)
        iota16 = lax.iota(jnp.int32, 16)

        def scan_chunk(r0, r1):
            def row_body(r, rc):
                a0, a1 = rc
                accv = bigv
                for k in range(CHUNK // 16):
                    uv = u_v[r, pl.ds(k * 16, 16)]
                    tv = thr_v[0, pl.ds(k * 16, 16)]
                    sv = st_v[0, pl.ds(k * 16, 16)]
                    accv = jnp.minimum(accv, jnp.where(uv < tv, sv, bigv))
                rowmin = _vmin16(accv)
                u0 = jnp.where(iota16 == r, jnp.minimum(a0, rowmin), a0)
                u1 = jnp.where(iota16 == (r - 16), jnp.minimum(a1, rowmin), a1)
                return (u0, u1)

            r0, r1 = lax.fori_loop(0, ROWS_PER, row_body, (r0, r1))
            res_v[pl.ds(0, 16)] = r0
            res_v[pl.ds(16, 16)] = r1
            return jnp.int32(_vmax16(jnp.maximum(r0, r1)) < big)

        wait_dmas(cps0)
        done0 = scan_chunk(bigv, bigv)

        def chunk_work(c):
            wait_dmas(start_dmas(c))
            return scan_chunk(res_v[pl.ds(0, 16)], res_v[pl.ds(16, 16)])

        def chunk_body(c, done):
            return lax.cond(done == 0,
                            lambda: chunk_work(c),
                            lambda: done)

        lax.fori_loop(1, NCH, chunk_body, done0)
        r0 = res_v[pl.ds(0, 16)]
        r1 = res_v[pl.ds(16, 16)]
        res_v[pl.ds(0, 16)] = jnp.where(r0 < bigv, r0, fb)
        res_v[pl.ds(16, 16)] = jnp.where(r1 < bigv, r1, fb)
        pltpu.sync_copy(res_v, out_hbm.at[pl.ds(base, ROWS_PER)])

    return scan_k


def kernel(event_seq, time_seq, time_last_event, boundary, bound_u, exp_u,
           unif_numbers, mu, alpha, beta_raw):
    f32 = jnp.float32
    tle = jnp.float32(time_last_event)
    bnd = jnp.float32(boundary)
    beta = jnp.abs(beta_raw[0]) + 0.1
    prm_a = jnp.stack([tle, bnd, beta]).reshape(1, 3).astype(f32)

    st2d, thr2d, prm16, w2d = pl.pallas_call(
        _stage_ab,
        out_shape=[
            jax.ShapeDtypeStruct((64, 128), f32),
            jax.ShapeDtypeStruct((64, 128), f32),
            jax.ShapeDtypeStruct((1, 16), f32),
            jax.ShapeDtypeStruct((8, 128), f32),
        ],
    )(event_seq.astype(jnp.int32), time_seq, alpha, mu.reshape(1, KT),
      bound_u.reshape(1, 10), exp_u, prm_a)

    rst = _make_sc_scan()(unif_numbers, thr2d, st2d, prm16)
    return rst, w2d.reshape(NSAMP)

# --- scband reference (transcript-rebuilt; emitter-appended) ---
"""Pipeline reference for scband-event-sampler-7567732376281 (READ-ONLY COPY).

The authoritative reference and input builder live on the scoring server;
editing this copy changes nothing except your own understanding.
"""

import jax, jax.numpy as jnp
import numpy as np

NUM_SAMPLE = 1024
NUM_EXP = 8192
K = 32
L = 200


def compute_intensities_at_sampled_times(event_seq, time_seq, sampled_times, mu, alpha, beta):
    # Hawkes-style NHP intensity surrogate for datalog.compute_intensities_at_sampled_times
    # sampled_times: [B, S]; time_seq: [1, L]; event_seq: [1, L] -> lam: [B, S, K]
    dt = sampled_times[:, :, None] - time_seq[:, None, :]
    mask = (dt > 0.0).astype(sampled_times.dtype)
    kern = jnp.exp(-beta * jnp.maximum(dt, 0.0)) * mask
    a = jnp.take(alpha, event_seq[0], axis=0) * 0.1  # [L, K] gather by event type
    excitation = jnp.einsum('bsl,lk->bsk', kern, a)
    lam = jax.nn.softplus(mu[None, None, :] + excitation) + 1e-6
    return lam


def setup_inputs(seed: int = 0):
    key = jax.random.key(seed)
    ks = jax.random.split(key, 8)
    time_last_event = 100
    boundary = 200
    time_seq = jnp.sort(jax.random.uniform(ks[0], (1, L)), axis=-1) * float(time_last_event)
    event_seq = jax.random.randint(ks[1], (1, L), 0, K)
    bound_u = jax.random.uniform(ks[2], (10,))
    exp_u = jax.random.uniform(ks[3], (1, NUM_EXP), minval=1e-6, maxval=1.0 - 1e-6)
    unif_numbers = jax.random.uniform(ks[4], (NUM_SAMPLE, NUM_EXP))
    mu = jax.random.normal(ks[5], (K,))
    alpha = jax.random.normal(ks[6], (K, K))
    beta_raw = jax.random.uniform(ks[7], (1,))
    return {"event_seq": event_seq, "time_seq": time_seq, "time_last_event": time_last_event,
            "boundary": boundary, "bound_u": bound_u, "exp_u": exp_u,
            "unif_numbers": unif_numbers, "mu": mu, "alpha": alpha, "beta_raw": beta_raw}


def reference(event_seq, time_seq, time_last_event, boundary, bound_u, exp_u, unif_numbers, mu, alpha, beta_raw):
    tle = jnp.float32(time_last_event)
    bnd = jnp.float32(boundary)
    beta = jnp.abs(beta_raw[0]) + 0.1
    over_sample_rate = 5.0
    # estimate conservative upper bound on total intensity
    times_for_bound = tle + bound_u * (bnd - tle)
    ints_for_bound = compute_intensities_at_sampled_times(event_seq, time_seq, times_for_bound[None, :], mu, alpha, beta)[0]
    bounds = ints_for_bound.sum(axis=-1).max() * over_sample_rate
    sample_rate = bounds
    rst = jnp.full((NUM_SAMPLE,), bnd, dtype=jnp.float32)
    weights = jnp.ones((NUM_SAMPLE,), jnp.float32)
    weights = weights / weights.sum()
    # dt ~ Exp(sample_rate), fastapprox: reuse one row of proposed times
    Exp_numbers = -jnp.log1p(-exp_u)
    sampled_times = jnp.cumsum(Exp_numbers / sample_rate, axis=-1) + tle  # [1, S]
    intensities = compute_intensities_at_sampled_times(event_seq, time_seq, sampled_times, mu, alpha, beta)
    total_intensities = intensities.sum(axis=-1)  # [1, S]
    st = jnp.broadcast_to(sampled_times, (NUM_SAMPLE, NUM_EXP))
    ti = jnp.broadcast_to(total_intensities, (NUM_SAMPLE, NUM_EXP))
    criterion = unif_numbers * sample_rate / ti
    min_cri_each_draw = criterion.min(axis=1)
    who_has_accepted_times = min_cri_each_draw < 1.0
    sampled_times_accepted = jnp.where(criterion >= 1.0, st.max() + 1.0, st)
    accepted_times_each_draw = sampled_times_accepted.min(axis=-1)
    rst = jnp.where(who_has_accepted_times, accepted_times_each_draw, rst)
    who_not_accept = ~who_has_accepted_times
    who_reach_further = st[:, -1] > bnd
    rst = jnp.where(who_not_accept & who_reach_further, st[:, -1], rst)
    return rst, weights

if __name__ == "__main__":
    import jax
    _d = setup_inputs()
    print(jax.jit(kernel)(*tuple(_d.values())))

</pallas_src>

<mosaic_0001>
#map = affine_map<(d0, d1) -> (0, 0)>
#map1 = affine_map<(d0, d1) -> (0)>
module attributes {stable_mosaic.version = 14 : i64} {
  func.func @scan_k(%arg0: i32, %arg1: i32, %arg2: memref<1024x8192xf32, #tpu.memory_space<hbm>>, %arg3: memref<64x128xf32, #tpu.memory_space<hbm>>, %arg4: memref<64x128xf32, #tpu.memory_space<hbm>>, %arg5: memref<1x16xf32, #tpu.memory_space<hbm>>, %arg6: memref<1024xf32, #tpu.memory_space<hbm>>, %arg7: memref<1x128xf32, #tpu.memory_space<vmem>>, %arg8: memref<1x128xf32, #tpu.memory_space<vmem>>, %arg9: memref<32x128xf32, #tpu.memory_space<vmem>>, %arg10: memref<1x16xf32, #tpu.memory_space<vmem>>, %arg11: memref<32xf32, #tpu.memory_space<vmem>>, %arg12: memref<!tpu.dma_semaphore, #tpu.memory_space<semaphore_mem>>) attributes {dimension_semantics = [#tpu.dimension_semantics<core_parallel>, #tpu.dimension_semantics<subcore_parallel>], iteration_bounds = array<i64: 2, 16>, scalar_prefetch = 0 : i64, scratch_operands = 6 : i64, tpu.core_type = #tpu.core_type<sc_vector_subcore>, window_params = [{transform_indices = #map}, {transform_indices = #map}, {transform_indices = #map}, {transform_indices = #map}, {transform_indices = #map1}]} {
    %mul3A = arith.constant 2 : i32
    %mul3A_0 = arith.muli %arg1, %mul3A : i32
    %add3A = arith.addi %mul3A_0, %arg0 : i32
    %mul3A_1 = arith.constant 32 : i32
    %mul3A_2 = arith.muli %add3A, %mul3A_1 : i32
    %dma_start3A = arith.constant 0 : i32
    %dma_start3A_3 = tpu.memref_slice %arg2[%mul3A_2, %dma_start3A] : memref<1024x8192xf32, #tpu.memory_space<hbm>> -> memref<32x128xf32, #tpu.memory_space<hbm>>
    %dma_start3A_4 = arith.constant 0 : i32
    %dma_start3A_5 = tpu.memref_slice %arg2[%mul3A_2, %dma_start3A_4] : memref<1024x8192xf32, #tpu.memory_space<hbm>> -> memref<32x128xf32, #tpu.memory_space<hbm>>
    tpu.enqueue_dma source(%dma_start3A_5 : memref<32x128xf32, #tpu.memory_space<hbm>>) target(%arg9 : memref<32x128xf32, #tpu.memory_space<vmem>>) target_semaphore(%arg12 : memref<!tpu.dma_semaphore, #tpu.memory_space<semaphore_mem>>)
    %dma_start3A_6 = arith.constant 0 : i32
    %dma_start3A_7 = arith.constant 0 : i32
    %dma_start3A_8 = tpu.memref_slice %arg3[%dma_start3A_6, %dma_start3A_7] : memref<64x128xf32, #tpu.memory_space<hbm>> -> memref<1x128xf32, #tpu.memory_space<hbm>>
    %dma_start3A_9 = arith.constant 0 : i32
    %dma_start3A_10 = arith.constant 0 : i32
    %dma_start3A_11 = tpu.memref_slice %arg3[%dma_start3A_9, %dma_start3A_10] : memref<64x128xf32, #tpu.memory_space<hbm>> -> memref<1x128xf32, #tpu.memory_space<hbm>>
    tpu.enqueue_dma source(%dma_start3A_11 : memref<1x128xf32, #tpu.memory_space<hbm>>) target(%arg7 : memref<1x128xf32, #tpu.memory_space<vmem>>) target_semaphore(%arg12 : memref<!tpu.dma_semaphore, #tpu.memory_space<semaphore_mem>>)
    %dma_start3A_12 = arith.constant 0 : i32
    %dma_start3A_13 = arith.constant 0 : i32
    %dma_start3A_14 = tpu.memref_slice %arg4[%dma_start3A_12, %dma_start3A_13] : memref<64x128xf32, #tpu.memory_space<hbm>> -> memref<1x128xf32, #tpu.memory_space<hbm>>
    %dma_start3A_15 = arith.constant 0 : i32
    %dma_start3A_16 = arith.constant 0 : i32
    %dma_start3A_17 = tpu.memref_slice %arg4[%dma_start3A_15, %dma_start3A_16] : memref<64x128xf32, #tpu.memory_space<hbm>> -> memref<1x128xf32, #tpu.memory_space<hbm>>
    tpu.enqueue_dma source(%dma_start3A_17 : memref<1x128xf32, #tpu.memory_space<hbm>>) target(%arg8 : memref<1x128xf32, #tpu.memory_space<vmem>>) target_semaphore(%arg12 : memref<!tpu.dma_semaphore, #tpu.memory_space<semaphore_mem>>)
    "tpu.region"() ({
      %run_scoped3A = tpu.sem_alloc : memref<!tpu.dma_semaphore, #tpu.memory_space<semaphore_mem>>
      tpu.enqueue_dma source(%arg5 : memref<1x16xf32, #tpu.memory_space<hbm>>) target(%arg10 : memref<1x16xf32, #tpu.memory_space<vmem>>) target_semaphore(%run_scoped3A : memref<!tpu.dma_semaphore, #tpu.memory_space<semaphore_mem>>)
      tpu.wait_dma2 semaphore(%run_scoped3A : memref<!tpu.dma_semaphore, #tpu.memory_space<semaphore_mem>>) src(%arg5 : memref<1x16xf32, #tpu.memory_space<hbm>>) dst(%arg10 : memref<1x16xf32, #tpu.memory_space<vmem>>)
      tpu.yield
    }) : () -> ()
    %get3A = arith.constant 0 : i32
    %get3A_18 = arith.index_cast %get3A : i32 to index
    %get3A_19 = arith.constant 0 : index
    %get3A_20 = tpu.vector_load %arg10[%get3A_18, %get3A_19] {strides = array<i32>} : memref<1x16xf32, #tpu.memory_space<vmem>>, vector<1x16xf32>,
    %get3A_21 = vector.shape_cast %get3A_20 : vector<1x16xf32> to vector<16xf32>
    %slice3A = vector.extract_strided_slice %get3A_21 {offsets = [0], sizes = [1], strides = [1]} : vector<16xf32> to vector<1xf32>
    %squeeze3A = vector.extract %slice3A[0] : f32 from vector<1xf32>
    %slice3A_22 = vector.extract_strided_slice %get3A_21 {offsets = [1], sizes = [1], strides = [1]} : vector<16xf32> to vector<1xf32>
    %squeeze3A_23 = vector.extract %slice3A_22[0] : f32 from vector<1xf32>
    %broadcast_in_dim3A = vector.broadcast %squeeze3A : f32 to vector<16xf32>
    %iota3A = tpu.iota {dimensions = array<i32: 0>} : vector<16xi32>
    %dma_wait3A = arith.constant 0 : i32
    %dma_wait3A_24 = tpu.memref_slice %arg2[%mul3A_2, %dma_wait3A] : memref<1024x8192xf32, #tpu.memory_space<hbm>> -> memref<32x128xf32, #tpu.memory_space<hbm>>
    %dma_wait3A_25 = arith.constant 0 : i32
    %dma_wait3A_26 = tpu.memref_slice %arg2[%mul3A_2, %dma_wait3A_25] : memref<1024x8192xf32, #tpu.memory_space<hbm>> -> memref<32x128xf32, #tpu.memory_space<hbm>>
    tpu.wait_dma2 semaphore(%arg12 : memref<!tpu.dma_semaphore, #tpu.memory_space<semaphore_mem>>) src(%dma_wait3A_26 : memref<32x128xf32, #tpu.memory_space<hbm>>) dst(%arg9 : memref<32x128xf32, #tpu.memory_space<vmem>>)
    %dma_wait3A_27 = arith.constant 0 : i32
    %dma_wait3A_28 = arith.constant 0 : i32
    %dma_wait3A_29 = tpu.memref_slice %arg3[%dma_wait3A_27, %dma_wait3A_28] : memref<64x128xf32, #tpu.memory_space<hbm>> -> memref<1x128xf32, #tpu.memory_space<hbm>>
    %dma_wait3A_30 = arith.constant 0 : i32
    %dma_wait3A_31 = arith.constant 0 : i32
    %dma_wait3A_32 = tpu.memref_slice %arg3[%dma_wait3A_30, %dma_wait3A_31] : memref<64x128xf32, #tpu.memory_space<hbm>> -> memref<1x128xf32, #tpu.memory_space<hbm>>
    tpu.wait_dma2 semaphore(%arg12 : memref<!tpu.dma_semaphore, #tpu.memory_space<semaphore_mem>>) src(%dma_wait3A_32 : memref<1x128xf32, #tpu.memory_space<hbm>>) dst(%arg7 : memref<1x128xf32, #tpu.memory_space<vmem>>)
    %dma_wait3A_33 = arith.constant 0 : i32
    %dma_wait3A_34 = arith.constant 0 : i32
    %dma_wait3A_35 = tpu.memref_slice %arg4[%dma_wait3A_33, %dma_wait3A_34] : memref<64x128xf32, #tpu.memory_space<hbm>> -> memref<1x128xf32, #tpu.memory_space<hbm>>
    %dma_wait3A_36 = arith.constant 0 : i32
    %dma_wait3A_37 = arith.constant 0 : i32
    %dma_wait3A_38 = tpu.memref_slice %arg4[%dma_wait3A_36, %dma_wait3A_37] : memref<64x128xf32, #tpu.memory_space<hbm>> -> memref<1x128xf32, #tpu.memory_space<hbm>>
    tpu.wait_dma2 semaphore(%arg12 : memref<!tpu.dma_semaphore, #tpu.memory_space<semaphore_mem>>) src(%dma_wait3A_38 : memref<1x128xf32, #tpu.memory_space<hbm>>) dst(%arg8 : memref<1x128xf32, #tpu.memory_space<vmem>>)
    %scan3A = arith.constant 0 : i32
    %scan3A_39 = arith.constant 32 : i32
    %scan3A_40 = arith.addi %scan3A, %scan3A_39 : i32
    %scan3A_41 = arith.constant 1 : i32
    %scan3A_42:2 = scf.for %scan3A_123 = %scan3A to %scan3A_40 step %scan3A_41 iter_args(%scan3A_124 = %broadcast_in_dim3A, %scan3A_125 = %broadcast_in_dim3A) -> (vector<16xf32>, vector<16xf32>)  : i32 {
      %get3A_126 = arith.index_cast %scan3A_123 : i32 to index
      %get3A_127 = arith.constant 0 : index
      %get3A_128 = tpu.vector_load %arg9[%get3A_126, %get3A_127] {strides = array<i32>} : memref<32x128xf32, #tpu.memory_space<vmem>>, vector<1x16xf32>,
      %get3A_129 = vector.shape_cast %get3A_128 : vector<1x16xf32> to vector<16xf32>
      %get3A_130 = arith.constant 0 : i32
      %get3A_131 = arith.index_cast %get3A_130 : i32 to index
      %get3A_132 = arith.constant 0 : index
      %get3A_133 = tpu.vector_load %arg7[%get3A_131, %get3A_132] {strides = array<i32>} : memref<1x128xf32, #tpu.memory_space<vmem>>, vector<1x16xf32>,
      %get3A_134 = vector.shape_cast %get3A_133 : vector<1x16xf32> to vector<16xf32>
      %get3A_135 = arith.constant 0 : i32
      %get3A_136 = arith.index_cast %get3A_135 : i32 to index
      %get3A_137 = arith.constant 0 : index
      %get3A_138 = tpu.vector_load %arg8[%get3A_136, %get3A_137] {strides = array<i32>} : memref<1x128xf32, #tpu.memory_space<vmem>>, vector<1x16xf32>,
      %get3A_139 = vector.shape_cast %get3A_138 : vector<1x16xf32> to vector<16xf32>
      %lt3A_140 = arith.cmpf olt, %get3A_129, %get3A_134 : vector<16xf32>
      %select_n3A_141 = arith.select %lt3A_140, %get3A_139, %broadcast_in_dim3A : vector<16xi1>, vector<16xf32>
      %min3A = arith.minimumf %broadcast_in_dim3A, %select_n3A_141 : vector<16xf32>
      %get3A_142 = arith.index_cast %scan3A_123 : i32 to index
      %get3A_143 = arith.constant 16 : index
      %get3A_144 = tpu.vector_load %arg9[%get3A_142, %get3A_143] {strides = array<i32>} : memref<32x128xf32, #tpu.memory_space<vmem>>, vector<1x16xf32>,
      %get3A_145 = vector.shape_cast %get3A_144 : vector<1x16xf32> to vector<16xf32>
      %get3A_146 = arith.constant 0 : i32
      %get3A_147 = arith.index_cast %get3A_146 : i32 to index
      %get3A_148 = arith.constant 16 : index
      %get3A_149 = tpu.vector_load %arg7[%get3A_147, %get3A_148] {strides = array<i32>} : memref<1x128xf32, #tpu.memory_space<vmem>>, vector<1x16xf32>,
      %get3A_150 = vector.shape_cast %get3A_149 : vector<1x16xf32> to vector<16xf32>
      %get3A_151 = arith.constant 0 : i32
      %get3A_152 = arith.index_cast %get3A_151 : i32 to index
      %get3A_153 = arith.constant 16 : index
      %get3A_154 = tpu.vector_load %arg8[%get3A_152, %get3A_153] {strides = array<i32>} : memref<1x128xf32, #tpu.memory_space<vmem>>, vector<1x16xf32>,
      %get3A_155 = vector.shape_cast %get3A_154 : vector<1x16xf32> to vector<16xf32>
      %lt3A_156 = arith.cmpf olt, %get3A_145, %get3A_150 : vector<16xf32>
      %select_n3A_157 = arith.select %lt3A_156, %get3A_155, %broadcast_in_dim3A : vector<16xi1>, vector<16xf32>
      %min3A_158 = arith.minimumf %min3A, %select_n3A_157 : vector<16xf32>
      %get3A_159 = arith.index_cast %scan3A_123 : i32 to index
      %get3A_160 = arith.constant 32 : index
      %get3A_161 = tpu.vector_load %arg9[%get3A_159, %get3A_160] {strides = array<i32>} : memref<32x128xf32, #tpu.memory_space<vmem>>, vector<1x16xf32>,
      %get3A_162 = vector.shape_cast %get3A_161 : vector<1x16xf32> to vector<16xf32>
      %get3A_163 = arith.constant 0 : i32
      %get3A_164 = arith.index_cast %get3A_163 : i32 to index
      %get3A_165 = arith.constant 32 : index
      %get3A_166 = tpu.vector_load %arg7[%get3A_164, %get3A_165] {strides = array<i32>} : memref<1x128xf32, #tpu.memory_space<vmem>>, vector<1x16xf32>,
      %get3A_167 = vector.shape_cast %get3A_166 : vector<1x16xf32> to vector<16xf32>
      %get3A_168 = arith.constant 0 : i32
      %get3A_169 = arith.index_cast %get3A_168 : i32 to index
      %get3A_170 = arith.constant 32 : index
      %get3A_171 = tpu.vector_load %arg8[%get3A_169, %get3A_170] {strides = array<i32>} : memref<1x128xf32, #tpu.memory_space<vmem>>, vector<1x16xf32>,
      %get3A_172 = vector.shape_cast %get3A_171 : vector<1x16xf32> to vector<16xf32>
      %lt3A_173 = arith.cmpf olt, %get3A_162, %get3A_167 : vector<16xf32>
      %select_n3A_174 = arith.select %lt3A_173, %get3A_172, %broadcast_in_dim3A : vector<16xi1>, vector<16xf32>
      %min3A_175 = arith.minimumf %min3A_158, %select_n3A_174 : vector<16xf32>
      %get3A_176 = arith.index_cast %scan3A_123 : i32 to index
      %get3A_177 = arith.constant 48 : index
      %get3A_178 = tpu.vector_load %arg9[%get3A_176, %get3A_177] {strides = array<i32>} : memref<32x128xf32, #tpu.memory_space<vmem>>, vector<1x16xf32>,
      %get3A_179 = vector.shape_cast %get3A_178 : vector<1x16xf32> to vector<16xf32>
      %get3A_180 = arith.constant 0 : i32
      %get3A_181 = arith.index_cast %get3A_180 : i32 to index
      %get3A_182 = arith.constant 48 : index
      %get3A_183 = tpu.vector_load %arg7[%get3A_181, %get3A_182] {strides = array<i32>} : memref<1x128xf32, #tpu.memory_space<vmem>>, vector<1x16xf32>,
      %get3A_184 = vector.shape_cast %get3A_183 : vector<1x16xf32> to vector<16xf32>
      %get3A_185 = arith.constant 0 : i32
      %get3A_186 = arith.index_cast %get3A_185 : i32 to index
      %get3A_187 = arith.constant 48 : index
      %get3A_188 = tpu.vector_load %arg8[%get3A_186, %get3A_187] {strides = array<i32>} : memref<1x128xf32, #tpu.memory_space<vmem>>, vector<1x16xf32>,
      %get3A_189 = vector.shape_cast %get3A_188 : vector<1x16xf32> to vector<16xf32>
      %lt3A_190 = arith.cmpf olt, %get3A_179, %get3A_184 : vector<16xf32>
      %select_n3A_191 = arith.select %lt3A_190, %get3A_189, %broadcast_in_dim3A : vector<16xi1>, vector<16xf32>
      %min3A_192 = arith.minimumf %min3A_175, %select_n3A_191 : vector<16xf32>
      %get3A_193 = arith.index_cast %scan3A_123 : i32 to index
      %get3A_194 = arith.constant 64 : index
      %get3A_195 = tpu.vector_load %arg9[%get3A_193, %get3A_194] {strides = array<i32>} : memref<32x128xf32, #tpu.memory_space<vmem>>, vector<1x16xf32>,
      %get3A_196 = vector.shape_cast %get3A_195 : vector<1x16xf32> to vector<16xf32>
      %get3A_197 = arith.constant 0 : i32
      %get3A_198 = arith.index_cast %get3A_197 : i32 to index
      %get3A_199 = arith.constant 64 : index
      %get3A_200 = tpu.vector_load %arg7[%get3A_198, %get3A_199] {strides = array<i32>} : memref<1x128xf32, #tpu.memory_space<vmem>>, vector<1x16xf32>,
      %get3A_201 = vector.shape_cast %get3A_200 : vector<1x16xf32> to vector<16xf32>
      %get3A_202 = arith.constant 0 : i32
      %get3A_203 = arith.index_cast %get3A_202 : i32 to index
      %get3A_204 = arith.constant 64 : index
      %get3A_205 = tpu.vector_load %arg8[%get3A_203, %get3A_204] {strides = array<i32>} : memref<1x128xf32, #tpu.memory_space<vmem>>, vector<1x16xf32>,
      %get3A_206 = vector.shape_cast %get3A_205 : vector<1x16xf32> to vector<16xf32>
      %lt3A_207 = arith.cmpf olt, %get3A_196, %get3A_201 : vector<16xf32>
      %select_n3A_208 = arith.select %lt3A_207, %get3A_206, %broadcast_in_dim3A : vector<16xi1>, vector<16xf32>
      %min3A_209 = arith.minimumf %min3A_192, %select_n3A_208 : vector<16xf32>
      %get3A_210 = arith.index_cast %scan3A_123 : i32 to index
      %get3A_211 = arith.constant 80 : index
      %get3A_212 = tpu.vector_load %arg9[%get3A_210, %get3A_211] {strides = array<i32>} : memref<32x128xf32, #tpu.memory_space<vmem>>, vector<1x16xf32>,
      %get3A_213 = vector.shape_cast %get3A_212 : vector<1x16xf32> to vector<16xf32>
      %get3A_214 = arith.constant 0 : i32
      %get3A_215 = arith.index_cast %get3A_214 : i32 to index
      %get3A_216 = arith.constant 80 : index
      %get3A_217 = tpu.vector_load %arg7[%get3A_215, %get3A_216] {strides = array<i32>} : memref<1x128xf32, #tpu.memory_space<vmem>>, vector<1x16xf32>,
      %get3A_218 = vector.shape_cast %get3A_217 : vector<1x16xf32> to vector<16xf32>
      %get3A_219 = arith.constant 0 : i32
      %get3A_220 = arith.index_cast %get3A_219 : i32 to index
      %get3A_221 = arith.constant 80 : index
      %get3A_222 = tpu.vector_load %arg8[%get3A_220, %get3A_221] {strides = array<i32>} : memref<1x128xf32, #tpu.memory_space<vmem>>, vector<1x16xf32>,
      %get3A_223 = vector.shape_cast %get3A_222 : vector<1x16xf32> to vector<16xf32>
      %lt3A_224 = arith.cmpf olt, %get3A_213, %get3A_218 : vector<16xf32>
      %select_n3A_225 = arith.select %lt3A_224, %get3A_223, %broadcast_in_dim3A : vector<16xi1>, vector<16xf32>
      %min3A_226 = arith.minimumf %min3A_209, %select_n3A_225 : vector<16xf32>
      %get3A_227 = arith.index_cast %scan3A_123 : i32 to index
      %get3A_228 = arith.constant 96 : index
      %get3A_229 = tpu.vector_load %arg9[%get3A_227, %get3A_228] {strides = array<i32>} : memref<32x128xf32, #tpu.memory_space<vmem>>, vector<1x16xf32>,
      %get3A_230 = vector.shape_cast %get3A_229 : vector<1x16xf32> to vector<16xf32>
      %get3A_231 = arith.constant 0 : i32
      %get3A_232 = arith.index_cast %get3A_231 : i32 to index
      %get3A_233 = arith.constant 96 : index
      %get3A_234 = tpu.vector_load %arg7[%get3A_232, %get3A_233] {strides = array<i32>} : memref<1x128xf32, #tpu.memory_space<vmem>>, vector<1x16xf32>,
      %get3A_235 = vector.shape_cast %get3A_234 : vector<1x16xf32> to vector<16xf32>
      %get3A_236 = arith.constant 0 : i32
      %get3A_237 = arith.index_cast %get3A_236 : i32 to index
      %get3A_238 = arith.constant 96 : index
      %get3A_239 = tpu.vector_load %arg8[%get3A_237, %get3A_238] {strides = array<i32>} : memref<1x128xf32, #tpu.memory_space<vmem>>, vector<1x16xf32>,
      %get3A_240 = vector.shape_cast %get3A_239 : vector<1x16xf32> to vector<16xf32>
      %lt3A_241 = arith.cmpf olt, %get3A_230, %get3A_235 : vector<16xf32>
      %select_n3A_242 = arith.select %lt3A_241, %get3A_240, %broadcast_in_dim3A : vector<16xi1>, vector<16xf32>
      %min3A_243 = arith.minimumf %min3A_226, %select_n3A_242 : vector<16xf32>
      %get3A_244 = arith.index_cast %scan3A_123 : i32 to index
      %get3A_245 = arith.constant 112 : index
      %get3A_246 = tpu.vector_load %arg9[%get3A_244, %get3A_245] {strides = array<i32>} : memref<32x128xf32, #tpu.memory_space<vmem>>, vector<1x16xf32>,
      %get3A_247 = vector.shape_cast %get3A_246 : vector<1x16xf32> to vector<16xf32>
      %get3A_248 = arith.constant 0 : i32
      %get3A_249 = arith.index_cast %get3A_248 : i32 to index
      %get3A_250 = arith.constant 112 : index
      %get3A_251 = tpu.vector_load %arg7[%get3A_249, %get3A_250] {strides = array<i32>} : memref<1x128xf32, #tpu.memory_space<vmem>>, vector<1x16xf32>,
      %get3A_252 = vector.shape_cast %get3A_251 : vector<1x16xf32> to vector<16xf32>
      %get3A_253 = arith.constant 0 : i32
      %get3A_254 = arith.index_cast %get3A_253 : i32 to index
      %get3A_255 = arith.constant 112 : index
      %get3A_256 = tpu.vector_load %arg8[%get3A_254, %get3A_255] {strides = array<i32>} : memref<1x128xf32, #tpu.memory_space<vmem>>, vector<1x16xf32>,
      %get3A_257 = vector.shape_cast %get3A_256 : vector<1x16xf32> to vector<16xf32>
      %lt3A_258 = arith.cmpf olt, %get3A_247, %get3A_252 : vector<16xf32>
      %select_n3A_259 = arith.select %lt3A_258, %get3A_257, %broadcast_in_dim3A : vector<16xi1>, vector<16xf32>
      %min3A_260 = arith.minimumf %min3A_243, %select_n3A_259 : vector<16xf32>
      %slice3A_261 = vector.extract_strided_slice %min3A_260 {offsets = [0], sizes = [1], strides = [1]} : vector<16xf32> to vector<1xf32>
      %squeeze3A_262 = vector.extract %slice3A_261[0] : f32 from vector<1xf32>
      %slice3A_263 = vector.extract_strided_slice %min3A_260 {offsets = [1], sizes = [1], strides = [1]} : vector<16xf32> to vector<1xf32>
      %squeeze3A_264 = vector.extract %slice3A_263[0] : f32 from vector<1xf32>
      %slice3A_265 = vector.extract_strided_slice %min3A_260 {offsets = [2], sizes = [1], strides = [1]} : vector<16xf32> to vector<1xf32>
      %squeeze3A_266 = vector.extract %slice3A_265[0] : f32 from vector<1xf32>
      %slice3A_267 = vector.extract_strided_slice %min3A_260 {offsets = [3], sizes = [1], strides = [1]} : vector<16xf32> to vector<1xf32>
      %squeeze3A_268 = vector.extract %slice3A_267[0] : f32 from vector<1xf32>
      %slice3A_269 = vector.extract_strided_slice %min3A_260 {offsets = [4], sizes = [1], strides = [1]} : vector<16xf32> to vector<1xf32>
      %squeeze3A_270 = vector.extract %slice3A_269[0] : f32 from vector<1xf32>
      %slice3A_271 = vector.extract_strided_slice %min3A_260 {offsets = [5], sizes = [1], strides = [1]} : vector<16xf32> to vector<1xf32>
      %squeeze3A_272 = vector.extract %slice3A_271[0] : f32 from vector<1xf32>
      %slice3A_273 = vector.extract_strided_slice %min3A_260 {offsets = [6], sizes = [1], strides = [1]} : vector<16xf32> to vector<1xf32>
      %squeeze3A_274 = vector.extract %slice3A_273[0] : f32 from vector<1xf32>
      %slice3A_275 = vector.extract_strided_slice %min3A_260 {offsets = [7], sizes = [1], strides = [1]} : vector<16xf32> to vector<1xf32>
      %squeeze3A_276 = vector.extract %slice3A_275[0] : f32 from vector<1xf32>
      %slice3A_277 = vector.extract_strided_slice %min3A_260 {offsets = [8], sizes = [1], strides = [1]} : vector<16xf32> to vector<1xf32>
      %squeeze3A_278 = vector.extract %slice3A_277[0] : f32 from vector<1xf32>
      %slice3A_279 = vector.extract_strided_slice %min3A_260 {offsets = [9], sizes = [1], strides = [1]} : vector<16xf32> to vector<1xf32>
      %squeeze3A_280 = vector.extract %slice3A_279[0] : f32 from vector<1xf32>
      %slice3A_281 = vector.extract_strided_slice %min3A_260 {offsets = [10], sizes = [1], strides = [1]} : vector<16xf32> to vector<1xf32>
      %squeeze3A_282 = vector.extract %slice3A_281[0] : f32 from vector<1xf32>
      %slice3A_283 = vector.extract_strided_slice %min3A_260 {offsets = [11], sizes = [1], strides = [1]} : vector<16xf32> to vector<1xf32>
      %squeeze3A_284 = vector.extract %slice3A_283[0] : f32 from vector<1xf32>
      %slice3A_285 = vector.extract_strided_slice %min3A_260 {offsets = [12], sizes = [1], strides = [1]} : vector<16xf32> to vector<1xf32>
      %squeeze3A_286 = vector.extract %slice3A_285[0] : f32 from vector<1xf32>
      %slice3A_287 = vector.extract_strided_slice %min3A_260 {offsets = [13], sizes = [1], strides = [1]} : vector<16xf32> to vector<1xf32>
      %squeeze3A_288 = vector.extract %slice3A_287[0] : f32 from vector<1xf32>
      %slice3A_289 = vector.extract_strided_slice %min3A_260 {offsets = [14], sizes = [1], strides = [1]} : vector<16xf32> to vector<1xf32>
      %squeeze3A_290 = vector.extract %slice3A_289[0] : f32 from vector<1xf32>
      %slice3A_291 = vector.extract_strided_slice %min3A_260 {offsets = [15], sizes = [1], strides = [1]} : vector<16xf32> to vector<1xf32>
      %squeeze3A_292 = vector.extract %slice3A_291[0] : f32 from vector<1xf32>
      %min3A_293 = arith.minimumf %squeeze3A_262, %squeeze3A_264 : f32
      %min3A_294 = arith.minimumf %squeeze3A_266, %squeeze3A_268 : f32
      %min3A_295 = arith.minimumf %squeeze3A_270, %squeeze3A_272 : f32
      %min3A_296 = arith.minimumf %squeeze3A_274, %squeeze3A_276 : f32
      %min3A_297 = arith.minimumf %squeeze3A_278, %squeeze3A_280 : f32
      %min3A_298 = arith.minimumf %squeeze3A_282, %squeeze3A_284 : f32
      %min3A_299 = arith.minimumf %squeeze3A_286, %squeeze3A_288 : f32
      %min3A_300 = arith.minimumf %squeeze3A_290, %squeeze3A_292 : f32
      %min3A_301 = arith.minimumf %min3A_293, %min3A_294 : f32
      %min3A_302 = arith.minimumf %min3A_295, %min3A_296 : f32
      %min3A_303 = arith.minimumf %min3A_297, %min3A_298 : f32
      %min3A_304 = arith.minimumf %min3A_299, %min3A_300 : f32
      %min3A_305 = arith.minimumf %min3A_301, %min3A_302 : f32
      %min3A_306 = arith.minimumf %min3A_303, %min3A_304 : f32
      %min3A_307 = arith.minimumf %min3A_305, %min3A_306 : f32
      %eq3A = vector.broadcast %scan3A_123 : i32 to vector<16xi32>
      %eq3A_308 = arith.cmpi eq, %iota3A, %eq3A : vector<16xi32>
      %min3A_309 = vector.broadcast %min3A_307 : f32 to vector<16xf32>
      %min3A_310 = arith.minimumf %scan3A_124, %min3A_309 : vector<16xf32>
      %select_n3A_311 = arith.select %eq3A_308, %min3A_310, %scan3A_124 : vector<16xi1>, vector<16xf32>
      %sub3A = arith.constant 16 : i32
      %sub3A_312 = arith.subi %scan3A_123, %sub3A : i32
      %eq3A_313 = vector.broadcast %sub3A_312 : i32 to vector<16xi32>
      %eq3A_314 = arith.cmpi eq, %iota3A, %eq3A_313 : vector<16xi32>
      %min3A_315 = vector.broadcast %min3A_307 : f32 to vector<16xf32>
      %min3A_316 = arith.minimumf %scan3A_125, %min3A_315 : vector<16xf32>
      %select_n3A_317 = arith.select %eq3A_314, %min3A_316, %scan3A_125 : vector<16xi1>, vector<16xf32>
      scf.yield %select_n3A_311, %select_n3A_317 : vector<16xf32>, vector<16xf32>
    }
    %scan3A_43 = arith.constant 32 : i32
    %swap3A = arith.constant 0 : index
    %swap3A_44 = tpu.vector_load %arg11[%swap3A] {strides = array<i32>} : memref<32xf32, #tpu.memory_space<vmem>>, vector<16xf32>,
    %swap3A_45 = vector.shape_cast %swap3A_44 : vector<16xf32> to vector<16xf32>
    %swap3A_46 = vector.shape_cast %scan3A_42#0 : vector<16xf32> to vector<16xf32>
    tpu.vector_store %arg11[%swap3A], %swap3A_46 {strides = array<i32>} : memref<32xf32, #tpu.memory_space<vmem>>, vector<16xf32>,
    %swap3A_47 = arith.constant 16 : index
    %swap3A_48 = tpu.vector_load %arg11[%swap3A_47] {strides = array<i32>} : memref<32xf32, #tpu.memory_space<vmem>>, vector<16xf32>,
    %swap3A_49 = vector.shape_cast %swap3A_48 : vector<16xf32> to vector<16xf32>
    %swap3A_50 = vector.shape_cast %scan3A_42#1 : vector<16xf32> to vector<16xf32>
    tpu.vector_store %arg11[%swap3A_47], %swap3A_50 {strides = array<i32>} : memref<32xf32, #tpu.memory_space<vmem>>, vector<16xf32>,
    %max3A = arith.maximumf %scan3A_42#0, %scan3A_42#1 : vector<16xf32>
    %slice3A_51 = vector.extract_strided_slice %max3A {offsets = [0], sizes = [1], strides = [1]} : vector<16xf32> to vector<1xf32>
    %squeeze3A_52 = vector.extract %slice3A_51[0] : f32 from vector<1xf32>
    %slice3A_53 = vector.extract_strided_slice %max3A {offsets = [1], sizes = [1], strides = [1]} : vector<16xf32> to vector<1xf32>
    %squeeze3A_54 = vector.extract %slice3A_53[0] : f32 from vector<1xf32>
    %slice3A_55 = vector.extract_strided_slice %max3A {offsets = [2], sizes = [1], strides = [1]} : vector<16xf32> to vector<1xf32>
    %squeeze3A_56 = vector.extract %slice3A_55[0] : f32 from vector<1xf32>
    %slice3A_57 = vector.extract_strided_slice %max3A {offsets = [3], sizes = [1], strides = [1]} : vector<16xf32> to vector<1xf32>
    %squeeze3A_58 = vector.extract %slice3A_57[0] : f32 from vector<1xf32>
    %slice3A_59 = vector.extract_strided_slice %max3A {offsets = [4], sizes = [1], strides = [1]} : vector<16xf32> to vector<1xf32>
    %squeeze3A_60 = vector.extract %slice3A_59[0] : f32 from vector<1xf32>
    %slice3A_61 = vector.extract_strided_slice %max3A {offsets = [5], sizes = [1], strides = [1]} : vector<16xf32> to vector<1xf32>
    %squeeze3A_62 = vector.extract %slice3A_61[0] : f32 from vector<1xf32>
    %slice3A_63 = vector.extract_strided_slice %max3A {offsets = [6], sizes = [1], strides = [1]} : vector<16xf32> to vector<1xf32>
    %squeeze3A_64 = vector.extract %slice3A_63[0] : f32 from vector<1xf32>
    %slice3A_65 = vector.extract_strided_slice %max3A {offsets = [7], sizes = [1], strides = [1]} : vector<16xf32> to vector<1xf32>
    %squeeze3A_66 = vector.extract %slice3A_65[0] : f32 from vector<1xf32>
    %slice3A_67 = vector.extract_strided_slice %max3A {offsets = [8], sizes = [1], strides = [1]} : vector<16xf32> to vector<1xf32>
    %squeeze3A_68 = vector.extract %slice3A_67[0] : f32 from vector<1xf32>
    %slice3A_69 = vector.extract_strided_slice %max3A {offsets = [9], sizes = [1], strides = [1]} : vector<16xf32> to vector<1xf32>
    %squeeze3A_70 = vector.extract %slice3A_69[0] : f32 from vector<1xf32>
    %slice3A_71 = vector.extract_strided_slice %max3A {offsets = [10], sizes = [1], strides = [1]} : vector<16xf32> to vector<1xf32>
    %squeeze3A_72 = vector.extract %slice3A_71[0] : f32 from vector<1xf32>
    %slice3A_73 = vector.extract_strided_slice %max3A {offsets = [11], sizes = [1], strides = [1]} : vector<16xf32> to vector<1xf32>
    %squeeze3A_74 = vector.extract %slice3A_73[0] : f32 from vector<1xf32>
    %slice3A_75 = vector.extract_strided_slice %max3A {offsets = [12], sizes = [1], strides = [1]} : vector<16xf32> to vector<1xf32>
    %squeeze3A_76 = vector.extract %slice3A_75[0] : f32 from vector<1xf32>
    %slice3A_77 = vector.extract_strided_slice %max3A {offsets = [13], sizes = [1], strides = [1]} : vector<16xf32> to vector<1xf32>
    %squeeze3A_78 = vector.extract %slice3A_77[0] : f32 from vector<1xf32>
    %slice3A_79 = vector.extract_strided_slice %max3A {offsets = [14], sizes = [1], strides = [1]} : vector<16xf32> to vector<1xf32>
    %squeeze3A_80 = vector.extract %slice3A_79[0] : f32 from vector<1xf32>
    %slice3A_81 = vector.extract_strided_slice %max3A {offsets = [15], sizes = [1], strides = [1]} : vector<16xf32> to vector<1xf32>
    %squeeze3A_82 = vector.extract %slice3A_81[0] : f32 from vector<1xf32>
    %max3A_83 = arith.maximumf %squeeze3A_52, %squeeze3A_54 : f32
    %max3A_84 = arith.maximumf %squeeze3A_56, %squeeze3A_58 : f32
    %max3A_85 = arith.maximumf %squeeze3A_60, %squeeze3A_62 : f32
    %max3A_86 = arith.maximumf %squeeze3A_64, %squeeze3A_66 : f32
    %max3A_87 = arith.maximumf %squeeze3A_68, %squeeze3A_70 : f32
    %max3A_88 = arith.maximumf %squeeze3A_72, %squeeze3A_74 : f32
    %max3A_89 = arith.maximumf %squeeze3A_76, %squeeze3A_78 : f32
    %max3A_90 = arith.maximumf %squeeze3A_80, %squeeze3A_82 : f32
    %max3A_91 = arith.maximumf %max3A_83, %max3A_84 : f32
    %max3A_92 = arith.maximumf %max3A_85, %max3A_86 : f32
    %max3A_93 = arith.maximumf %max3A_87, %max3A_88 : f32
    %max3A_94 = arith.maximumf %max3A_89, %max3A_90 : f32
    %max3A_95 = arith.maximumf %max3A_91, %max3A_92 : f32
    %max3A_96 = arith.maximumf %max3A_93, %max3A_94 : f32
    %max3A_97 = arith.maximumf %max3A_95, %max3A_96 : f32
    %lt3A = arith.cmpf olt, %max3A_97, %squeeze3A : f32
    %convert_element_type3A = arith.extui %lt3A : i1 to i32
    %scan3A_98 = arith.constant 1 : i32
    %scan3A_99 = arith.constant 63 : i32
    %scan3A_100 = arith.addi %scan3A_98, %scan3A_99 : i32
    %scan3A_101 = arith.constant 1 : i32
    %scan3A_102 = scf.for %scan3A_123 = %scan3A_98 to %scan3A_100 step %scan3A_101 iter_args(%scan3A_124 = %convert_element_type3A) -> (i32)  : i32 {
      %eq3A = arith.constant 0 : i32
      %eq3A_125 = arith.cmpi eq, %scan3A_124, %eq3A : i32
      %convert_element_type3A_126 = arith.extui %eq3A_125 : i1 to i32
      %cond3A = arith.constant 0 : i32
      %cond3A_127 = arith.cmpi ne, %convert_element_type3A_126, %cond3A : i32
      %cond3A_128 = scf.if %cond3A_127 -> (i32) {
        %mul3A_129 = arith.constant 128 : i32
        %mul3A_130 = arith.muli %scan3A_123, %mul3A_129 : i32
        %dma_start3A_131 = tpu.memref_slice %arg2[%mul3A_2, %mul3A_130] : memref<1024x8192xf32, #tpu.memory_space<hbm>> -> memref<32x128xf32, #tpu.memory_space<hbm>>
        %dma_start3A_132 = tpu.memref_slice %arg2[%mul3A_2, %mul3A_130] : memref<1024x8192xf32, #tpu.memory_space<hbm>> -> memref<32x128xf32, #tpu.memory_space<hbm>>
        tpu.enqueue_dma source(%dma_start3A_132 : memref<32x128xf32, #tpu.memory_space<hbm>>) target(%arg9 : memref<32x128xf32, #tpu.memory_space<vmem>>) target_semaphore(%arg12 : memref<!tpu.dma_semaphore, #tpu.memory_space<semaphore_mem>>)
        %dma_start3A_133 = arith.constant 0 : i32
        %dma_start3A_134 = tpu.memref_slice %arg3[%scan3A_123, %dma_start3A_133] : memref<64x128xf32, #tpu.memory_space<hbm>> -> memref<1x128xf32, #tpu.memory_space<hbm>>
        %dma_start3A_135 = arith.constant 0 : i32
        %dma_start3A_136 = tpu.memref_slice %arg3[%scan3A_123, %dma_start3A_135] : memref<64x128xf32, #tpu.memory_space<hbm>> -> memref<1x128xf32, #tpu.memory_space<hbm>>
        tpu.enqueue_dma source(%dma_start3A_136 : memref<1x128xf32, #tpu.memory_space<hbm>>) target(%arg7 : memref<1x128xf32, #tpu.memory_space<vmem>>) target_semaphore(%arg12 : memref<!tpu.dma_semaphore, #tpu.memory_space<semaphore_mem>>)
        %dma_start3A_137 = arith.constant 0 : i32
        %dma_start3A_138 = tpu.memref_slice %arg4[%scan3A_123, %dma_start3A_137] : memref<64x128xf32, #tpu.memory_space<hbm>> -> memref<1x128xf32, #tpu.memory_space<hbm>>
        %dma_start3A_139 = arith.constant 0 : i32
        %dma_start3A_140 = tpu.memref_slice %arg4[%scan3A_123, %dma_start3A_139] : memref<64x128xf32, #tpu.memory_space<hbm>> -> memref<1x128xf32, #tpu.memory_space<hbm>>
        tpu.enqueue_dma source(%dma_start3A_140 : memref<1x128xf32, #tpu.memory_space<hbm>>) target(%arg8 : memref<1x128xf32, #tpu.memory_space<vmem>>) target_semaphore(%arg12 : memref<!tpu.dma_semaphore, #tpu.memory_space<semaphore_mem>>)
        %dma_wait3A_141 = tpu.memref_slice %arg2[%mul3A_2, %mul3A_130] : memref<1024x8192xf32, #tpu.memory_space<hbm>> -> memref<32x128xf32, #tpu.memory_space<hbm>>
        %dma_wait3A_142 = tpu.memref_slice %arg2[%mul3A_2, %mul3A_130] : memref<1024x8192xf32, #tpu.memory_space<hbm>> -> memref<32x128xf32, #tpu.memory_space<hbm>>
        tpu.wait_dma2 semaphore(%arg12 : memref<!tpu.dma_semaphore, #tpu.memory_space<semaphore_mem>>) src(%dma_wait3A_142 : memref<32x128xf32, #tpu.memory_space<hbm>>) dst(%arg9 : memref<32x128xf32, #tpu.memory_space<vmem>>)
        %dma_wait3A_143 = arith.constant 0 : i32
        %dma_wait3A_144 = tpu.memref_slice %arg3[%scan3A_123, %dma_wait3A_143] : memref<64x128xf32, #tpu.memory_space<hbm>> -> memref<1x128xf32, #tpu.memory_space<hbm>>
        %dma_wait3A_145 = arith.constant 0 : i32
        %dma_wait3A_146 = tpu.memref_slice %arg3[%scan3A_123, %dma_wait3A_145] : memref<64x128xf32, #tpu.memory_space<hbm>> -> memref<1x128xf32, #tpu.memory_space<hbm>>
        tpu.wait_dma2 semaphore(%arg12 : memref<!tpu.dma_semaphore, #tpu.memory_space<semaphore_mem>>) src(%dma_wait3A_146 : memref<1x128xf32, #tpu.memory_space<hbm>>) dst(%arg7 : memref<1x128xf32, #tpu.memory_space<vmem>>)
        %dma_wait3A_147 = arith.constant 0 : i32
        %dma_wait3A_148 = tpu.memref_slice %arg4[%scan3A_123, %dma_wait3A_147] : memref<64x128xf32, #tpu.memory_space<hbm>> -> memref<1x128xf32, #tpu.memory_space<hbm>>
        %dma_wait3A_149 = arith.constant 0 : i32
        %dma_wait3A_150 = tpu.memref_slice %arg4[%scan3A_123, %dma_wait3A_149] : memref<64x128xf32, #tpu.memory_space<hbm>> -> memref<1x128xf32, #tpu.memory_space<hbm>>
        tpu.wait_dma2 semaphore(%arg12 : memref<!tpu.dma_semaphore, #tpu.memory_space<semaphore_mem>>) src(%dma_wait3A_150 : memref<1x128xf32, #tpu.memory_space<hbm>>) dst(%arg8 : memref<1x128xf32, #tpu.memory_space<vmem>>)
        %get3A_151 = arith.constant 0 : index
        %get3A_152 = tpu.vector_load %arg11[%get3A_151] {strides = array<i32>} : memref<32xf32, #tpu.memory_space<vmem>>, vector<16xf32>,
        %get3A_153 = vector.shape_cast %get3A_152 : vector<16xf32> to vector<16xf32>
        %get3A_154 = arith.constant 16 : index
        %get3A_155 = tpu.vector_load %arg11[%get3A_154] {strides = array<i32>} : memref<32xf32, #tpu.memory_space<vmem>>, vector<16xf32>,
        %get3A_156 = vector.shape_cast %get3A_155 : vector<16xf32> to vector<16xf32>
        %scan3A_157 = arith.constant 0 : i32
        %scan3A_158 = arith.constant 32 : i32
        %scan3A_159 = arith.addi %scan3A_157, %scan3A_158 : i32
        %scan3A_160 = arith.constant 1 : i32
        %scan3A_161:2 = scf.for %scan3A_221 = %scan3A_157 to %scan3A_159 step %scan3A_160 iter_args(%scan3A_222 = %get3A_153, %scan3A_223 = %get3A_156) -> (vector<16xf32>, vector<16xf32>)  : i32 {
          %get3A_224 = arith.index_cast %scan3A_221 : i32 to index
          %get3A_225 = arith.constant 0 : index
          %get3A_226 = tpu.vector_load %arg9[%get3A_224, %get3A_225] {strides = array<i32>} : memref<32x128xf32, #tpu.memory_space<vmem>>, vector<1x16xf32>,
          %get3A_227 = vector.shape_cast %get3A_226 : vector<1x16xf32> to vector<16xf32>
          %get3A_228 = arith.constant 0 : i32
          %get3A_229 = arith.index_cast %get3A_228 : i32 to index
          %get3A_230 = arith.constant 0 : index
          %get3A_231 = tpu.vector_load %arg7[%get3A_229, %get3A_230] {strides = array<i32>} : memref<1x128xf32, #tpu.memory_space<vmem>>, vector<1x16xf32>,
          %get3A_232 = vector.shape_cast %get3A_231 : vector<1x16xf32> to vector<16xf32>
          %get3A_233 = arith.constant 0 : i32
          %get3A_234 = arith.index_cast %get3A_233 : i32 to index
          %get3A_235 = arith.constant 0 : index
          %get3A_236 = tpu.vector_load %arg8[%get3A_234, %get3A_235] {strides = array<i32>} : memref<1x128xf32, #tpu.memory_space<vmem>>, vector<1x16xf32>,
          %get3A_237 = vector.shape_cast %get3A_236 : vector<1x16xf32> to vector<16xf32>
          %lt3A_238 = arith.cmpf olt, %get3A_227, %get3A_232 : vector<16xf32>
          %select_n3A_239 = arith.select %lt3A_238, %get3A_237, %broadcast_in_dim3A : vector<16xi1>, vector<16xf32>
          %min3A = arith.minimumf %broadcast_in_dim3A, %select_n3A_239 : vector<16xf32>
          %get3A_240 = arith.index_cast %scan3A_221 : i32 to index
          %get3A_241 = arith.constant 16 : index
          %get3A_242 = tpu.vector_load %arg9[%get3A_240, %get3A_241] {strides = array<i32>} : memref<32x128xf32, #tpu.memory_space<vmem>>, vector<1x16xf32>,
          %get3A_243 = vector.shape_cast %get3A_242 : vector<1x16xf32> to vector<16xf32>
          %get3A_244 = arith.constant 0 : i32
          %get3A_245 = arith.index_cast %get3A_244 : i32 to index
          %get3A_246 = arith.constant 16 : index
          %get3A_247 = tpu.vector_load %arg7[%get3A_245, %get3A_246] {strides = array<i32>} : memref<1x128xf32, #tpu.memory_space<vmem>>, vector<1x16xf32>,
          %get3A_248 = vector.shape_cast %get3A_247 : vector<1x16xf32> to vector<16xf32>
          %get3A_249 = arith.constant 0 : i32
          %get3A_250 = arith.index_cast %get3A_249 : i32 to index
          %get3A_251 = arith.constant 16 : index
          %get3A_252 = tpu.vector_load %arg8[%get3A_250, %get3A_251] {strides = array<i32>} : memref<1x128xf32, #tpu.memory_space<vmem>>, vector<1x16xf32>,
          %get3A_253 = vector.shape_cast %get3A_252 : vector<1x16xf32> to vector<16xf32>
          %lt3A_254 = arith.cmpf olt, %get3A_243, %get3A_248 : vector<16xf32>
          %select_n3A_255 = arith.select %lt3A_254, %get3A_253, %broadcast_in_dim3A : vector<16xi1>, vector<16xf32>
          %min3A_256 = arith.minimumf %min3A, %select_n3A_255 : vector<16xf32>
          %get3A_257 = arith.index_cast %scan3A_221 : i32 to index
          %get3A_258 = arith.constant 32 : index
          %get3A_259 = tpu.vector_load %arg9[%get3A_257, %get3A_258] {strides = array<i32>} : memref<32x128xf32, #tpu.memory_space<vmem>>, vector<1x16xf32>,
          %get3A_260 = vector.shape_cast %get3A_259 : vector<1x16xf32> to vector<16xf32>
          %get3A_261 = arith.constant 0 : i32
          %get3A_262 = arith.index_cast %get3A_261 : i32 to index
          %get3A_263 = arith.constant 32 : index
          %get3A_264 = tpu.vector_load %arg7[%get3A_262, %get3A_263] {strides = array<i32>} : memref<1x128xf32, #tpu.memory_space<vmem>>, vector<1x16xf32>,
          %get3A_265 = vector.shape_cast %get3A_264 : vector<1x16xf32> to vector<16xf32>
          %get3A_266 = arith.constant 0 : i32
          %get3A_267 = arith.index_cast %get3A_266 : i32 to index
          %get3A_268 = arith.constant 32 : index
          %get3A_269 = tpu.vector_load %arg8[%get3A_267, %get3A_268] {strides = array<i32>} : memref<1x128xf32, #tpu.memory_space<vmem>>, vector<1x16xf32>,
          %get3A_270 = vector.shape_cast %get3A_269 : vector<1x16xf32> to vector<16xf32>
          %lt3A_271 = arith.cmpf olt, %get3A_260, %get3A_265 : vector<16xf32>
          %select_n3A_272 = arith.select %lt3A_271, %get3A_270, %broadcast_in_dim3A : vector<16xi1>, vector<16xf32>
          %min3A_273 = arith.minimumf %min3A_256, %select_n3A_272 : vector<16xf32>
          %get3A_274 = arith.index_cast %scan3A_221 : i32 to index
          %get3A_275 = arith.constant 48 : index
          %get3A_276 = tpu.vector_load %arg9[%get3A_274, %get3A_275] {strides = array<i32>} : memref<32x128xf32, #tpu.memory_space<vmem>>, vector<1x16xf32>,
          %get3A_277 = vector.shape_cast %get3A_276 : vector<1x16xf32> to vector<16xf32>
          %get3A_278 = arith.constant 0 : i32
          %get3A_279 = arith.index_cast %get3A_278 : i32 to index
          %get3A_280 = arith.constant 48 : index
          %get3A_281 = tpu.vector_load %arg7[%get3A_279, %get3A_280] {strides = array<i32>} : memref<1x128xf32, #tpu.memory_space<vmem>>, vector<1x16xf32>,
          %get3A_282 = vector.shape_cast %get3A_281 : vector<1x16xf32> to vector<16xf32>
          %get3A_283 = arith.constant 0 : i32
          %get3A_284 = arith.index_cast %get3A_283 : i32 to index
          %get3A_285 = arith.constant 48 : index
          %get3A_286 = tpu.vector_load %arg8[%get3A_284, %get3A_285] {strides = array<i32>} : memref<1x128xf32, #tpu.memory_space<vmem>>, vector<1x16xf32>,
          %get3A_287 = vector.shape_cast %get3A_286 : vector<1x16xf32> to vector<16xf32>
          %lt3A_288 = arith.cmpf olt, %get3A_277, %get3A_282 : vector<16xf32>
          %select_n3A_289 = arith.select %lt3A_288, %get3A_287, %broadcast_in_dim3A : vector<16xi1>, vector<16xf32>
          %min3A_290 = arith.minimumf %min3A_273, %select_n3A_289 : vector<16xf32>
          %get3A_291 = arith.index_cast %scan3A_221 : i32 to index
          %get3A_292 = arith.constant 64 : index
          %get3A_293 = tpu.vector_load %arg9[%get3A_291, %get3A_292] {strides = array<i32>} : memref<32x128xf32, #tpu.memory_space<vmem>>, vector<1x16xf32>,
          %get3A_294 = vector.shape_cast %get3A_293 : vector<1x16xf32> to vector<16xf32>
          %get3A_295 = arith.constant 0 : i32
          %get3A_296 = arith.index_cast %get3A_295 : i32 to index
          %get3A_297 = arith.constant 64 : index
          %get3A_298 = tpu.vector_load %arg7[%get3A_296, %get3A_297] {strides = array<i32>} : memref<1x128xf32, #tpu.memory_space<vmem>>, vector<1x16xf32>,
          %get3A_299 = vector.shape_cast %get3A_298 : vector<1x16xf32> to vector<16xf32>
          %get3A_300 = arith.constant 0 : i32
          %get3A_301 = arith.index_cast %get3A_300 : i32 to index
          %get3A_302 = arith.constant 64 : index
          %get3A_303 = tpu.vector_load %arg8[%get3A_301, %get3A_302] {strides = array<i32>} : memref<1x128xf32, #tpu.memory_space<vmem>>, vector<1x16xf32>,
          %get3A_304 = vector.shape_cast %get3A_303 : vector<1x16xf32> to vector<16xf32>
          %lt3A_305 = arith.cmpf olt, %get3A_294, %get3A_299 : vector<16xf32>
          %select_n3A_306 = arith.select %lt3A_305, %get3A_304, %broadcast_in_dim3A : vector<16xi1>, vector<16xf32>
          %min3A_307 = arith.minimumf %min3A_290, %select_n3A_306 : vector<16xf32>
          %get3A_308 = arith.index_cast %scan3A_221 : i32 to index
          %get3A_309 = arith.constant 80 : index
          %get3A_310 = tpu.vector_load %arg9[%get3A_308, %get3A_309] {strides = array<i32>} : memref<32x128xf32, #tpu.memory_space<vmem>>, vector<1x16xf32>,
          %get3A_311 = vector.shape_cast %get3A_310 : vector<1x16xf32> to vector<16xf32>
          %get3A_312 = arith.constant 0 : i32
          %get3A_313 = arith.index_cast %get3A_312 : i32 to index
          %get3A_314 = arith.constant 80 : index
          %get3A_315 = tpu.vector_load %arg7[%get3A_313, %get3A_314] {strides = array<i32>} : memref<1x128xf32, #tpu.memory_space<vmem>>, vector<1x16xf32>,
          %get3A_316 = vector.shape_cast %get3A_315 : vector<1x16xf32> to vector<16xf32>
          %get3A_317 = arith.constant 0 : i32
          %get3A_318 = arith.index_cast %get3A_317 : i32 to index
          %get3A_319 = arith.constant 80 : index
          %get3A_320 = tpu.vector_load %arg8[%get3A_318, %get3A_319] {strides = array<i32>} : memref<1x128xf32, #tpu.memory_space<vmem>>, vector<1x16xf32>,
          %get3A_321 = vector.shape_cast %get3A_320 : vector<1x16xf32> to vector<16xf32>
          %lt3A_322 = arith.cmpf olt, %get3A_311, %get3A_316 : vector<16xf32>
          %select_n3A_323 = arith.select %lt3A_322, %get3A_321, %broadcast_in_dim3A : vector<16xi1>, vector<16xf32>
          %min3A_324 = arith.minimumf %min3A_307, %select_n3A_323 : vector<16xf32>
          %get3A_325 = arith.index_cast %scan3A_221 : i32 to index
          %get3A_326 = arith.constant 96 : index
          %get3A_327 = tpu.vector_load %arg9[%get3A_325, %get3A_326] {strides = array<i32>} : memref<32x128xf32, #tpu.memory_space<vmem>>, vector<1x16xf32>,
          %get3A_328 = vector.shape_cast %get3A_327 : vector<1x16xf32> to vector<16xf32>
          %get3A_329 = arith.constant 0 : i32
          %get3A_330 = arith.index_cast %get3A_329 : i32 to index
          %get3A_331 = arith.constant 96 : index
          %get3A_332 = tpu.vector_load %arg7[%get3A_330, %get3A_331] {strides = array<i32>} : memref<1x128xf32, #tpu.memory_space<vmem>>, vector<1x16xf32>,
          %get3A_333 = vector.shape_cast %get3A_332 : vector<1x16xf32> to vector<16xf32>
          %get3A_334 = arith.constant 0 : i32
          %get3A_335 = arith.index_cast %get3A_334 : i32 to index
          %get3A_336 = arith.constant 96 : index
          %get3A_337 = tpu.vector_load %arg8[%get3A_335, %get3A_336] {strides = array<i32>} : memref<1x128xf32, #tpu.memory_space<vmem>>, vector<1x16xf32>,
          %get3A_338 = vector.shape_cast %get3A_337 : vector<1x16xf32> to vector<16xf32>
          %lt3A_339 = arith.cmpf olt, %get3A_328, %get3A_333 : vector<16xf32>
          %select_n3A_340 = arith.select %lt3A_339, %get3A_338, %broadcast_in_dim3A : vector<16xi1>, vector<16xf32>
          %min3A_341 = arith.minimumf %min3A_324, %select_n3A_340 : vector<16xf32>
          %get3A_342 = arith.index_cast %scan3A_221 : i32 to index
          %get3A_343 = arith.constant 112 : index
          %get3A_344 = tpu.vector_load %arg9[%get3A_342, %get3A_343] {strides = array<i32>} : memref<32x128xf32, #tpu.memory_space<vmem>>, vector<1x16xf32>,
          %get3A_345 = vector.shape_cast %get3A_344 : vector<1x16xf32> to vector<16xf32>
          %get3A_346 = arith.constant 0 : i32
          %get3A_347 = arith.index_cast %get3A_346 : i32 to index
          %get3A_348 = arith.constant 112 : index
          %get3A_349 = tpu.vector_load %arg7[%get3A_347, %get3A_348] {strides = array<i32>} : memref<1x128xf32, #tpu.memory_space<vmem>>, vector<1x16xf32>,
          %get3A_350 = vector.shape_cast %get3A_349 : vector<1x16xf32> to vector<16xf32>
          %get3A_351 = arith.constant 0 : i32
          %get3A_352 = arith.index_cast %get3A_351 : i32 to index
          %get3A_353 = arith.constant 112 : index
          %get3A_354 = tpu.vector_load %arg8[%get3A_352, %get3A_353] {strides = array<i32>} : memref<1x128xf32, #tpu.memory_space<vmem>>, vector<1x16xf32>,
          %get3A_355 = vector.shape_cast %get3A_354 : vector<1x16xf32> to vector<16xf32>
          %lt3A_356 = arith.cmpf olt, %get3A_345, %get3A_350 : vector<16xf32>
          %select_n3A_357 = arith.select %lt3A_356, %get3A_355, %broadcast_in_dim3A : vector<16xi1>, vector<16xf32>
          %min3A_358 = arith.minimumf %min3A_341, %select_n3A_357 : vector<16xf32>
          %slice3A_359 = vector.extract_strided_slice %min3A_358 {offsets = [0], sizes = [1], strides = [1]} : vector<16xf32> to vector<1xf32>
          %squeeze3A_360 = vector.extract %slice3A_359[0] : f32 from vector<1xf32>
          %slice3A_361 = vector.extract_strided_slice %min3A_358 {offsets = [1], sizes = [1], strides = [1]} : vector<16xf32> to vector<1xf32>
          %squeeze3A_362 = vector.extract %slice3A_361[0] : f32 from vector<1xf32>
          %slice3A_363 = vector.extract_strided_slice %min3A_358 {offsets = [2], sizes = [1], strides = [1]} : vector<16xf32> to vector<1xf32>
          %squeeze3A_364 = vector.extract %slice3A_363[0] : f32 from vector<1xf32>
          %slice3A_365 = vector.extract_strided_slice %min3A_358 {offsets = [3], sizes = [1], strides = [1]} : vector<16xf32> to vector<1xf32>
          %squeeze3A_366 = vector.extract %slice3A_365[0] : f32 from vector<1xf32>
          %slice3A_367 = vector.extract_strided_slice %min3A_358 {offsets = [4], sizes = [1], strides = [1]} : vector<16xf32> to vector<1xf32>
          %squeeze3A_368 = vector.extract %slice3A_367[0] : f32 from vector<1xf32>
          %slice3A_369 = vector.extract_strided_slice %min3A_358 {offsets = [5], sizes = [1], strides = [1]} : vector<16xf32> to vector<1xf32>
          %squeeze3A_370 = vector.extract %slice3A_369[0] : f32 from vector<1xf32>
          %slice3A_371 = vector.extract_strided_slice %min3A_358 {offsets = [6], sizes = [1], strides = [1]} : vector<16xf32> to vector<1xf32>
          %squeeze3A_372 = vector.extract %slice3A_371[0] : f32 from vector<1xf32>
          %slice3A_373 = vector.extract_strided_slice %min3A_358 {offsets = [7], sizes = [1], strides = [1]} : vector<16xf32> to vector<1xf32>
          %squeeze3A_374 = vector.extract %slice3A_373[0] : f32 from vector<1xf32>
          %slice3A_375 = vector.extract_strided_slice %min3A_358 {offsets = [8], sizes = [1], strides = [1]} : vector<16xf32> to vector<1xf32>
          %squeeze3A_376 = vector.extract %slice3A_375[0] : f32 from vector<1xf32>
          %slice3A_377 = vector.extract_strided_slice %min3A_358 {offsets = [9], sizes = [1], strides = [1]} : vector<16xf32> to vector<1xf32>
          %squeeze3A_378 = vector.extract %slice3A_377[0] : f32 from vector<1xf32>
          %slice3A_379 = vector.extract_strided_slice %min3A_358 {offsets = [10], sizes = [1], strides = [1]} : vector<16xf32> to vector<1xf32>
          %squeeze3A_380 = vector.extract %slice3A_379[0] : f32 from vector<1xf32>
          %slice3A_381 = vector.extract_strided_slice %min3A_358 {offsets = [11], sizes = [1], strides = [1]} : vector<16xf32> to vector<1xf32>
          %squeeze3A_382 = vector.extract %slice3A_381[0] : f32 from vector<1xf32>
          %slice3A_383 = vector.extract_strided_slice %min3A_358 {offsets = [12], sizes = [1], strides = [1]} : vector<16xf32> to vector<1xf32>
          %squeeze3A_384 = vector.extract %slice3A_383[0] : f32 from vector<1xf32>
          %slice3A_385 = vector.extract_strided_slice %min3A_358 {offsets = [13], sizes = [1], strides = [1]} : vector<16xf32> to vector<1xf32>
          %squeeze3A_386 = vector.extract %slice3A_385[0] : f32 from vector<1xf32>
          %slice3A_387 = vector.extract_strided_slice %min3A_358 {offsets = [14], sizes = [1], strides = [1]} : vector<16xf32> to vector<1xf32>
          %squeeze3A_388 = vector.extract %slice3A_387[0] : f32 from vector<1xf32>
          %slice3A_389 = vector.extract_strided_slice %min3A_358 {offsets = [15], sizes = [1], strides = [1]} : vector<16xf32> to vector<1xf32>
          %squeeze3A_390 = vector.extract %slice3A_389[0] : f32 from vector<1xf32>
          %min3A_391 = arith.minimumf %squeeze3A_360, %squeeze3A_362 : f32
          %min3A_392 = arith.minimumf %squeeze3A_364, %squeeze3A_366 : f32
          %min3A_393 = arith.minimumf %squeeze3A_368, %squeeze3A_370 : f32
          %min3A_394 = arith.minimumf %squeeze3A_372, %squeeze3A_374 : f32
          %min3A_395 = arith.minimumf %squeeze3A_376, %squeeze3A_378 : f32
          %min3A_396 = arith.minimumf %squeeze3A_380, %squeeze3A_382 : f32
          %min3A_397 = arith.minimumf %squeeze3A_384, %squeeze3A_386 : f32
          %min3A_398 = arith.minimumf %squeeze3A_388, %squeeze3A_390 : f32
          %min3A_399 = arith.minimumf %min3A_391, %min3A_392 : f32
          %min3A_400 = arith.minimumf %min3A_393, %min3A_394 : f32
          %min3A_401 = arith.minimumf %min3A_395, %min3A_396 : f32
          %min3A_402 = arith.minimumf %min3A_397, %min3A_398 : f32
          %min3A_403 = arith.minimumf %min3A_399, %min3A_400 : f32
          %min3A_404 = arith.minimumf %min3A_401, %min3A_402 : f32
          %min3A_405 = arith.minimumf %min3A_403, %min3A_404 : f32
          %eq3A_406 = vector.broadcast %scan3A_221 : i32 to vector<16xi32>
          %eq3A_407 = arith.cmpi eq, %iota3A, %eq3A_406 : vector<16xi32>
          %min3A_408 = vector.broadcast %min3A_405 : f32 to vector<16xf32>
          %min3A_409 = arith.minimumf %scan3A_222, %min3A_408 : vector<16xf32>
          %select_n3A_410 = arith.select %eq3A_407, %min3A_409, %scan3A_222 : vector<16xi1>, vector<16xf32>
          %sub3A = arith.constant 16 : i32
          %sub3A_411 = arith.subi %scan3A_221, %sub3A : i32
          %eq3A_412 = vector.broadcast %sub3A_411 : i32 to vector<16xi32>
          %eq3A_413 = arith.cmpi eq, %iota3A, %eq3A_412 : vector<16xi32>
          %min3A_414 = vector.broadcast %min3A_405 : f32 to vector<16xf32>
          %min3A_415 = arith.minimumf %scan3A_223, %min3A_414 : vector<16xf32>
          %select_n3A_416 = arith.select %eq3A_413, %min3A_415, %scan3A_223 : vector<16xi1>, vector<16xf32>
          scf.yield %select_n3A_410, %select_n3A_416 : vector<16xf32>, vector<16xf32>
        }
        %scan3A_162 = arith.constant 32 : i32
        %swap3A_163 = arith.constant 0 : index
        %swap3A_164 = tpu.vector_load %arg11[%swap3A_163] {strides = array<i32>} : memref<32xf32, #tpu.memory_space<vmem>>, vector<16xf32>,
        %swap3A_165 = vector.shape_cast %swap3A_164 : vector<16xf32> to vector<16xf32>
        %swap3A_166 = vector.shape_cast %scan3A_161#0 : vector<16xf32> to vector<16xf32>
        tpu.vector_store %arg11[%swap3A_163], %swap3A_166 {strides = array<i32>} : memref<32xf32, #tpu.memory_space<vmem>>, vector<16xf32>,
        %swap3A_167 = arith.constant 16 : index
        %swap3A_168 = tpu.vector_load %arg11[%swap3A_167] {strides = array<i32>} : memref<32xf32, #tpu.memory_space<vmem>>, vector<16xf32>,
        %swap3A_169 = vector.shape_cast %swap3A_168 : vector<16xf32> to vector<16xf32>
        %swap3A_170 = vector.shape_cast %scan3A_161#1 : vector<16xf32> to vector<16xf32>
        tpu.vector_store %arg11[%swap3A_167], %swap3A_170 {strides = array<i32>} : memref<32xf32, #tpu.memory_space<vmem>>, vector<16xf32>,
        %max3A_171 = arith.maximumf %scan3A_161#0, %scan3A_161#1 : vector<16xf32>
        %slice3A_172 = vector.extract_strided_slice %max3A_171 {offsets = [0], sizes = [1], strides = [1]} : vector<16xf32> to vector<1xf32>
        %squeeze3A_173 = vector.extract %slice3A_172[0] : f32 from vector<1xf32>
        %slice3A_174 = vector.extract_strided_slice %max3A_171 {offsets = [1], sizes = [1], strides = [1]} : vector<16xf32> to vector<1xf32>
        %squeeze3A_175 = vector.extract %slice3A_174[0] : f32 from vector<1xf32>
        %slice3A_176 = vector.extract_strided_slice %max3A_171 {offsets = [2], sizes = [1], strides = [1]} : vector<16xf32> to vector<1xf32>
        %squeeze3A_177 = vector.extract %slice3A_176[0] : f32 from vector<1xf32>
        %slice3A_178 = vector.extract_strided_slice %max3A_171 {offsets = [3], sizes = [1], strides = [1]} : vector<16xf32> to vector<1xf32>
        %squeeze3A_179 = vector.extract %slice3A_178[0] : f32 from vector<1xf32>
        %slice3A_180 = vector.extract_strided_slice %max3A_171 {offsets = [4], sizes = [1], strides = [1]} : vector<16xf32> to vector<1xf32>
        %squeeze3A_181 = vector.extract %slice3A_180[0] : f32 from vector<1xf32>
        %slice3A_182 = vector.extract_strided_slice %max3A_171 {offsets = [5], sizes = [1], strides = [1]} : vector<16xf32> to vector<1xf32>
        %squeeze3A_183 = vector.extract %slice3A_182[0] : f32 from vector<1xf32>
        %slice3A_184 = vector.extract_strided_slice %max3A_171 {offsets = [6], sizes = [1], strides = [1]} : vector<16xf32> to vector<1xf32>
        %squeeze3A_185 = vector.extract %slice3A_184[0] : f32 from vector<1xf32>
        %slice3A_186 = vector.extract_strided_slice %max3A_171 {offsets = [7], sizes = [1], strides = [1]} : vector<16xf32> to vector<1xf32>
        %squeeze3A_187 = vector.extract %slice3A_186[0] : f32 from vector<1xf32>
        %slice3A_188 = vector.extract_strided_slice %max3A_171 {offsets = [8], sizes = [1], strides = [1]} : vector<16xf32> to vector<1xf32>
        %squeeze3A_189 = vector.extract %slice3A_188[0] : f32 from vector<1xf32>
        %slice3A_190 = vector.extract_strided_slice %max3A_171 {offsets = [9], sizes = [1], strides = [1]} : vector<16xf32> to vector<1xf32>
        %squeeze3A_191 = vector.extract %slice3A_190[0] : f32 from vector<1xf32>
        %slice3A_192 = vector.extract_strided_slice %max3A_171 {offsets = [10], sizes = [1], strides = [1]} : vector<16xf32> to vector<1xf32>
        %squeeze3A_193 = vector.extract %slice3A_192[0] : f32 from vector<1xf32>
        %slice3A_194 = vector.extract_strided_slice %max3A_171 {offsets = [11], sizes = [1], strides = [1]} : vector<16xf32> to vector<1xf32>
        %squeeze3A_195 = vector.extract %slice3A_194[0] : f32 from vector<1xf32>
        %slice3A_196 = vector.extract_strided_slice %max3A_171 {offsets = [12], sizes = [1], strides = [1]} : vector<16xf32> to vector<1xf32>
        %squeeze3A_197 = vector.extract %slice3A_196[0] : f32 from vector<1xf32>
        %slice3A_198 = vector.extract_strided_slice %max3A_171 {offsets = [13], sizes = [1], strides = [1]} : vector<16xf32> to vector<1xf32>
        %squeeze3A_199 = vector.extract %slice3A_198[0] : f32 from vector<1xf32>
        %slice3A_200 = vector.extract_strided_slice %max3A_171 {offsets = [14], sizes = [1], strides = [1]} : vector<16xf32> to vector<1xf32>
        %squeeze3A_201 = vector.extract %slice3A_200[0] : f32 from vector<1xf32>
        %slice3A_202 = vector.extract_strided_slice %max3A_171 {offsets = [15], sizes = [1], strides = [1]} : vector<16xf32> to vector<1xf32>
        %squeeze3A_203 = vector.extract %slice3A_202[0] : f32 from vector<1xf32>
        %max3A_204 = arith.maximumf %squeeze3A_173, %squeeze3A_175 : f32
        %max3A_205 = arith.maximumf %squeeze3A_177, %squeeze3A_179 : f32
        %max3A_206 = arith.maximumf %squeeze3A_181, %squeeze3A_183 : f32
        %max3A_207 = arith.maximumf %squeeze3A_185, %squeeze3A_187 : f32
        %max3A_208 = arith.maximumf %squeeze3A_189, %squeeze3A_191 : f32
        %max3A_209 = arith.maximumf %squeeze3A_193, %squeeze3A_195 : f32
        %max3A_210 = arith.maximumf %squeeze3A_197, %squeeze3A_199 : f32
        %max3A_211 = arith.maximumf %squeeze3A_201, %squeeze3A_203 : f32
        %max3A_212 = arith.maximumf %max3A_204, %max3A_205 : f32
        %max3A_213 = arith.maximumf %max3A_206, %max3A_207 : f32
        %max3A_214 = arith.maximumf %max3A_208, %max3A_209 : f32
        %max3A_215 = arith.maximumf %max3A_210, %max3A_211 : f32
        %max3A_216 = arith.maximumf %max3A_212, %max3A_213 : f32
        %max3A_217 = arith.maximumf %max3A_214, %max3A_215 : f32
        %max3A_218 = arith.maximumf %max3A_216, %max3A_217 : f32
        %lt3A_219 = arith.cmpf olt, %max3A_218, %squeeze3A : f32
        %convert_element_type3A_220 = arith.extui %lt3A_219 : i1 to i32
        scf.yield %convert_element_type3A_220 : i32
      } else {
        scf.yield %scan3A_124 : i32
      }
      scf.yield %cond3A_128 : i32
    }
    %scan3A_103 = arith.constant 63 : i32
    %get3A_104 = arith.constant 0 : index
    %get3A_105 = tpu.vector_load %arg11[%get3A_104] {strides = array<i32>} : memref<32xf32, #tpu.memory_space<vmem>>, vector<16xf32>,
    %get3A_106 = vector.shape_cast %get3A_105 : vector<16xf32> to vector<16xf32>
    %get3A_107 = arith.constant 16 : index
    %get3A_108 = tpu.vector_load %arg11[%get3A_107] {strides = array<i32>} : memref<32xf32, #tpu.memory_space<vmem>>, vector<16xf32>,
    %get3A_109 = vector.shape_cast %get3A_108 : vector<16xf32> to vector<16xf32>
    %lt3A_110 = arith.cmpf olt, %get3A_106, %broadcast_in_dim3A : vector<16xf32>
    %broadcast_in_dim3A_111 = vector.broadcast %squeeze3A_23 : f32 to vector<16xf32>
    %select_n3A = arith.select %lt3A_110, %get3A_106, %broadcast_in_dim3A_111 : vector<16xi1>, vector<16xf32>
    %swap3A_112 = arith.constant 0 : index
    %swap3A_113 = tpu.vector_load %arg11[%swap3A_112] {strides = array<i32>} : memref<32xf32, #tpu.memory_space<vmem>>, vector<16xf32>,
    %swap3A_114 = vector.shape_cast %swap3A_113 : vector<16xf32> to vector<16xf32>
    %swap3A_115 = vector.shape_cast %select_n3A : vector<16xf32> to vector<16xf32>
    tpu.vector_store %arg11[%swap3A_112], %swap3A_115 {strides = array<i32>} : memref<32xf32, #tpu.memory_space<vmem>>, vector<16xf32>,
    %lt3A_116 = arith.cmpf olt, %get3A_109, %broadcast_in_dim3A : vector<16xf32>
    %broadcast_in_dim3A_117 = vector.broadcast %squeeze3A_23 : f32 to vector<16xf32>
    %select_n3A_118 = arith.select %lt3A_116, %get3A_109, %broadcast_in_dim3A_117 : vector<16xi1>, vector<16xf32>
    %swap3A_119 = arith.constant 16 : index
    %swap3A_120 = tpu.vector_load %arg11[%swap3A_119] {strides = array<i32>} : memref<32xf32, #tpu.memory_space<vmem>>, vector<16xf32>,
    %swap3A_121 = vector.shape_cast %swap3A_120 : vector<16xf32> to vector<16xf32>
    %swap3A_122 = vector.shape_cast %select_n3A_118 : vector<16xf32> to vector<16xf32>
    tpu.vector_store %arg11[%swap3A_119], %swap3A_122 {strides = array<i32>} : memref<32xf32, #tpu.memory_space<vmem>>, vector<16xf32>,
    "tpu.region"() ({
      %run_scoped3A = tpu.sem_alloc : memref<!tpu.dma_semaphore, #tpu.memory_space<semaphore_mem>>
      %dma_start3A_123 = tpu.memref_slice %arg6[%mul3A_2] : memref<1024xf32, #tpu.memory_space<hbm>> -> memref<32xf32, #tpu.memory_space<hbm>>
      %dma_start3A_124 = tpu.memref_slice %arg6[%mul3A_2] : memref<1024xf32, #tpu.memory_space<hbm>> -> memref<32xf32, #tpu.memory_space<hbm>>
      tpu.enqueue_dma source(%arg11 : memref<32xf32, #tpu.memory_space<vmem>>) target(%dma_start3A_124 : memref<32xf32, #tpu.memory_space<hbm>>) target_semaphore(%run_scoped3A : memref<!tpu.dma_semaphore, #tpu.memory_space<semaphore_mem>>)
      %dma_wait3A_125 = tpu.memref_slice %arg6[%mul3A_2] : memref<1024xf32, #tpu.memory_space<hbm>> -> memref<32xf32, #tpu.memory_space<hbm>>
      %dma_wait3A_126 = tpu.memref_slice %arg6[%mul3A_2] : memref<1024xf32, #tpu.memory_space<hbm>> -> memref<32xf32, #tpu.memory_space<hbm>>
      tpu.wait_dma2 semaphore(%run_scoped3A : memref<!tpu.dma_semaphore, #tpu.memory_space<semaphore_mem>>) src(%arg11 : memref<32xf32, #tpu.memory_space<vmem>>) dst(%dma_wait3A_126 : memref<32xf32, #tpu.memory_space<hbm>>)
      tpu.yield
    }) : () -> ()
    return
  }
}

module attributes {stable_mosaic.version = 14 : i64} {
  func.func @_stage_ab(%arg0: memref<1x200xi32, #tpu.memory_space<vmem>>, %arg1: memref<1x200xf32, #tpu.memory_space<vmem>>, %arg2: memref<32x32xf32, #tpu.memory_space<vmem>>, %arg3: memref<1x32xf32, #tpu.memory_space<vmem>>, %arg4: memref<1x10xf32, #tpu.memory_space<vmem>>, %arg5: memref<1x8192xf32, #tpu.memory_space<vmem>>, %arg6: memref<1x3xf32, #tpu.memory_space<vmem>>, %arg7: memref<64x128xf32, #tpu.memory_space<vmem>>, %arg8: memref<64x128xf32, #tpu.memory_space<vmem>>, %arg9: memref<1x16xf32, #tpu.memory_space<vmem>>, %arg10: memref<8x128xf32, #tpu.memory_space<vmem>>) attributes {dimension_semantics = [], scalar_prefetch = 0 : i64, scratch_operands = 0 : i64, tpu.core_type = #tpu.core_type<tc>} {
    %get3A = arith.constant 0 : index
    %get3A_0 = arith.constant 0 : index
    %get3A_1 = vector.load %arg6[%get3A, %get3A_0] : memref<1x3xf32, #tpu.memory_space<vmem>>, vector<1x1xf32>
    %get3A_2 = vector.extract %get3A_1[0, 0] : f32 from vector<1x1xf32>
    %get3A_3 = arith.constant 0 : index
    %get3A_4 = arith.constant 1 : index
    %get3A_5 = vector.load %arg6[%get3A_3, %get3A_4] : memref<1x3xf32, #tpu.memory_space<vmem>>, vector<1x1xf32>
    %get3A_6 = vector.extract %get3A_5[0, 0] : f32 from vector<1x1xf32>
    %get3A_7 = arith.constant 0 : index
    %get3A_8 = arith.constant 2 : index
    %get3A_9 = vector.load %arg6[%get3A_7, %get3A_8] : memref<1x3xf32, #tpu.memory_space<vmem>>, vector<1x1xf32>
    %get3A_10 = vector.extract %get3A_9[0, 0] : f32 from vector<1x1xf32>
    %iota3A = tpu.iota {dimensions = array<i32: 0>} : vector<32x200xi32>
    %get3A_11 = arith.constant 0 : index
    %get3A_12 = arith.constant 0 : index
    %get3A_13 = vector.load %arg0[%get3A_11, %get3A_12] : memref<1x200xi32, #tpu.memory_space<vmem>>, vector<1x200xi32>
    %eq3A = vector.broadcast %get3A_13 : vector<1x200xi32> to vector<32x200xi32>
    %eq3A_14 = arith.cmpi eq, %iota3A, %eq3A : vector<32x200xi32>
    %convert_element_type3A = arith.extui %eq3A_14 : vector<32x200xi1> to vector<32x200xi32>
    %convert_element_type3A_15 = arith.sitofp %convert_element_type3A : vector<32x200xi32> to vector<32x200xf32>
    %neg3A = arith.constant 0.000000e+00 : f32
    %neg3A_16 = arith.subf %neg3A, %get3A_10 : f32
    %get3A_17 = arith.constant 0 : index
    %get3A_18 = arith.constant 0 : index
    %get3A_19 = vector.load %arg1[%get3A_17, %get3A_18] : memref<1x200xf32, #tpu.memory_space<vmem>>, vector<1x200xf32>
    %sub3A = vector.broadcast %get3A_2 : f32 to vector<1x200xf32>
    %sub3A_20 = arith.subf %sub3A, %get3A_19 : vector<1x200xf32>
    %mul3A = vector.broadcast %neg3A_16 : f32 to vector<1x200xf32>
    %mul3A_21 = arith.mulf %mul3A, %sub3A_20 : vector<1x200xf32>
    %exp3A = math.exp %mul3A_21 : vector<1x200xf32>
    %mul3A_22 = arith.constant 1.000000e-01 : f32
    %mul3A_23 = vector.broadcast %mul3A_22 : f32 to vector<1x200xf32>
    %mul3A_24 = arith.mulf %mul3A_23, %exp3A : vector<1x200xf32>
    %dot_general3A = arith.constant dense<0.000000e+00> : vector<32x1xf32>
    %dot_general3A_25 = tpu.matmul %convert_element_type3A_15, %mul3A_24, %dot_general3A {dimension_numbers = #tpu.dot_dimension_numbers<[1], [1], [0], [0], [0, 0, 1, 0], [], []>, transpose_lhs_hint = false} : vector<32x200xf32>, vector<1x200xf32>, vector<32x1xf32> -> vector<32x1xf32>
    %get3A_26 = arith.constant 0 : index
    %get3A_27 = arith.constant 0 : index
    %get3A_28 = vector.load %arg2[%get3A_26, %get3A_27] : memref<32x32xf32, #tpu.memory_space<vmem>>, vector<32x32xf32>
    %dot_general3A_29 = arith.constant dense<0.000000e+00> : vector<32x1xf32>
    %dot_general3A_30 = tpu.matmul %get3A_28, %dot_general3A_25, %dot_general3A_29 {dimension_numbers = #tpu.dot_dimension_numbers<[0], [0], [1], [1], [0, 1, 1, 1], [], []>, transpose_lhs_hint = false} : vector<32x32xf32>, vector<32x1xf32>, vector<32x1xf32> -> vector<32x1xf32>
    %get3A_31 = arith.constant 0 : index
    %get3A_32 = arith.constant 0 : index
    %get3A_33 = vector.load %arg4[%get3A_31, %get3A_32] : memref<1x10xf32, #tpu.memory_space<vmem>>, vector<1x10xf32>
    %sub3A_34 = arith.subf %get3A_6, %get3A_2 : f32
    %mul3A_35 = vector.broadcast %sub3A_34 : f32 to vector<1x10xf32>
    %mul3A_36 = arith.mulf %get3A_33, %mul3A_35 : vector<1x10xf32>
    %neg3A_37 = arith.constant 0.000000e+00 : f32
    %neg3A_38 = arith.subf %neg3A_37, %get3A_10 : f32
    %mul3A_39 = vector.broadcast %neg3A_38 : f32 to vector<1x10xf32>
    %mul3A_40 = arith.mulf %mul3A_39, %mul3A_36 : vector<1x10xf32>
    %exp3A_41 = math.exp %mul3A_40 : vector<1x10xf32>
    %broadcast_in_dim3A = arith.constant 0.000000e+00 : f32
    %broadcast_in_dim3A_42 = vector.broadcast %broadcast_in_dim3A : f32 to vector<1x10xf32>
    %get3A_43 = arith.constant 0 : index
    %get3A_44 = arith.constant 0 : index
    %get3A_45 = vector.load %arg3[%get3A_43, %get3A_44] : memref<1x32xf32, #tpu.memory_space<vmem>>, vector<1x1xf32>
    %get3A_46 = vector.extract %get3A_45[0, 0] : f32 from vector<1x1xf32>
    %slice3A = vector.extract_strided_slice %dot_general3A_30 {offsets = [0, 0], sizes = [1, 1], strides = [1, 1]} : vector<32x1xf32> to vector<1x1xf32>
    %squeeze3A = vector.extract %slice3A[0, 0] : f32 from vector<1x1xf32>
    %mul3A_47 = vector.broadcast %squeeze3A : f32 to vector<1x10xf32>
    %mul3A_48 = arith.mulf %exp3A_41, %mul3A_47 : vector<1x10xf32>
    %add3A = vector.broadcast %get3A_46 : f32 to vector<1x10xf32>
    %add3A_49 = arith.addf %add3A, %mul3A_48 : vector<1x10xf32>
    %custom_jvp_call3A = arith.constant 0.000000e+00 : f32
    %max3A = vector.broadcast %custom_jvp_call3A : f32 to vector<1x10xf32>
    %max3A_50 = arith.maximumf %add3A_49, %max3A : vector<1x10xf32>
    %sub3A_51 = vector.broadcast %custom_jvp_call3A : f32 to vector<1x10xf32>
    %sub3A_52 = arith.subf %add3A_49, %sub3A_51 : vector<1x10xf32>
    %ne3A = arith.cmpf one, %sub3A_52, %sub3A_52 : vector<1x10xf32>
    %add3A_53 = vector.broadcast %custom_jvp_call3A : f32 to vector<1x10xf32>
    %add3A_54 = arith.addf %add3A_49, %add3A_53 : vector<1x10xf32>
    %abs3A = math.absf %sub3A_52 : vector<1x10xf32>
    %neg3A_55 = arith.constant 0.000000e+00 : f32
    %neg3A_56 = vector.broadcast %neg3A_55 : f32 to vector<1x10xf32>
    %neg3A_57 = arith.subf %neg3A_56, %abs3A : vector<1x10xf32>
    %exp3A_58 = math.exp %neg3A_57 : vector<1x10xf32>
    %log1p3A = math.log1p %exp3A_58 : vector<1x10xf32>
    %add3A_59 = arith.addf %max3A_50, %log1p3A : vector<1x10xf32>
    %select_n3A = arith.select %ne3A, %add3A_54, %add3A_59 : vector<1x10xi1>, vector<1x10xf32>
    %add3A_60 = arith.addf %broadcast_in_dim3A_42, %select_n3A : vector<1x10xf32>
    %get3A_61 = arith.constant 0 : index
    %get3A_62 = arith.constant 1 : index
    %get3A_63 = vector.load %arg3[%get3A_61, %get3A_62] : memref<1x32xf32, #tpu.memory_space<vmem>>, vector<1x1xf32>
    %get3A_64 = vector.extract %get3A_63[0, 0] : f32 from vector<1x1xf32>
    %slice3A_65 = vector.extract_strided_slice %dot_general3A_30 {offsets = [1, 0], sizes = [1, 1], strides = [1, 1]} : vector<32x1xf32> to vector<1x1xf32>
    %squeeze3A_66 = vector.extract %slice3A_65[0, 0] : f32 from vector<1x1xf32>
    %mul3A_67 = vector.broadcast %squeeze3A_66 : f32 to vector<1x10xf32>
    %mul3A_68 = arith.mulf %exp3A_41, %mul3A_67 : vector<1x10xf32>
    %add3A_69 = vector.broadcast %get3A_64 : f32 to vector<1x10xf32>
    %add3A_70 = arith.addf %add3A_69, %mul3A_68 : vector<1x10xf32>
    %custom_jvp_call3A_71 = arith.constant 0.000000e+00 : f32
    %max3A_72 = vector.broadcast %custom_jvp_call3A_71 : f32 to vector<1x10xf32>
    %max3A_73 = arith.maximumf %add3A_70, %max3A_72 : vector<1x10xf32>
    %sub3A_74 = vector.broadcast %custom_jvp_call3A_71 : f32 to vector<1x10xf32>
    %sub3A_75 = arith.subf %add3A_70, %sub3A_74 : vector<1x10xf32>
    %ne3A_76 = arith.cmpf one, %sub3A_75, %sub3A_75 : vector<1x10xf32>
    %add3A_77 = vector.broadcast %custom_jvp_call3A_71 : f32 to vector<1x10xf32>
    %add3A_78 = arith.addf %add3A_70, %add3A_77 : vector<1x10xf32>
    %abs3A_79 = math.absf %sub3A_75 : vector<1x10xf32>
    %neg3A_80 = arith.constant 0.000000e+00 : f32
    %neg3A_81 = vector.broadcast %neg3A_80 : f32 to vector<1x10xf32>
    %neg3A_82 = arith.subf %neg3A_81, %abs3A_79 : vector<1x10xf32>
    %exp3A_83 = math.exp %neg3A_82 : vector<1x10xf32>
    %log1p3A_84 = math.log1p %exp3A_83 : vector<1x10xf32>
    %add3A_85 = arith.addf %max3A_73, %log1p3A_84 : vector<1x10xf32>
    %select_n3A_86 = arith.select %ne3A_76, %add3A_78, %add3A_85 : vector<1x10xi1>, vector<1x10xf32>
    %add3A_87 = arith.addf %add3A_60, %select_n3A_86 : vector<1x10xf32>
    %get3A_88 = arith.constant 0 : index
    %get3A_89 = arith.constant 2 : index
    %get3A_90 = vector.load %arg3[%get3A_88, %get3A_89] : memref<1x32xf32, #tpu.memory_space<vmem>>, vector<1x1xf32>
    %get3A_91 = vector.extract %get3A_90[0, 0] : f32 from vector<1x1xf32>
    %slice3A_92 = vector.extract_strided_slice %dot_general3A_30 {offsets = [2, 0], sizes = [1, 1], strides = [1, 1]} : vector<32x1xf32> to vector<1x1xf32>
    %squeeze3A_93 = vector.extract %slice3A_92[0, 0] : f32 from vector<1x1xf32>
    %mul3A_94 = vector.broadcast %squeeze3A_93 : f32 to vector<1x10xf32>
    %mul3A_95 = arith.mulf %exp3A_41, %mul3A_94 : vector<1x10xf32>
    %add3A_96 = vector.broadcast %get3A_91 : f32 to vector<1x10xf32>
    %add3A_97 = arith.addf %add3A_96, %mul3A_95 : vector<1x10xf32>
    %custom_jvp_call3A_98 = arith.constant 0.000000e+00 : f32
    %max3A_99 = vector.broadcast %custom_jvp_call3A_98 : f32 to vector<1x10xf32>
    %max3A_100 = arith.maximumf %add3A_97, %max3A_99 : vector<1x10xf32>
    %sub3A_101 = vector.broadcast %custom_jvp_call3A_98 : f32 to vector<1x10xf32>
    %sub3A_102 = arith.subf %add3A_97, %sub3A_101 : vector<1x10xf32>
    %ne3A_103 = arith.cmpf one, %sub3A_102, %sub3A_102 : vector<1x10xf32>
    %add3A_104 = vector.broadcast %custom_jvp_call3A_98 : f32 to vector<1x10xf32>
    %add3A_105 = arith.addf %add3A_97, %add3A_104 : vector<1x10xf32>
    %abs3A_106 = math.absf %sub3A_102 : vector<1x10xf32>
    %neg3A_107 = arith.constant 0.000000e+00 : f32
    %neg3A_108 = vector.broadcast %neg3A_107 : f32 to vector<1x10xf32>
    %neg3A_109 = arith.subf %neg3A_108, %abs3A_106 : vector<1x10xf32>
    %exp3A_110 = math.exp %neg3A_109 : vector<1x10xf32>
    %log1p3A_111 = math.log1p %exp3A_110 : vector<1x10xf32>
    %add3A_112 = arith.addf %max3A_100, %log1p3A_111 : vector<1x10xf32>
    %select_n3A_113 = arith.select %ne3A_103, %add3A_105, %add3A_112 : vector<1x10xi1>, vector<1x10xf32>
    %add3A_114 = arith.addf %add3A_87, %select_n3A_113 : vector<1x10xf32>
    %get3A_115 = arith.constant 0 : index
    %get3A_116 = arith.constant 3 : index
    %get3A_117 = vector.load %arg3[%get3A_115, %get3A_116] : memref<1x32xf32, #tpu.memory_space<vmem>>, vector<1x1xf32>
    %get3A_118 = vector.extract %get3A_117[0, 0] : f32 from vector<1x1xf32>
    %slice3A_119 = vector.extract_strided_slice %dot_general3A_30 {offsets = [3, 0], sizes = [1, 1], strides = [1, 1]} : vector<32x1xf32> to vector<1x1xf32>
    %squeeze3A_120 = vector.extract %slice3A_119[0, 0] : f32 from vector<1x1xf32>
    %mul3A_121 = vector.broadcast %squeeze3A_120 : f32 to vector<1x10xf32>
    %mul3A_122 = arith.mulf %exp3A_41, %mul3A_121 : vector<1x10xf32>
    %add3A_123 = vector.broadcast %get3A_118 : f32 to vector<1x10xf32>
    %add3A_124 = arith.addf %add3A_123, %mul3A_122 : vector<1x10xf32>
    %custom_jvp_call3A_125 = arith.constant 0.000000e+00 : f32
    %max3A_126 = vector.broadcast %custom_jvp_call3A_125 : f32 to vector<1x10xf32>
    %max3A_127 = arith.maximumf %add3A_124, %max3A_126 : vector<1x10xf32>
    %sub3A_128 = vector.broadcast %custom_jvp_call3A_125 : f32 to vector<1x10xf32>
    %sub3A_129 = arith.subf %add3A_124, %sub3A_128 : vector<1x10xf32>
    %ne3A_130 = arith.cmpf one, %sub3A_129, %sub3A_129 : vector<1x10xf32>
    %add3A_131 = vector.broadcast %custom_jvp_call3A_125 : f32 to vector<1x10xf32>
    %add3A_132 = arith.addf %add3A_124, %add3A_131 : vector<1x10xf32>
    %abs3A_133 = math.absf %sub3A_129 : vector<1x10xf32>
    %neg3A_134 = arith.constant 0.000000e+00 : f32
    %neg3A_135 = vector.broadcast %neg3A_134 : f32 to vector<1x10xf32>
    %neg3A_136 = arith.subf %neg3A_135, %abs3A_133 : vector<1x10xf32>
    %exp3A_137 = math.exp %neg3A_136 : vector<1x10xf32>
    %log1p3A_138 = math.log1p %exp3A_137 : vector<1x10xf32>
    %add3A_139 = arith.addf %max3A_127, %log1p3A_138 : vector<1x10xf32>
    %select_n3A_140 = arith.select %ne3A_130, %add3A_132, %add3A_139 : vector<1x10xi1>, vector<1x10xf32>
    %add3A_141 = arith.addf %add3A_114, %select_n3A_140 : vector<1x10xf32>
    %get3A_142 = arith.constant 0 : index
    %get3A_143 = arith.constant 4 : index
    %get3A_144 = vector.load %arg3[%get3A_142, %get3A_143] : memref<1x32xf32, #tpu.memory_space<vmem>>, vector<1x1xf32>
    %get3A_145 = vector.extract %get3A_144[0, 0] : f32 from vector<1x1xf32>
    %slice3A_146 = vector.extract_strided_slice %dot_general3A_30 {offsets = [4, 0], sizes = [1, 1], strides = [1, 1]} : vector<32x1xf32> to vector<1x1xf32>
    %squeeze3A_147 = vector.extract %slice3A_146[0, 0] : f32 from vector<1x1xf32>
    %mul3A_148 = vector.broadcast %squeeze3A_147 : f32 to vector<1x10xf32>
    %mul3A_149 = arith.mulf %exp3A_41, %mul3A_148 : vector<1x10xf32>
    %add3A_150 = vector.broadcast %get3A_145 : f32 to vector<1x10xf32>
    %add3A_151 = arith.addf %add3A_150, %mul3A_149 : vector<1x10xf32>
    %custom_jvp_call3A_152 = arith.constant 0.000000e+00 : f32
    %max3A_153 = vector.broadcast %custom_jvp_call3A_152 : f32 to vector<1x10xf32>
    %max3A_154 = arith.maximumf %add3A_151, %max3A_153 : vector<1x10xf32>
    %sub3A_155 = vector.broadcast %custom_jvp_call3A_152 : f32 to vector<1x10xf32>
    %sub3A_156 = arith.subf %add3A_151, %sub3A_155 : vector<1x10xf32>
    %ne3A_157 = arith.cmpf one, %sub3A_156, %sub3A_156 : vector<1x10xf32>
    %add3A_158 = vector.broadcast %custom_jvp_call3A_152 : f32 to vector<1x10xf32>
    %add3A_159 = arith.addf %add3A_151, %add3A_158 : vector<1x10xf32>
    %abs3A_160 = math.absf %sub3A_156 : vector<1x10xf32>
    %neg3A_161 = arith.constant 0.000000e+00 : f32
    %neg3A_162 = vector.broadcast %neg3A_161 : f32 to vector<1x10xf32>
    %neg3A_163 = arith.subf %neg3A_162, %abs3A_160 : vector<1x10xf32>
    %exp3A_164 = math.exp %neg3A_163 : vector<1x10xf32>
    %log1p3A_165 = math.log1p %exp3A_164 : vector<1x10xf32>
    %add3A_166 = arith.addf %max3A_154, %log1p3A_165 : vector<1x10xf32>
    %select_n3A_167 = arith.select %ne3A_157, %add3A_159, %add3A_166 : vector<1x10xi1>, vector<1x10xf32>
    %add3A_168 = arith.addf %add3A_141, %select_n3A_167 : vector<1x10xf32>
    %get3A_169 = arith.constant 0 : index
    %get3A_170 = arith.constant 5 : index
    %get3A_171 = vector.load %arg3[%get3A_169, %get3A_170] : memref<1x32xf32, #tpu.memory_space<vmem>>, vector<1x1xf32>
    %get3A_172 = vector.extract %get3A_171[0, 0] : f32 from vector<1x1xf32>
    %slice3A_173 = vector.extract_strided_slice %dot_general3A_30 {offsets = [5, 0], sizes = [1, 1], strides = [1, 1]} : vector<32x1xf32> to vector<1x1xf32>
    %squeeze3A_174 = vector.extract %slice3A_173[0, 0] : f32 from vector<1x1xf32>
    %mul3A_175 = vector.broadcast %squeeze3A_174 : f32 to vector<1x10xf32>
    %mul3A_176 = arith.mulf %exp3A_41, %mul3A_175 : vector<1x10xf32>
    %add3A_177 = vector.broadcast %get3A_172 : f32 to vector<1x10xf32>
    %add3A_178 = arith.addf %add3A_177, %mul3A_176 : vector<1x10xf32>
    %custom_jvp_call3A_179 = arith.constant 0.000000e+00 : f32
    %max3A_180 = vector.broadcast %custom_jvp_call3A_179 : f32 to vector<1x10xf32>
    %max3A_181 = arith.maximumf %add3A_178, %max3A_180 : vector<1x10xf32>
    %sub3A_182 = vector.broadcast %custom_jvp_call3A_179 : f32 to vector<1x10xf32>
    %sub3A_183 = arith.subf %add3A_178, %sub3A_182 : vector<1x10xf32>
    %ne3A_184 = arith.cmpf one, %sub3A_183, %sub3A_183 : vector<1x10xf32>
    %add3A_185 = vector.broadcast %custom_jvp_call3A_179 : f32 to vector<1x10xf32>
    %add3A_186 = arith.addf %add3A_178, %add3A_185 : vector<1x10xf32>
    %abs3A_187 = math.absf %sub3A_183 : vector<1x10xf32>
    %neg3A_188 = arith.constant 0.000000e+00 : f32
    %neg3A_189 = vector.broadcast %neg3A_188 : f32 to vector<1x10xf32>
    %neg3A_190 = arith.subf %neg3A_189, %abs3A_187 : vector<1x10xf32>
    %exp3A_191 = math.exp %neg3A_190 : vector<1x10xf32>
    %log1p3A_192 = math.log1p %exp3A_191 : vector<1x10xf32>
    %add3A_193 = arith.addf %max3A_181, %log1p3A_192 : vector<1x10xf32>
    %select_n3A_194 = arith.select %ne3A_184, %add3A_186, %add3A_193 : vector<1x10xi1>, vector<1x10xf32>
    %add3A_195 = arith.addf %add3A_168, %select_n3A_194 : vector<1x10xf32>
    %get3A_196 = arith.constant 0 : index
    %get3A_197 = arith.constant 6 : index
    %get3A_198 = vector.load %arg3[%get3A_196, %get3A_197] : memref<1x32xf32, #tpu.memory_space<vmem>>, vector<1x1xf32>
    %get3A_199 = vector.extract %get3A_198[0, 0] : f32 from vector<1x1xf32>
    %slice3A_200 = vector.extract_strided_slice %dot_general3A_30 {offsets = [6, 0], sizes = [1, 1], strides = [1, 1]} : vector<32x1xf32> to vector<1x1xf32>
    %squeeze3A_201 = vector.extract %slice3A_200[0, 0] : f32 from vector<1x1xf32>
    %mul3A_202 = vector.broadcast %squeeze3A_201 : f32 to vector<1x10xf32>
    %mul3A_203 = arith.mulf %exp3A_41, %mul3A_202 : vector<1x10xf32>
    %add3A_204 = vector.broadcast %get3A_199 : f32 to vector<1x10xf32>
    %add3A_205 = arith.addf %add3A_204, %mul3A_203 : vector<1x10xf32>
    %custom_jvp_call3A_206 = arith.constant 0.000000e+00 : f32
    %max3A_207 = vector.broadcast %custom_jvp_call3A_206 : f32 to vector<1x10xf32>
    %max3A_208 = arith.maximumf %add3A_205, %max3A_207 : vector<1x10xf32>
    %sub3A_209 = vector.broadcast %custom_jvp_call3A_206 : f32 to vector<1x10xf32>
    %sub3A_210 = arith.subf %add3A_205, %sub3A_209 : vector<1x10xf32>
    %ne3A_211 = arith.cmpf one, %sub3A_210, %sub3A_210 : vector<1x10xf32>
    %add3A_212 = vector.broadcast %custom_jvp_call3A_206 : f32 to vector<1x10xf32>
    %add3A_213 = arith.addf %add3A_205, %add3A_212 : vector<1x10xf32>
    %abs3A_214 = math.absf %sub3A_210 : vector<1x10xf32>
    %neg3A_215 = arith.constant 0.000000e+00 : f32
    %neg3A_216 = vector.broadcast %neg3A_215 : f32 to vector<1x10xf32>
    %neg3A_217 = arith.subf %neg3A_216, %abs3A_214 : vector<1x10xf32>
    %exp3A_218 = math.exp %neg3A_217 : vector<1x10xf32>
    %log1p3A_219 = math.log1p %exp3A_218 : vector<1x10xf32>
    %add3A_220 = arith.addf %max3A_208, %log1p3A_219 : vector<1x10xf32>
    %select_n3A_221 = arith.select %ne3A_211, %add3A_213, %add3A_220 : vector<1x10xi1>, vector<1x10xf32>
    %add3A_222 = arith.addf %add3A_195, %select_n3A_221 : vector<1x10xf32>
    %get3A_223 = arith.constant 0 : index
    %get3A_224 = arith.constant 7 : index
    %get3A_225 = vector.load %arg3[%get3A_223, %get3A_224] : memref<1x32xf32, #tpu.memory_space<vmem>>, vector<1x1xf32>
    %get3A_226 = vector.extract %get3A_225[0, 0] : f32 from vector<1x1xf32>
    %slice3A_227 = vector.extract_strided_slice %dot_general3A_30 {offsets = [7, 0], sizes = [1, 1], strides = [1, 1]} : vector<32x1xf32> to vector<1x1xf32>
    %squeeze3A_228 = vector.extract %slice3A_227[0, 0] : f32 from vector<1x1xf32>
    %mul3A_229 = vector.broadcast %squeeze3A_228 : f32 to vector<1x10xf32>
    %mul3A_230 = arith.mulf %exp3A_41, %mul3A_229 : vector<1x10xf32>
    %add3A_231 = vector.broadcast %get3A_226 : f32 to vector<1x10xf32>
    %add3A_232 = arith.addf %add3A_231, %mul3A_230 : vector<1x10xf32>
    %custom_jvp_call3A_233 = arith.constant 0.000000e+00 : f32
    %max3A_234 = vector.broadcast %custom_jvp_call3A_233 : f32 to vector<1x10xf32>
    %max3A_235 = arith.maximumf %add3A_232, %max3A_234 : vector<1x10xf32>
    %sub3A_236 = vector.broadcast %custom_jvp_call3A_233 : f32 to vector<1x10xf32>
    %sub3A_237 = arith.subf %add3A_232, %sub3A_236 : vector<1x10xf32>
    %ne3A_238 = arith.cmpf one, %sub3A_237, %sub3A_237 : vector<1x10xf32>
    %add3A_239 = vector.broadcast %custom_jvp_call3A_233 : f32 to vector<1x10xf32>
    %add3A_240 = arith.addf %add3A_232, %add3A_239 : vector<1x10xf32>
    %abs3A_241 = math.absf %sub3A_237 : vector<1x10xf32>
    %neg3A_242 = arith.constant 0.000000e+00 : f32
    %neg3A_243 = vector.broadcast %neg3A_242 : f32 to vector<1x10xf32>
    %neg3A_244 = arith.subf %neg3A_243, %abs3A_241 : vector<1x10xf32>
    %exp3A_245 = math.exp %neg3A_244 : vector<1x10xf32>
    %log1p3A_246 = math.log1p %exp3A_245 : vector<1x10xf32>
    %add3A_247 = arith.addf %max3A_235, %log1p3A_246 : vector<1x10xf32>
    %select_n3A_248 = arith.select %ne3A_238, %add3A_240, %add3A_247 : vector<1x10xi1>, vector<1x10xf32>
    %add3A_249 = arith.addf %add3A_222, %select_n3A_248 : vector<1x10xf32>
    %get3A_250 = arith.constant 0 : index
    %get3A_251 = arith.constant 8 : index
    %get3A_252 = vector.load %arg3[%get3A_250, %get3A_251] : memref<1x32xf32, #tpu.memory_space<vmem>>, vector<1x1xf32>
    %get3A_253 = vector.extract %get3A_252[0, 0] : f32 from vector<1x1xf32>
    %slice3A_254 = vector.extract_strided_slice %dot_general3A_30 {offsets = [8, 0], sizes = [1, 1], strides = [1, 1]} : vector<32x1xf32> to vector<1x1xf32>
    %squeeze3A_255 = vector.extract %slice3A_254[0, 0] : f32 from vector<1x1xf32>
    %mul3A_256 = vector.broadcast %squeeze3A_255 : f32 to vector<1x10xf32>
    %mul3A_257 = arith.mulf %exp3A_41, %mul3A_256 : vector<1x10xf32>
    %add3A_258 = vector.broadcast %get3A_253 : f32 to vector<1x10xf32>
    %add3A_259 = arith.addf %add3A_258, %mul3A_257 : vector<1x10xf32>
    %custom_jvp_call3A_260 = arith.constant 0.000000e+00 : f32
    %max3A_261 = vector.broadcast %custom_jvp_call3A_260 : f32 to vector<1x10xf32>
    %max3A_262 = arith.maximumf %add3A_259, %max3A_261 : vector<1x10xf32>
    %sub3A_263 = vector.broadcast %custom_jvp_call3A_260 : f32 to vector<1x10xf32>
    %sub3A_264 = arith.subf %add3A_259, %sub3A_263 : vector<1x10xf32>
    %ne3A_265 = arith.cmpf one, %sub3A_264, %sub3A_264 : vector<1x10xf32>
    %add3A_266 = vector.broadcast %custom_jvp_call3A_260 : f32 to vector<1x10xf32>
    %add3A_267 = arith.addf %add3A_259, %add3A_266 : vector<1x10xf32>
    %abs3A_268 = math.absf %sub3A_264 : vector<1x10xf32>
    %neg3A_269 = arith.constant 0.000000e+00 : f32
    %neg3A_270 = vector.broadcast %neg3A_269 : f32 to vector<1x10xf32>
    %neg3A_271 = arith.subf %neg3A_270, %abs3A_268 : vector<1x10xf32>
    %exp3A_272 = math.exp %neg3A_271 : vector<1x10xf32>
    %log1p3A_273 = math.log1p %exp3A_272 : vector<1x10xf32>
    %add3A_274 = arith.addf %max3A_262, %log1p3A_273 : vector<1x10xf32>
    %select_n3A_275 = arith.select %ne3A_265, %add3A_267, %add3A_274 : vector<1x10xi1>, vector<1x10xf32>
    %add3A_276 = arith.addf %add3A_249, %select_n3A_275 : vector<1x10xf32>
    %get3A_277 = arith.constant 0 : index
    %get3A_278 = arith.constant 9 : index
    %get3A_279 = vector.load %arg3[%get3A_277, %get3A_278] : memref<1x32xf32, #tpu.memory_space<vmem>>, vector<1x1xf32>
    %get3A_280 = vector.extract %get3A_279[0, 0] : f32 from vector<1x1xf32>
    %slice3A_281 = vector.extract_strided_slice %dot_general3A_30 {offsets = [9, 0], sizes = [1, 1], strides = [1, 1]} : vector<32x1xf32> to vector<1x1xf32>
    %squeeze3A_282 = vector.extract %slice3A_281[0, 0] : f32 from vector<1x1xf32>
    %mul3A_283 = vector.broadcast %squeeze3A_282 : f32 to vector<1x10xf32>
    %mul3A_284 = arith.mulf %exp3A_41, %mul3A_283 : vector<1x10xf32>
    %add3A_285 = vector.broadcast %get3A_280 : f32 to vector<1x10xf32>
    %add3A_286 = arith.addf %add3A_285, %mul3A_284 : vector<1x10xf32>
    %custom_jvp_call3A_287 = arith.constant 0.000000e+00 : f32
    %max3A_288 = vector.broadcast %custom_jvp_call3A_287 : f32 to vector<1x10xf32>
    %max3A_289 = arith.maximumf %add3A_286, %max3A_288 : vector<1x10xf32>
    %sub3A_290 = vector.broadcast %custom_jvp_call3A_287 : f32 to vector<1x10xf32>
    %sub3A_291 = arith.subf %add3A_286, %sub3A_290 : vector<1x10xf32>
    %ne3A_292 = arith.cmpf one, %sub3A_291, %sub3A_291 : vector<1x10xf32>
    %add3A_293 = vector.broadcast %custom_jvp_call3A_287 : f32 to vector<1x10xf32>
    %add3A_294 = arith.addf %add3A_286, %add3A_293 : vector<1x10xf32>
    %abs3A_295 = math.absf %sub3A_291 : vector<1x10xf32>
    %neg3A_296 = arith.constant 0.000000e+00 : f32
    %neg3A_297 = vector.broadcast %neg3A_296 : f32 to vector<1x10xf32>
    %neg3A_298 = arith.subf %neg3A_297, %abs3A_295 : vector<1x10xf32>
    %exp3A_299 = math.exp %neg3A_298 : vector<1x10xf32>
    %log1p3A_300 = math.log1p %exp3A_299 : vector<1x10xf32>
    %add3A_301 = arith.addf %max3A_289, %log1p3A_300 : vector<1x10xf32>
    %select_n3A_302 = arith.select %ne3A_292, %add3A_294, %add3A_301 : vector<1x10xi1>, vector<1x10xf32>
    %add3A_303 = arith.addf %add3A_276, %select_n3A_302 : vector<1x10xf32>
    %get3A_304 = arith.constant 0 : index
    %get3A_305 = arith.constant 10 : index
    %get3A_306 = vector.load %arg3[%get3A_304, %get3A_305] : memref<1x32xf32, #tpu.memory_space<vmem>>, vector<1x1xf32>
    %get3A_307 = vector.extract %get3A_306[0, 0] : f32 from vector<1x1xf32>
    %slice3A_308 = vector.extract_strided_slice %dot_general3A_30 {offsets = [10, 0], sizes = [1, 1], strides = [1, 1]} : vector<32x1xf32> to vector<1x1xf32>
    %squeeze3A_309 = vector.extract %slice3A_308[0, 0] : f32 from vector<1x1xf32>
    %mul3A_310 = vector.broadcast %squeeze3A_309 : f32 to vector<1x10xf32>
    %mul3A_311 = arith.mulf %exp3A_41, %mul3A_310 : vector<1x10xf32>
    %add3A_312 = vector.broadcast %get3A_307 : f32 to vector<1x10xf32>
    %add3A_313 = arith.addf %add3A_312, %mul3A_311 : vector<1x10xf32>
    %custom_jvp_call3A_314 = arith.constant 0.000000e+00 : f32
    %max3A_315 = vector.broadcast %custom_jvp_call3A_314 : f32 to vector<1x10xf32>
    %max3A_316 = arith.maximumf %add3A_313, %max3A_315 : vector<1x10xf32>
    %sub3A_317 = vector.broadcast %custom_jvp_call3A_314 : f32 to vector<1x10xf32>
    %sub3A_318 = arith.subf %add3A_313, %sub3A_317 : vector<1x10xf32>
    %ne3A_319 = arith.cmpf one, %sub3A_318, %sub3A_318 : vector<1x10xf32>
    %add3A_320 = vector.broadcast %custom_jvp_call3A_314 : f32 to vector<1x10xf32>
    %add3A_321 = arith.addf %add3A_313, %add3A_320 : vector<1x10xf32>
    %abs3A_322 = math.absf %sub3A_318 : vector<1x10xf32>
    %neg3A_323 = arith.constant 0.000000e+00 : f32
    %neg3A_324 = vector.broadcast %neg3A_323 : f32 to vector<1x10xf32>
    %neg3A_325 = arith.subf %neg3A_324, %abs3A_322 : vector<1x10xf32>
    %exp3A_326 = math.exp %neg3A_325 : vector<1x10xf32>
    %log1p3A_327 = math.log1p %exp3A_326 : vector<1x10xf32>
    %add3A_328 = arith.addf %max3A_316, %log1p3A_327 : vector<1x10xf32>
    %select_n3A_329 = arith.select %ne3A_319, %add3A_321, %add3A_328 : vector<1x10xi1>, vector<1x10xf32>
    %add3A_330 = arith.addf %add3A_303, %select_n3A_329 : vector<1x10xf32>
    %get3A_331 = arith.constant 0 : index
    %get3A_332 = arith.constant 11 : index
    %get3A_333 = vector.load %arg3[%get3A_331, %get3A_332] : memref<1x32xf32, #tpu.memory_space<vmem>>, vector<1x1xf32>
    %get3A_334 = vector.extract %get3A_333[0, 0] : f32 from vector<1x1xf32>
    %slice3A_335 = vector.extract_strided_slice %dot_general3A_30 {offsets = [11, 0], sizes = [1, 1], strides = [1, 1]} : vector<32x1xf32> to vector<1x1xf32>
    %squeeze3A_336 = vector.extract %slice3A_335[0, 0] : f32 from vector<1x1xf32>
    %mul3A_337 = vector.broadcast %squeeze3A_336 : f32 to vector<1x10xf32>
    %mul3A_338 = arith.mulf %exp3A_41, %mul3A_337 : vector<1x10xf32>
    %add3A_339 = vector.broadcast %get3A_334 : f32 to vector<1x10xf32>
    %add3A_340 = arith.addf %add3A_339, %mul3A_338 : vector<1x10xf32>
    %custom_jvp_call3A_341 = arith.constant 0.000000e+00 : f32
    %max3A_342 = vector.broadcast %custom_jvp_call3A_341 : f32 to vector<1x10xf32>
    %max3A_343 = arith.maximumf %add3A_340, %max3A_342 : vector<1x10xf32>
    %sub3A_344 = vector.broadcast %custom_jvp_call3A_341 : f32 to vector<1x10xf32>
    %sub3A_345 = arith.subf %add3A_340, %sub3A_344 : vector<1x10xf32>
    %ne3A_346 = arith.cmpf one, %sub3A_345, %sub3A_345 : vector<1x10xf32>
    %add3A_347 = vector.broadcast %custom_jvp_call3A_341 : f32 to vector<1x10xf32>
    %add3A_348 = arith.addf %add3A_340, %add3A_347 : vector<1x10xf32>
    %abs3A_349 = math.absf %sub3A_345 : vector<1x10xf32>
    %neg3A_350 = arith.constant 0.000000e+00 : f32
    %neg3A_351 = vector.broadcast %neg3A_350 : f32 to vector<1x10xf32>
    %neg3A_352 = arith.subf %neg3A_351, %abs3A_349 : vector<1x10xf32>
    %exp3A_353 = math.exp %neg3A_352 : vector<1x10xf32>
    %log1p3A_354 = math.log1p %exp3A_353 : vector<1x10xf32>
    %add3A_355 = arith.addf %max3A_343, %log1p3A_354 : vector<1x10xf32>
    %select_n3A_356 = arith.select %ne3A_346, %add3A_348, %add3A_355 : vector<1x10xi1>, vector<1x10xf32>
    %add3A_357 = arith.addf %add3A_330, %select_n3A_356 : vector<1x10xf32>
    %get3A_358 = arith.constant 0 : index
    %get3A_359 = arith.constant 12 : index
    %get3A_360 = vector.load %arg3[%get3A_358, %get3A_359] : memref<1x32xf32, #tpu.memory_space<vmem>>, vector<1x1xf32>
    %get3A_361 = vector.extract %get3A_360[0, 0] : f32 from vector<1x1xf32>
    %slice3A_362 = vector.extract_strided_slice %dot_general3A_30 {offsets = [12, 0], sizes = [1, 1], strides = [1, 1]} : vector<32x1xf32> to vector<1x1xf32>
    %squeeze3A_363 = vector.extract %slice3A_362[0, 0] : f32 from vector<1x1xf32>
    %mul3A_364 = vector.broadcast %squeeze3A_363 : f32 to vector<1x10xf32>
    %mul3A_365 = arith.mulf %exp3A_41, %mul3A_364 : vector<1x10xf32>
    %add3A_366 = vector.broadcast %get3A_361 : f32 to vector<1x10xf32>
    %add3A_367 = arith.addf %add3A_366, %mul3A_365 : vector<1x10xf32>
    %custom_jvp_call3A_368 = arith.constant 0.000000e+00 : f32
    %max3A_369 = vector.broadcast %custom_jvp_call3A_368 : f32 to vector<1x10xf32>
    %max3A_370 = arith.maximumf %add3A_367, %max3A_369 : vector<1x10xf32>
    %sub3A_371 = vector.broadcast %custom_jvp_call3A_368 : f32 to vector<1x10xf32>
    %sub3A_372 = arith.subf %add3A_367, %sub3A_371 : vector<1x10xf32>
    %ne3A_373 = arith.cmpf one, %sub3A_372, %sub3A_372 : vector<1x10xf32>
    %add3A_374 = vector.broadcast %custom_jvp_call3A_368 : f32 to vector<1x10xf32>
    %add3A_375 = arith.addf %add3A_367, %add3A_374 : vector<1x10xf32>
    %abs3A_376 = math.absf %sub3A_372 : vector<1x10xf32>
    %neg3A_377 = arith.constant 0.000000e+00 : f32
    %neg3A_378 = vector.broadcast %neg3A_377 : f32 to vector<1x10xf32>
    %neg3A_379 = arith.subf %neg3A_378, %abs3A_376 : vector<1x10xf32>
    %exp3A_380 = math.exp %neg3A_379 : vector<1x10xf32>
    %log1p3A_381 = math.log1p %exp3A_380 : vector<1x10xf32>
    %add3A_382 = arith.addf %max3A_370, %log1p3A_381 : vector<1x10xf32>
    %select_n3A_383 = arith.select %ne3A_373, %add3A_375, %add3A_382 : vector<1x10xi1>, vector<1x10xf32>
    %add3A_384 = arith.addf %add3A_357, %select_n3A_383 : vector<1x10xf32>
    %get3A_385 = arith.constant 0 : index
    %get3A_386 = arith.constant 13 : index
    %get3A_387 = vector.load %arg3[%get3A_385, %get3A_386] : memref<1x32xf32, #tpu.memory_space<vmem>>, vector<1x1xf32>
    %get3A_388 = vector.extract %get3A_387[0, 0] : f32 from vector<1x1xf32>
    %slice3A_389 = vector.extract_strided_slice %dot_general3A_30 {offsets = [13, 0], sizes = [1, 1], strides = [1, 1]} : vector<32x1xf32> to vector<1x1xf32>
    %squeeze3A_390 = vector.extract %slice3A_389[0, 0] : f32 from vector<1x1xf32>
    %mul3A_391 = vector.broadcast %squeeze3A_390 : f32 to vector<1x10xf32>
    %mul3A_392 = arith.mulf %exp3A_41, %mul3A_391 : vector<1x10xf32>
    %add3A_393 = vector.broadcast %get3A_388 : f32 to vector<1x10xf32>
    %add3A_394 = arith.addf %add3A_393, %mul3A_392 : vector<1x10xf32>
    %custom_jvp_call3A_395 = arith.constant 0.000000e+00 : f32
    %max3A_396 = vector.broadcast %custom_jvp_call3A_395 : f32 to vector<1x10xf32>
    %max3A_397 = arith.maximumf %add3A_394, %max3A_396 : vector<1x10xf32>
    %sub3A_398 = vector.broadcast %custom_jvp_call3A_395 : f32 to vector<1x10xf32>
    %sub3A_399 = arith.subf %add3A_394, %sub3A_398 : vector<1x10xf32>
    %ne3A_400 = arith.cmpf one, %sub3A_399, %sub3A_399 : vector<1x10xf32>
    %add3A_401 = vector.broadcast %custom_jvp_call3A_395 : f32 to vector<1x10xf32>
    %add3A_402 = arith.addf %add3A_394, %add3A_401 : vector<1x10xf32>
    %abs3A_403 = math.absf %sub3A_399 : vector<1x10xf32>
    %neg3A_404 = arith.constant 0.000000e+00 : f32
    %neg3A_405 = vector.broadcast %neg3A_404 : f32 to vector<1x10xf32>
    %neg3A_406 = arith.subf %neg3A_405, %abs3A_403 : vector<1x10xf32>
    %exp3A_407 = math.exp %neg3A_406 : vector<1x10xf32>
    %log1p3A_408 = math.log1p %exp3A_407 : vector<1x10xf32>
    %add3A_409 = arith.addf %max3A_397, %log1p3A_408 : vector<1x10xf32>
    %select_n3A_410 = arith.select %ne3A_400, %add3A_402, %add3A_409 : vector<1x10xi1>, vector<1x10xf32>
    %add3A_411 = arith.addf %add3A_384, %select_n3A_410 : vector<1x10xf32>
    %get3A_412 = arith.constant 0 : index
    %get3A_413 = arith.constant 14 : index
    %get3A_414 = vector.load %arg3[%get3A_412, %get3A_413] : memref<1x32xf32, #tpu.memory_space<vmem>>, vector<1x1xf32>
    %get3A_415 = vector.extract %get3A_414[0, 0] : f32 from vector<1x1xf32>
    %slice3A_416 = vector.extract_strided_slice %dot_general3A_30 {offsets = [14, 0], sizes = [1, 1], strides = [1, 1]} : vector<32x1xf32> to vector<1x1xf32>
    %squeeze3A_417 = vector.extract %slice3A_416[0, 0] : f32 from vector<1x1xf32>
    %mul3A_418 = vector.broadcast %squeeze3A_417 : f32 to vector<1x10xf32>
    %mul3A_419 = arith.mulf %exp3A_41, %mul3A_418 : vector<1x10xf32>
    %add3A_420 = vector.broadcast %get3A_415 : f32 to vector<1x10xf32>
    %add3A_421 = arith.addf %add3A_420, %mul3A_419 : vector<1x10xf32>
    %custom_jvp_call3A_422 = arith.constant 0.000000e+00 : f32
    %max3A_423 = vector.broadcast %custom_jvp_call3A_422 : f32 to vector<1x10xf32>
    %max3A_424 = arith.maximumf %add3A_421, %max3A_423 : vector<1x10xf32>
    %sub3A_425 = vector.broadcast %custom_jvp_call3A_422 : f32 to vector<1x10xf32>
    %sub3A_426 = arith.subf %add3A_421, %sub3A_425 : vector<1x10xf32>
    %ne3A_427 = arith.cmpf one, %sub3A_426, %sub3A_426 : vector<1x10xf32>
    %add3A_428 = vector.broadcast %custom_jvp_call3A_422 : f32 to vector<1x10xf32>
    %add3A_429 = arith.addf %add3A_421, %add3A_428 : vector<1x10xf32>
    %abs3A_430 = math.absf %sub3A_426 : vector<1x10xf32>
    %neg3A_431 = arith.constant 0.000000e+00 : f32
    %neg3A_432 = vector.broadcast %neg3A_431 : f32 to vector<1x10xf32>
    %neg3A_433 = arith.subf %neg3A_432, %abs3A_430 : vector<1x10xf32>
    %exp3A_434 = math.exp %neg3A_433 : vector<1x10xf32>
    %log1p3A_435 = math.log1p %exp3A_434 : vector<1x10xf32>
    %add3A_436 = arith.addf %max3A_424, %log1p3A_435 : vector<1x10xf32>
    %select_n3A_437 = arith.select %ne3A_427, %add3A_429, %add3A_436 : vector<1x10xi1>, vector<1x10xf32>
    %add3A_438 = arith.addf %add3A_411, %select_n3A_437 : vector<1x10xf32>
    %get3A_439 = arith.constant 0 : index
    %get3A_440 = arith.constant 15 : index
    %get3A_441 = vector.load %arg3[%get3A_439, %get3A_440] : memref<1x32xf32, #tpu.memory_space<vmem>>, vector<1x1xf32>
    %get3A_442 = vector.extract %get3A_441[0, 0] : f32 from vector<1x1xf32>
    %slice3A_443 = vector.extract_strided_slice %dot_general3A_30 {offsets = [15, 0], sizes = [1, 1], strides = [1, 1]} : vector<32x1xf32> to vector<1x1xf32>
    %squeeze3A_444 = vector.extract %slice3A_443[0, 0] : f32 from vector<1x1xf32>
    %mul3A_445 = vector.broadcast %squeeze3A_444 : f32 to vector<1x10xf32>
    %mul3A_446 = arith.mulf %exp3A_41, %mul3A_445 : vector<1x10xf32>
    %add3A_447 = vector.broadcast %get3A_442 : f32 to vector<1x10xf32>
    %add3A_448 = arith.addf %add3A_447, %mul3A_446 : vector<1x10xf32>
    %custom_jvp_call3A_449 = arith.constant 0.000000e+00 : f32
    %max3A_450 = vector.broadcast %custom_jvp_call3A_449 : f32 to vector<1x10xf32>
    %max3A_451 = arith.maximumf %add3A_448, %max3A_450 : vector<1x10xf32>
    %sub3A_452 = vector.broadcast %custom_jvp_call3A_449 : f32 to vector<1x10xf32>
    %sub3A_453 = arith.subf %add3A_448, %sub3A_452 : vector<1x10xf32>
    %ne3A_454 = arith.cmpf one, %sub3A_453, %sub3A_453 : vector<1x10xf32>
    %add3A_455 = vector.broadcast %custom_jvp_call3A_449 : f32 to vector<1x10xf32>
    %add3A_456 = arith.addf %add3A_448, %add3A_455 : vector<1x10xf32>
    %abs3A_457 = math.absf %sub3A_453 : vector<1x10xf32>
    %neg3A_458 = arith.constant 0.000000e+00 : f32
    %neg3A_459 = vector.broadcast %neg3A_458 : f32 to vector<1x10xf32>
    %neg3A_460 = arith.subf %neg3A_459, %abs3A_457 : vector<1x10xf32>
    %exp3A_461 = math.exp %neg3A_460 : vector<1x10xf32>
    %log1p3A_462 = math.log1p %exp3A_461 : vector<1x10xf32>
    %add3A_463 = arith.addf %max3A_451, %log1p3A_462 : vector<1x10xf32>
    %select_n3A_464 = arith.select %ne3A_454, %add3A_456, %add3A_463 : vector<1x10xi1>, vector<1x10xf32>
    %add3A_465 = arith.addf %add3A_438, %select_n3A_464 : vector<1x10xf32>
    %get3A_466 = arith.constant 0 : index
    %get3A_467 = arith.constant 16 : index
    %get3A_468 = vector.load %arg3[%get3A_466, %get3A_467] : memref<1x32xf32, #tpu.memory_space<vmem>>, vector<1x1xf32>
    %get3A_469 = vector.extract %get3A_468[0, 0] : f32 from vector<1x1xf32>
    %slice3A_470 = vector.extract_strided_slice %dot_general3A_30 {offsets = [16, 0], sizes = [1, 1], strides = [1, 1]} : vector<32x1xf32> to vector<1x1xf32>
    %squeeze3A_471 = vector.extract %slice3A_470[0, 0] : f32 from vector<1x1xf32>
    %mul3A_472 = vector.broadcast %squeeze3A_471 : f32 to vector<1x10xf32>
    %mul3A_473 = arith.mulf %exp3A_41, %mul3A_472 : vector<1x10xf32>
    %add3A_474 = vector.broadcast %get3A_469 : f32 to vector<1x10xf32>
    %add3A_475 = arith.addf %add3A_474, %mul3A_473 : vector<1x10xf32>
    %custom_jvp_call3A_476 = arith.constant 0.000000e+00 : f32
    %max3A_477 = vector.broadcast %custom_jvp_call3A_476 : f32 to vector<1x10xf32>
    %max3A_478 = arith.maximumf %add3A_475, %max3A_477 : vector<1x10xf32>
    %sub3A_479 = vector.broadcast %custom_jvp_call3A_476 : f32 to vector<1x10xf32>
    %sub3A_480 = arith.subf %add3A_475, %sub3A_479 : vector<1x10xf32>
    %ne3A_481 = arith.cmpf one, %sub3A_480, %sub3A_480 : vector<1x10xf32>
    %add3A_482 = vector.broadcast %custom_jvp_call3A_476 : f32 to vector<1x10xf32>
    %add3A_483 = arith.addf %add3A_475, %add3A_482 : vector<1x10xf32>
    %abs3A_484 = math.absf %sub3A_480 : vector<1x10xf32>
    %neg3A_485 = arith.constant 0.000000e+00 : f32
    %neg3A_486 = vector.broadcast %neg3A_485 : f32 to vector<1x10xf32>
    %neg3A_487 = arith.subf %neg3A_486, %abs3A_484 : vector<1x10xf32>
    %exp3A_488 = math.exp %neg3A_487 : vector<1x10xf32>
    %log1p3A_489 = math.log1p %exp3A_488 : vector<1x10xf32>
    %add3A_490 = arith.addf %max3A_478, %log1p3A_489 : vector<1x10xf32>
    %select_n3A_491 = arith.select %ne3A_481, %add3A_483, %add3A_490 : vector<1x10xi1>, vector<1x10xf32>
    %add3A_492 = arith.addf %add3A_465, %select_n3A_491 : vector<1x10xf32>
    %get3A_493 = arith.constant 0 : index
    %get3A_494 = arith.constant 17 : index
    %get3A_495 = vector.load %arg3[%get3A_493, %get3A_494] : memref<1x32xf32, #tpu.memory_space<vmem>>, vector<1x1xf32>
    %get3A_496 = vector.extract %get3A_495[0, 0] : f32 from vector<1x1xf32>
    %slice3A_497 = vector.extract_strided_slice %dot_general3A_30 {offsets = [17, 0], sizes = [1, 1], strides = [1, 1]} : vector<32x1xf32> to vector<1x1xf32>
    %squeeze3A_498 = vector.extract %slice3A_497[0, 0] : f32 from vector<1x1xf32>
    %mul3A_499 = vector.broadcast %squeeze3A_498 : f32 to vector<1x10xf32>
    %mul3A_500 = arith.mulf %exp3A_41, %mul3A_499 : vector<1x10xf32>
    %add3A_501 = vector.broadcast %get3A_496 : f32 to vector<1x10xf32>
    %add3A_502 = arith.addf %add3A_501, %mul3A_500 : vector<1x10xf32>
    %custom_jvp_call3A_503 = arith.constant 0.000000e+00 : f32
    %max3A_504 = vector.broadcast %custom_jvp_call3A_503 : f32 to vector<1x10xf32>
    %max3A_505 = arith.maximumf %add3A_502, %max3A_504 : vector<1x10xf32>
    %sub3A_506 = vector.broadcast %custom_jvp_call3A_503 : f32 to vector<1x10xf32>
    %sub3A_507 = arith.subf %add3A_502, %sub3A_506 : vector<1x10xf32>
    %ne3A_508 = arith.cmpf one, %sub3A_507, %sub3A_507 : vector<1x10xf32>
    %add3A_509 = vector.broadcast %custom_jvp_call3A_503 : f32 to vector<1x10xf32>
    %add3A_510 = arith.addf %add3A_502, %add3A_509 : vector<1x10xf32>
    %abs3A_511 = math.absf %sub3A_507 : vector<1x10xf32>
    %neg3A_512 = arith.constant 0.000000e+00 : f32
    %neg3A_513 = vector.broadcast %neg3A_512 : f32 to vector<1x10xf32>
    %neg3A_514 = arith.subf %neg3A_513, %abs3A_511 : vector<1x10xf32>
    %exp3A_515 = math.exp %neg3A_514 : vector<1x10xf32>
    %log1p3A_516 = math.log1p %exp3A_515 : vector<1x10xf32>
    %add3A_517 = arith.addf %max3A_505, %log1p3A_516 : vector<1x10xf32>
    %select_n3A_518 = arith.select %ne3A_508, %add3A_510, %add3A_517 : vector<1x10xi1>, vector<1x10xf32>
    %add3A_519 = arith.addf %add3A_492, %select_n3A_518 : vector<1x10xf32>
    %get3A_520 = arith.constant 0 : index
    %get3A_521 = arith.constant 18 : index
    %get3A_522 = vector.load %arg3[%get3A_520, %get3A_521] : memref<1x32xf32, #tpu.memory_space<vmem>>, vector<1x1xf32>
    %get3A_523 = vector.extract %get3A_522[0, 0] : f32 from vector<1x1xf32>
    %slice3A_524 = vector.extract_strided_slice %dot_general3A_30 {offsets = [18, 0], sizes = [1, 1], strides = [1, 1]} : vector<32x1xf32> to vector<1x1xf32>
    %squeeze3A_525 = vector.extract %slice3A_524[0, 0] : f32 from vector<1x1xf32>
    %mul3A_526 = vector.broadcast %squeeze3A_525 : f32 to vector<1x10xf32>
    %mul3A_527 = arith.mulf %exp3A_41, %mul3A_526 : vector<1x10xf32>
    %add3A_528 = vector.broadcast %get3A_523 : f32 to vector<1x10xf32>
    %add3A_529 = arith.addf %add3A_528, %mul3A_527 : vector<1x10xf32>
    %custom_jvp_call3A_530 = arith.constant 0.000000e+00 : f32
    %max3A_531 = vector.broadcast %custom_jvp_call3A_530 : f32 to vector<1x10xf32>
    %max3A_532 = arith.maximumf %add3A_529, %max3A_531 : vector<1x10xf32>
    %sub3A_533 = vector.broadcast %custom_jvp_call3A_530 : f32 to vector<1x10xf32>
    %sub3A_534 = arith.subf %add3A_529, %sub3A_533 : vector<1x10xf32>
    %ne3A_535 = arith.cmpf one, %sub3A_534, %sub3A_534 : vector<1x10xf32>
    %add3A_536 = vector.broadcast %custom_jvp_call3A_530 : f32 to vector<1x10xf32>
    %add3A_537 = arith.addf %add3A_529, %add3A_536 : vector<1x10xf32>
    %abs3A_538 = math.absf %sub3A_534 : vector<1x10xf32>
    %neg3A_539 = arith.constant 0.000000e+00 : f32
    %neg3A_540 = vector.broadcast %neg3A_539 : f32 to vector<1x10xf32>
    %neg3A_541 = arith.subf %neg3A_540, %abs3A_538 : vector<1x10xf32>
    %exp3A_542 = math.exp %neg3A_541 : vector<1x10xf32>
    %log1p3A_543 = math.log1p %exp3A_542 : vector<1x10xf32>
    %add3A_544 = arith.addf %max3A_532, %log1p3A_543 : vector<1x10xf32>
    %select_n3A_545 = arith.select %ne3A_535, %add3A_537, %add3A_544 : vector<1x10xi1>, vector<1x10xf32>
    %add3A_546 = arith.addf %add3A_519, %select_n3A_545 : vector<1x10xf32>
    %get3A_547 = arith.constant 0 : index
    %get3A_548 = arith.constant 19 : index
    %get3A_549 = vector.load %arg3[%get3A_547, %get3A_548] : memref<1x32xf32, #tpu.memory_space<vmem>>, vector<1x1xf32>
    %get3A_550 = vector.extract %get3A_549[0, 0] : f32 from vector<1x1xf32>
    %slice3A_551 = vector.extract_strided_slice %dot_general3A_30 {offsets = [19, 0], sizes = [1, 1], strides = [1, 1]} : vector<32x1xf32> to vector<1x1xf32>
    %squeeze3A_552 = vector.extract %slice3A_551[0, 0] : f32 from vector<1x1xf32>
    %mul3A_553 = vector.broadcast %squeeze3A_552 : f32 to vector<1x10xf32>
    %mul3A_554 = arith.mulf %exp3A_41, %mul3A_553 : vector<1x10xf32>
    %add3A_555 = vector.broadcast %get3A_550 : f32 to vector<1x10xf32>
    %add3A_556 = arith.addf %add3A_555, %mul3A_554 : vector<1x10xf32>
    %custom_jvp_call3A_557 = arith.constant 0.000000e+00 : f32
    %max3A_558 = vector.broadcast %custom_jvp_call3A_557 : f32 to vector<1x10xf32>
    %max3A_559 = arith.maximumf %add3A_556, %max3A_558 : vector<1x10xf32>
    %sub3A_560 = vector.broadcast %custom_jvp_call3A_557 : f32 to vector<1x10xf32>
    %sub3A_561 = arith.subf %add3A_556, %sub3A_560 : vector<1x10xf32>
    %ne3A_562 = arith.cmpf one, %sub3A_561, %sub3A_561 : vector<1x10xf32>
    %add3A_563 = vector.broadcast %custom_jvp_call3A_557 : f32 to vector<1x10xf32>
    %add3A_564 = arith.addf %add3A_556, %add3A_563 : vector<1x10xf32>
    %abs3A_565 = math.absf %sub3A_561 : vector<1x10xf32>
    %neg3A_566 = arith.constant 0.000000e+00 : f32
    %neg3A_567 = vector.broadcast %neg3A_566 : f32 to vector<1x10xf32>
    %neg3A_568 = arith.subf %neg3A_567, %abs3A_565 : vector<1x10xf32>
    %exp3A_569 = math.exp %neg3A_568 : vector<1x10xf32>
    %log1p3A_570 = math.log1p %exp3A_569 : vector<1x10xf32>
    %add3A_571 = arith.addf %max3A_559, %log1p3A_570 : vector<1x10xf32>
    %select_n3A_572 = arith.select %ne3A_562, %add3A_564, %add3A_571 : vector<1x10xi1>, vector<1x10xf32>
    %add3A_573 = arith.addf %add3A_546, %select_n3A_572 : vector<1x10xf32>
    %get3A_574 = arith.constant 0 : index
    %get3A_575 = arith.constant 20 : index
    %get3A_576 = vector.load %arg3[%get3A_574, %get3A_575] : memref<1x32xf32, #tpu.memory_space<vmem>>, vector<1x1xf32>
    %get3A_577 = vector.extract %get3A_576[0, 0] : f32 from vector<1x1xf32>
    %slice3A_578 = vector.extract_strided_slice %dot_general3A_30 {offsets = [20, 0], sizes = [1, 1], strides = [1, 1]} : vector<32x1xf32> to vector<1x1xf32>
    %squeeze3A_579 = vector.extract %slice3A_578[0, 0] : f32 from vector<1x1xf32>
    %mul3A_580 = vector.broadcast %squeeze3A_579 : f32 to vector<1x10xf32>
    %mul3A_581 = arith.mulf %exp3A_41, %mul3A_580 : vector<1x10xf32>
    %add3A_582 = vector.broadcast %get3A_577 : f32 to vector<1x10xf32>
    %add3A_583 = arith.addf %add3A_582, %mul3A_581 : vector<1x10xf32>
    %custom_jvp_call3A_584 = arith.constant 0.000000e+00 : f32
    %max3A_585 = vector.broadcast %custom_jvp_call3A_584 : f32 to vector<1x10xf32>
    %max3A_586 = arith.maximumf %add3A_583, %max3A_585 : vector<1x10xf32>
    %sub3A_587 = vector.broadcast %custom_jvp_call3A_584 : f32 to vector<1x10xf32>
    %sub3A_588 = arith.subf %add3A_583, %sub3A_587 : vector<1x10xf32>
    %ne3A_589 = arith.cmpf one, %sub3A_588, %sub3A_588 : vector<1x10xf32>
    %add3A_590 = vector.broadcast %custom_jvp_call3A_584 : f32 to vector<1x10xf32>
    %add3A_591 = arith.addf %add3A_583, %add3A_590 : vector<1x10xf32>
    %abs3A_592 = math.absf %sub3A_588 : vector<1x10xf32>
    %neg3A_593 = arith.constant 0.000000e+00 : f32
    %neg3A_594 = vector.broadcast %neg3A_593 : f32 to vector<1x10xf32>
    %neg3A_595 = arith.subf %neg3A_594, %abs3A_592 : vector<1x10xf32>
    %exp3A_596 = math.exp %neg3A_595 : vector<1x10xf32>
    %log1p3A_597 = math.log1p %exp3A_596 : vector<1x10xf32>
    %add3A_598 = arith.addf %max3A_586, %log1p3A_597 : vector<1x10xf32>
    %select_n3A_599 = arith.select %ne3A_589, %add3A_591, %add3A_598 : vector<1x10xi1>, vector<1x10xf32>
    %add3A_600 = arith.addf %add3A_573, %select_n3A_599 : vector<1x10xf32>
    %get3A_601 = arith.constant 0 : index
    %get3A_602 = arith.constant 21 : index
    %get3A_603 = vector.load %arg3[%get3A_601, %get3A_602] : memref<1x32xf32, #tpu.memory_space<vmem>>, vector<1x1xf32>
    %get3A_604 = vector.extract %get3A_603[0, 0] : f32 from vector<1x1xf32>
    %slice3A_605 = vector.extract_strided_slice %dot_general3A_30 {offsets = [21, 0], sizes = [1, 1], strides = [1, 1]} : vector<32x1xf32> to vector<1x1xf32>
    %squeeze3A_606 = vector.extract %slice3A_605[0, 0] : f32 from vector<1x1xf32>
    %mul3A_607 = vector.broadcast %squeeze3A_606 : f32 to vector<1x10xf32>
    %mul3A_608 = arith.mulf %exp3A_41, %mul3A_607 : vector<1x10xf32>
    %add3A_609 = vector.broadcast %get3A_604 : f32 to vector<1x10xf32>
    %add3A_610 = arith.addf %add3A_609, %mul3A_608 : vector<1x10xf32>
    %custom_jvp_call3A_611 = arith.constant 0.000000e+00 : f32
    %max3A_612 = vector.broadcast %custom_jvp_call3A_611 : f32 to vector<1x10xf32>
    %max3A_613 = arith.maximumf %add3A_610, %max3A_612 : vector<1x10xf32>
    %sub3A_614 = vector.broadcast %custom_jvp_call3A_611 : f32 to vector<1x10xf32>
    %sub3A_615 = arith.subf %add3A_610, %sub3A_614 : vector<1x10xf32>
    %ne3A_616 = arith.cmpf one, %sub3A_615, %sub3A_615 : vector<1x10xf32>
    %add3A_617 = vector.broadcast %custom_jvp_call3A_611 : f32 to vector<1x10xf32>
    %add3A_618 = arith.addf %add3A_610, %add3A_617 : vector<1x10xf32>
    %abs3A_619 = math.absf %sub3A_615 : vector<1x10xf32>
    %neg3A_620 = arith.constant 0.000000e+00 : f32
    %neg3A_621 = vector.broadcast %neg3A_620 : f32 to vector<1x10xf32>
    %neg3A_622 = arith.subf %neg3A_621, %abs3A_619 : vector<1x10xf32>
    %exp3A_623 = math.exp %neg3A_622 : vector<1x10xf32>
    %log1p3A_624 = math.log1p %exp3A_623 : vector<1x10xf32>
    %add3A_625 = arith.addf %max3A_613, %log1p3A_624 : vector<1x10xf32>
    %select_n3A_626 = arith.select %ne3A_616, %add3A_618, %add3A_625 : vector<1x10xi1>, vector<1x10xf32>
    %add3A_627 = arith.addf %add3A_600, %select_n3A_626 : vector<1x10xf32>
    %get3A_628 = arith.constant 0 : index
    %get3A_629 = arith.constant 22 : index
    %get3A_630 = vector.load %arg3[%get3A_628, %get3A_629] : memref<1x32xf32, #tpu.memory_space<vmem>>, vector<1x1xf32>
    %get3A_631 = vector.extract %get3A_630[0, 0] : f32 from vector<1x1xf32>
    %slice3A_632 = vector.extract_strided_slice %dot_general3A_30 {offsets = [22, 0], sizes = [1, 1], strides = [1, 1]} : vector<32x1xf32> to vector<1x1xf32>
    %squeeze3A_633 = vector.extract %slice3A_632[0, 0] : f32 from vector<1x1xf32>
    %mul3A_634 = vector.broadcast %squeeze3A_633 : f32 to vector<1x10xf32>
    %mul3A_635 = arith.mulf %exp3A_41, %mul3A_634 : vector<1x10xf32>
    %add3A_636 = vector.broadcast %get3A_631 : f32 to vector<1x10xf32>
    %add3A_637 = arith.addf %add3A_636, %mul3A_635 : vector<1x10xf32>
    %custom_jvp_call3A_638 = arith.constant 0.000000e+00 : f32
    %max3A_639 = vector.broadcast %custom_jvp_call3A_638 : f32 to vector<1x10xf32>
    %max3A_640 = arith.maximumf %add3A_637, %max3A_639 : vector<1x10xf32>
    %sub3A_641 = vector.broadcast %custom_jvp_call3A_638 : f32 to vector<1x10xf32>
    %sub3A_642 = arith.subf %add3A_637, %sub3A_641 : vector<1x10xf32>
    %ne3A_643 = arith.cmpf one, %sub3A_642, %sub3A_642 : vector<1x10xf32>
    %add3A_644 = vector.broadcast %custom_jvp_call3A_638 : f32 to vector<1x10xf32>
    %add3A_645 = arith.addf %add3A_637, %add3A_644 : vector<1x10xf32>
    %abs3A_646 = math.absf %sub3A_642 : vector<1x10xf32>
    %neg3A_647 = arith.constant 0.000000e+00 : f32
    %neg3A_648 = vector.broadcast %neg3A_647 : f32 to vector<1x10xf32>
    %neg3A_649 = arith.subf %neg3A_648, %abs3A_646 : vector<1x10xf32>
    %exp3A_650 = math.exp %neg3A_649 : vector<1x10xf32>
    %log1p3A_651 = math.log1p %exp3A_650 : vector<1x10xf32>
    %add3A_652 = arith.addf %max3A_640, %log1p3A_651 : vector<1x10xf32>
    %select_n3A_653 = arith.select %ne3A_643, %add3A_645, %add3A_652 : vector<1x10xi1>, vector<1x10xf32>
    %add3A_654 = arith.addf %add3A_627, %select_n3A_653 : vector<1x10xf32>
    %get3A_655 = arith.constant 0 : index
    %get3A_656 = arith.constant 23 : index
    %get3A_657 = vector.load %arg3[%get3A_655, %get3A_656] : memref<1x32xf32, #tpu.memory_space<vmem>>, vector<1x1xf32>
    %get3A_658 = vector.extract %get3A_657[0, 0] : f32 from vector<1x1xf32>
    %slice3A_659 = vector.extract_strided_slice %dot_general3A_30 {offsets = [23, 0], sizes = [1, 1], strides = [1, 1]} : vector<32x1xf32> to vector<1x1xf32>
    %squeeze3A_660 = vector.extract %slice3A_659[0, 0] : f32 from vector<1x1xf32>
    %mul3A_661 = vector.broadcast %squeeze3A_660 : f32 to vector<1x10xf32>
    %mul3A_662 = arith.mulf %exp3A_41, %mul3A_661 : vector<1x10xf32>
    %add3A_663 = vector.broadcast %get3A_658 : f32 to vector<1x10xf32>
    %add3A_664 = arith.addf %add3A_663, %mul3A_662 : vector<1x10xf32>
    %custom_jvp_call3A_665 = arith.constant 0.000000e+00 : f32
    %max3A_666 = vector.broadcast %custom_jvp_call3A_665 : f32 to vector<1x10xf32>
    %max3A_667 = arith.maximumf %add3A_664, %max3A_666 : vector<1x10xf32>
    %sub3A_668 = vector.broadcast %custom_jvp_call3A_665 : f32 to vector<1x10xf32>
    %sub3A_669 = arith.subf %add3A_664, %sub3A_668 : vector<1x10xf32>
    %ne3A_670 = arith.cmpf one, %sub3A_669, %sub3A_669 : vector<1x10xf32>
    %add3A_671 = vector.broadcast %custom_jvp_call3A_665 : f32 to vector<1x10xf32>
    %add3A_672 = arith.addf %add3A_664, %add3A_671 : vector<1x10xf32>
    %abs3A_673 = math.absf %sub3A_669 : vector<1x10xf32>
    %neg3A_674 = arith.constant 0.000000e+00 : f32
    %neg3A_675 = vector.broadcast %neg3A_674 : f32 to vector<1x10xf32>
    %neg3A_676 = arith.subf %neg3A_675, %abs3A_673 : vector<1x10xf32>
    %exp3A_677 = math.exp %neg3A_676 : vector<1x10xf32>
    %log1p3A_678 = math.log1p %exp3A_677 : vector<1x10xf32>
    %add3A_679 = arith.addf %max3A_667, %log1p3A_678 : vector<1x10xf32>
    %select_n3A_680 = arith.select %ne3A_670, %add3A_672, %add3A_679 : vector<1x10xi1>, vector<1x10xf32>
    %add3A_681 = arith.addf %add3A_654, %select_n3A_680 : vector<1x10xf32>
    %get3A_682 = arith.constant 0 : index
    %get3A_683 = arith.constant 24 : index
    %get3A_684 = vector.load %arg3[%get3A_682, %get3A_683] : memref<1x32xf32, #tpu.memory_space<vmem>>, vector<1x1xf32>
    %get3A_685 = vector.extract %get3A_684[0, 0] : f32 from vector<1x1xf32>
    %slice3A_686 = vector.extract_strided_slice %dot_general3A_30 {offsets = [24, 0], sizes = [1, 1], strides = [1, 1]} : vector<32x1xf32> to vector<1x1xf32>
    %squeeze3A_687 = vector.extract %slice3A_686[0, 0] : f32 from vector<1x1xf32>
    %mul3A_688 = vector.broadcast %squeeze3A_687 : f32 to vector<1x10xf32>
    %mul3A_689 = arith.mulf %exp3A_41, %mul3A_688 : vector<1x10xf32>
    %add3A_690 = vector.broadcast %get3A_685 : f32 to vector<1x10xf32>
    %add3A_691 = arith.addf %add3A_690, %mul3A_689 : vector<1x10xf32>
    %custom_jvp_call3A_692 = arith.constant 0.000000e+00 : f32
    %max3A_693 = vector.broadcast %custom_jvp_call3A_692 : f32 to vector<1x10xf32>
    %max3A_694 = arith.maximumf %add3A_691, %max3A_693 : vector<1x10xf32>
    %sub3A_695 = vector.broadcast %custom_jvp_call3A_692 : f32 to vector<1x10xf32>
    %sub3A_696 = arith.subf %add3A_691, %sub3A_695 : vector<1x10xf32>
    %ne3A_697 = arith.cmpf one, %sub3A_696, %sub3A_696 : vector<1x10xf32>
    %add3A_698 = vector.broadcast %custom_jvp_call3A_692 : f32 to vector<1x10xf32>
    %add3A_699 = arith.addf %add3A_691, %add3A_698 : vector<1x10xf32>
    %abs3A_700 = math.absf %sub3A_696 : vector<1x10xf32>
    %neg3A_701 = arith.constant 0.000000e+00 : f32
    %neg3A_702 = vector.broadcast %neg3A_701 : f32 to vector<1x10xf32>
    %neg3A_703 = arith.subf %neg3A_702, %abs3A_700 : vector<1x10xf32>
    %exp3A_704 = math.exp %neg3A_703 : vector<1x10xf32>
    %log1p3A_705 = math.log1p %exp3A_704 : vector<1x10xf32>
    %add3A_706 = arith.addf %max3A_694, %log1p3A_705 : vector<1x10xf32>
    %select_n3A_707 = arith.select %ne3A_697, %add3A_699, %add3A_706 : vector<1x10xi1>, vector<1x10xf32>
    %add3A_708 = arith.addf %add3A_681, %select_n3A_707 : vector<1x10xf32>
    %get3A_709 = arith.constant 0 : index
    %get3A_710 = arith.constant 25 : index
    %get3A_711 = vector.load %arg3[%get3A_709, %get3A_710] : memref<1x32xf32, #tpu.memory_space<vmem>>, vector<1x1xf32>
    %get3A_712 = vector.extract %get3A_711[0, 0] : f32 from vector<1x1xf32>
    %slice3A_713 = vector.extract_strided_slice %dot_general3A_30 {offsets = [25, 0], sizes = [1, 1], strides = [1, 1]} : vector<32x1xf32> to vector<1x1xf32>
    %squeeze3A_714 = vector.extract %slice3A_713[0, 0] : f32 from vector<1x1xf32>
    %mul3A_715 = vector.broadcast %squeeze3A_714 : f32 to vector<1x10xf32>
    %mul3A_716 = arith.mulf %exp3A_41, %mul3A_715 : vector<1x10xf32>
    %add3A_717 = vector.broadcast %get3A_712 : f32 to vector<1x10xf32>
    %add3A_718 = arith.addf %add3A_717, %mul3A_716 : vector<1x10xf32>
    %custom_jvp_call3A_719 = arith.constant 0.000000e+00 : f32
    %max3A_720 = vector.broadcast %custom_jvp_call3A_719 : f32 to vector<1x10xf32>
    %max3A_721 = arith.maximumf %add3A_718, %max3A_720 : vector<1x10xf32>
    %sub3A_722 = vector.broadcast %custom_jvp_call3A_719 : f32 to vector<1x10xf32>
    %sub3A_723 = arith.subf %add3A_718, %sub3A_722 : vector<1x10xf32>
    %ne3A_724 = arith.cmpf one, %sub3A_723, %sub3A_723 : vector<1x10xf32>
    %add3A_725 = vector.broadcast %custom_jvp_call3A_719 : f32 to vector<1x10xf32>
    %add3A_726 = arith.addf %add3A_718, %add3A_725 : vector<1x10xf32>
    %abs3A_727 = math.absf %sub3A_723 : vector<1x10xf32>
    %neg3A_728 = arith.constant 0.000000e+00 : f32
    %neg3A_729 = vector.broadcast %neg3A_728 : f32 to vector<1x10xf32>
    %neg3A_730 = arith.subf %neg3A_729, %abs3A_727 : vector<1x10xf32>
    %exp3A_731 = math.exp %neg3A_730 : vector<1x10xf32>
    %log1p3A_732 = math.log1p %exp3A_731 : vector<1x10xf32>
    %add3A_733 = arith.addf %max3A_721, %log1p3A_732 : vector<1x10xf32>
    %select_n3A_734 = arith.select %ne3A_724, %add3A_726, %add3A_733 : vector<1x10xi1>, vector<1x10xf32>
    %add3A_735 = arith.addf %add3A_708, %select_n3A_734 : vector<1x10xf32>
    %get3A_736 = arith.constant 0 : index
    %get3A_737 = arith.constant 26 : index
    %get3A_738 = vector.load %arg3[%get3A_736, %get3A_737] : memref<1x32xf32, #tpu.memory_space<vmem>>, vector<1x1xf32>
    %get3A_739 = vector.extract %get3A_738[0, 0] : f32 from vector<1x1xf32>
    %slice3A_740 = vector.extract_strided_slice %dot_general3A_30 {offsets = [26, 0], sizes = [1, 1], strides = [1, 1]} : vector<32x1xf32> to vector<1x1xf32>
    %squeeze3A_741 = vector.extract %slice3A_740[0, 0] : f32 from vector<1x1xf32>
    %mul3A_742 = vector.broadcast %squeeze3A_741 : f32 to vector<1x10xf32>
    %mul3A_743 = arith.mulf %exp3A_41, %mul3A_742 : vector<1x10xf32>
    %add3A_744 = vector.broadcast %get3A_739 : f32 to vector<1x10xf32>
    %add3A_745 = arith.addf %add3A_744, %mul3A_743 : vector<1x10xf32>
    %custom_jvp_call3A_746 = arith.constant 0.000000e+00 : f32
    %max3A_747 = vector.broadcast %custom_jvp_call3A_746 : f32 to vector<1x10xf32>
    %max3A_748 = arith.maximumf %add3A_745, %max3A_747 : vector<1x10xf32>
    %sub3A_749 = vector.broadcast %custom_jvp_call3A_746 : f32 to vector<1x10xf32>
    %sub3A_750 = arith.subf %add3A_745, %sub3A_749 : vector<1x10xf32>
    %ne3A_751 = arith.cmpf one, %sub3A_750, %sub3A_750 : vector<1x10xf32>
    %add3A_752 = vector.broadcast %custom_jvp_call3A_746 : f32 to vector<1x10xf32>
    %add3A_753 = arith.addf %add3A_745, %add3A_752 : vector<1x10xf32>
    %abs3A_754 = math.absf %sub3A_750 : vector<1x10xf32>
    %neg3A_755 = arith.constant 0.000000e+00 : f32
    %neg3A_756 = vector.broadcast %neg3A_755 : f32 to vector<1x10xf32>
    %neg3A_757 = arith.subf %neg3A_756, %abs3A_754 : vector<1x10xf32>
    %exp3A_758 = math.exp %neg3A_757 : vector<1x10xf32>
    %log1p3A_759 = math.log1p %exp3A_758 : vector<1x10xf32>
    %add3A_760 = arith.addf %max3A_748, %log1p3A_759 : vector<1x10xf32>
    %select_n3A_761 = arith.select %ne3A_751, %add3A_753, %add3A_760 : vector<1x10xi1>, vector<1x10xf32>
    %add3A_762 = arith.addf %add3A_735, %select_n3A_761 : vector<1x10xf32>
    %get3A_763 = arith.constant 0 : index
    %get3A_764 = arith.constant 27 : index
    %get3A_765 = vector.load %arg3[%get3A_763, %get3A_764] : memref<1x32xf32, #tpu.memory_space<vmem>>, vector<1x1xf32>
    %get3A_766 = vector.extract %get3A_765[0, 0] : f32 from vector<1x1xf32>
    %slice3A_767 = vector.extract_strided_slice %dot_general3A_30 {offsets = [27, 0], sizes = [1, 1], strides = [1, 1]} : vector<32x1xf32> to vector<1x1xf32>
    %squeeze3A_768 = vector.extract %slice3A_767[0, 0] : f32 from vector<1x1xf32>
    %mul3A_769 = vector.broadcast %squeeze3A_768 : f32 to vector<1x10xf32>
    %mul3A_770 = arith.mulf %exp3A_41, %mul3A_769 : vector<1x10xf32>
    %add3A_771 = vector.broadcast %get3A_766 : f32 to vector<1x10xf32>
    %add3A_772 = arith.addf %add3A_771, %mul3A_770 : vector<1x10xf32>
    %custom_jvp_call3A_773 = arith.constant 0.000000e+00 : f32
    %max3A_774 = vector.broadcast %custom_jvp_call3A_773 : f32 to vector<1x10xf32>
    %max3A_775 = arith.maximumf %add3A_772, %max3A_774 : vector<1x10xf32>
    %sub3A_776 = vector.broadcast %custom_jvp_call3A_773 : f32 to vector<1x10xf32>
    %sub3A_777 = arith.subf %add3A_772, %sub3A_776 : vector<1x10xf32>
    %ne3A_778 = arith.cmpf one, %sub3A_777, %sub3A_777 : vector<1x10xf32>
    %add3A_779 = vector.broadcast %custom_jvp_call3A_773 : f32 to vector<1x10xf32>
    %add3A_780 = arith.addf %add3A_772, %add3A_779 : vector<1x10xf32>
    %abs3A_781 = math.absf %sub3A_777 : vector<1x10xf32>
    %neg3A_782 = arith.constant 0.000000e+00 : f32
    %neg3A_783 = vector.broadcast %neg3A_782 : f32 to vector<1x10xf32>
    %neg3A_784 = arith.subf %neg3A_783, %abs3A_781 : vector<1x10xf32>
    %exp3A_785 = math.exp %neg3A_784 : vector<1x10xf32>
    %log1p3A_786 = math.log1p %exp3A_785 : vector<1x10xf32>
    %add3A_787 = arith.addf %max3A_775, %log1p3A_786 : vector<1x10xf32>
    %select_n3A_788 = arith.select %ne3A_778, %add3A_780, %add3A_787 : vector<1x10xi1>, vector<1x10xf32>
    %add3A_789 = arith.addf %add3A_762, %select_n3A_788 : vector<1x10xf32>
    %get3A_790 = arith.constant 0 : index
    %get3A_791 = arith.constant 28 : index
    %get3A_792 = vector.load %arg3[%get3A_790, %get3A_791] : memref<1x32xf32, #tpu.memory_space<vmem>>, vector<1x1xf32>
    %get3A_793 = vector.extract %get3A_792[0, 0] : f32 from vector<1x1xf32>
    %slice3A_794 = vector.extract_strided_slice %dot_general3A_30 {offsets = [28, 0], sizes = [1, 1], strides = [1, 1]} : vector<32x1xf32> to vector<1x1xf32>
    %squeeze3A_795 = vector.extract %slice3A_794[0, 0] : f32 from vector<1x1xf32>
    %mul3A_796 = vector.broadcast %squeeze3A_795 : f32 to vector<1x10xf32>
    %mul3A_797 = arith.mulf %exp3A_41, %mul3A_796 : vector<1x10xf32>
    %add3A_798 = vector.broadcast %get3A_793 : f32 to vector<1x10xf32>
    %add3A_799 = arith.addf %add3A_798, %mul3A_797 : vector<1x10xf32>
    %custom_jvp_call3A_800 = arith.constant 0.000000e+00 : f32
    %max3A_801 = vector.broadcast %custom_jvp_call3A_800 : f32 to vector<1x10xf32>
    %max3A_802 = arith.maximumf %add3A_799, %max3A_801 : vector<1x10xf32>
    %sub3A_803 = vector.broadcast %custom_jvp_call3A_800 : f32 to vector<1x10xf32>
    %sub3A_804 = arith.subf %add3A_799, %sub3A_803 : vector<1x10xf32>
    %ne3A_805 = arith.cmpf one, %sub3A_804, %sub3A_804 : vector<1x10xf32>
    %add3A_806 = vector.broadcast %custom_jvp_call3A_800 : f32 to vector<1x10xf32>
    %add3A_807 = arith.addf %add3A_799, %add3A_806 : vector<1x10xf32>
    %abs3A_808 = math.absf %sub3A_804 : vector<1x10xf32>
    %neg3A_809 = arith.constant 0.000000e+00 : f32
    %neg3A_810 = vector.broadcast %neg3A_809 : f32 to vector<1x10xf32>
    %neg3A_811 = arith.subf %neg3A_810, %abs3A_808 : vector<1x10xf32>
    %exp3A_812 = math.exp %neg3A_811 : vector<1x10xf32>
    %log1p3A_813 = math.log1p %exp3A_812 : vector<1x10xf32>
    %add3A_814 = arith.addf %max3A_802, %log1p3A_813 : vector<1x10xf32>
    %select_n3A_815 = arith.select %ne3A_805, %add3A_807, %add3A_814 : vector<1x10xi1>, vector<1x10xf32>
    %add3A_816 = arith.addf %add3A_789, %select_n3A_815 : vector<1x10xf32>
    %get3A_817 = arith.constant 0 : index
    %get3A_818 = arith.constant 29 : index
    %get3A_819 = vector.load %arg3[%get3A_817, %get3A_818] : memref<1x32xf32, #tpu.memory_space<vmem>>, vector<1x1xf32>
    %get3A_820 = vector.extract %get3A_819[0, 0] : f32 from vector<1x1xf32>
    %slice3A_821 = vector.extract_strided_slice %dot_general3A_30 {offsets = [29, 0], sizes = [1, 1], strides = [1, 1]} : vector<32x1xf32> to vector<1x1xf32>
    %squeeze3A_822 = vector.extract %slice3A_821[0, 0] : f32 from vector<1x1xf32>
    %mul3A_823 = vector.broadcast %squeeze3A_822 : f32 to vector<1x10xf32>
    %mul3A_824 = arith.mulf %exp3A_41, %mul3A_823 : vector<1x10xf32>
    %add3A_825 = vector.broadcast %get3A_820 : f32 to vector<1x10xf32>
    %add3A_826 = arith.addf %add3A_825, %mul3A_824 : vector<1x10xf32>
    %custom_jvp_call3A_827 = arith.constant 0.000000e+00 : f32
    %max3A_828 = vector.broadcast %custom_jvp_call3A_827 : f32 to vector<1x10xf32>
    %max3A_829 = arith.maximumf %add3A_826, %max3A_828 : vector<1x10xf32>
    %sub3A_830 = vector.broadcast %custom_jvp_call3A_827 : f32 to vector<1x10xf32>
    %sub3A_831 = arith.subf %add3A_826, %sub3A_830 : vector<1x10xf32>
    %ne3A_832 = arith.cmpf one, %sub3A_831, %sub3A_831 : vector<1x10xf32>
    %add3A_833 = vector.broadcast %custom_jvp_call3A_827 : f32 to vector<1x10xf32>
    %add3A_834 = arith.addf %add3A_826, %add3A_833 : vector<1x10xf32>
    %abs3A_835 = math.absf %sub3A_831 : vector<1x10xf32>
    %neg3A_836 = arith.constant 0.000000e+00 : f32
    %neg3A_837 = vector.broadcast %neg3A_836 : f32 to vector<1x10xf32>
    %neg3A_838 = arith.subf %neg3A_837, %abs3A_835 : vector<1x10xf32>
    %exp3A_839 = math.exp %neg3A_838 : vector<1x10xf32>
    %log1p3A_840 = math.log1p %exp3A_839 : vector<1x10xf32>
    %add3A_841 = arith.addf %max3A_829, %log1p3A_840 : vector<1x10xf32>
    %select_n3A_842 = arith.select %ne3A_832, %add3A_834, %add3A_841 : vector<1x10xi1>, vector<1x10xf32>
    %add3A_843 = arith.addf %add3A_816, %select_n3A_842 : vector<1x10xf32>
    %get3A_844 = arith.constant 0 : index
    %get3A_845 = arith.constant 30 : index
    %get3A_846 = vector.load %arg3[%get3A_844, %get3A_845] : memref<1x32xf32, #tpu.memory_space<vmem>>, vector<1x1xf32>
    %get3A_847 = vector.extract %get3A_846[0, 0] : f32 from vector<1x1xf32>
    %slice3A_848 = vector.extract_strided_slice %dot_general3A_30 {offsets = [30, 0], sizes = [1, 1], strides = [1, 1]} : vector<32x1xf32> to vector<1x1xf32>
    %squeeze3A_849 = vector.extract %slice3A_848[0, 0] : f32 from vector<1x1xf32>
    %mul3A_850 = vector.broadcast %squeeze3A_849 : f32 to vector<1x10xf32>
    %mul3A_851 = arith.mulf %exp3A_41, %mul3A_850 : vector<1x10xf32>
    %add3A_852 = vector.broadcast %get3A_847 : f32 to vector<1x10xf32>
    %add3A_853 = arith.addf %add3A_852, %mul3A_851 : vector<1x10xf32>
    %custom_jvp_call3A_854 = arith.constant 0.000000e+00 : f32
    %max3A_855 = vector.broadcast %custom_jvp_call3A_854 : f32 to vector<1x10xf32>
    %max3A_856 = arith.maximumf %add3A_853, %max3A_855 : vector<1x10xf32>
    %sub3A_857 = vector.broadcast %custom_jvp_call3A_854 : f32 to vector<1x10xf32>
    %sub3A_858 = arith.subf %add3A_853, %sub3A_857 : vector<1x10xf32>
    %ne3A_859 = arith.cmpf one, %sub3A_858, %sub3A_858 : vector<1x10xf32>
    %add3A_860 = vector.broadcast %custom_jvp_call3A_854 : f32 to vector<1x10xf32>
    %add3A_861 = arith.addf %add3A_853, %add3A_860 : vector<1x10xf32>
    %abs3A_862 = math.absf %sub3A_858 : vector<1x10xf32>
    %neg3A_863 = arith.constant 0.000000e+00 : f32
    %neg3A_864 = vector.broadcast %neg3A_863 : f32 to vector<1x10xf32>
    %neg3A_865 = arith.subf %neg3A_864, %abs3A_862 : vector<1x10xf32>
    %exp3A_866 = math.exp %neg3A_865 : vector<1x10xf32>
    %log1p3A_867 = math.log1p %exp3A_866 : vector<1x10xf32>
    %add3A_868 = arith.addf %max3A_856, %log1p3A_867 : vector<1x10xf32>
    %select_n3A_869 = arith.select %ne3A_859, %add3A_861, %add3A_868 : vector<1x10xi1>, vector<1x10xf32>
    %add3A_870 = arith.addf %add3A_843, %select_n3A_869 : vector<1x10xf32>
    %get3A_871 = arith.constant 0 : index
    %get3A_872 = arith.constant 31 : index
    %get3A_873 = vector.load %arg3[%get3A_871, %get3A_872] : memref<1x32xf32, #tpu.memory_space<vmem>>, vector<1x1xf32>
    %get3A_874 = vector.extract %get3A_873[0, 0] : f32 from vector<1x1xf32>
    %slice3A_875 = vector.extract_strided_slice %dot_general3A_30 {offsets = [31, 0], sizes = [1, 1], strides = [1, 1]} : vector<32x1xf32> to vector<1x1xf32>
    %squeeze3A_876 = vector.extract %slice3A_875[0, 0] : f32 from vector<1x1xf32>
    %mul3A_877 = vector.broadcast %squeeze3A_876 : f32 to vector<1x10xf32>
    %mul3A_878 = arith.mulf %exp3A_41, %mul3A_877 : vector<1x10xf32>
    %add3A_879 = vector.broadcast %get3A_874 : f32 to vector<1x10xf32>
    %add3A_880 = arith.addf %add3A_879, %mul3A_878 : vector<1x10xf32>
    %custom_jvp_call3A_881 = arith.constant 0.000000e+00 : f32
    %max3A_882 = vector.broadcast %custom_jvp_call3A_881 : f32 to vector<1x10xf32>
    %max3A_883 = arith.maximumf %add3A_880, %max3A_882 : vector<1x10xf32>
    %sub3A_884 = vector.broadcast %custom_jvp_call3A_881 : f32 to vector<1x10xf32>
    %sub3A_885 = arith.subf %add3A_880, %sub3A_884 : vector<1x10xf32>
    %ne3A_886 = arith.cmpf one, %sub3A_885, %sub3A_885 : vector<1x10xf32>
    %add3A_887 = vector.broadcast %custom_jvp_call3A_881 : f32 to vector<1x10xf32>
    %add3A_888 = arith.addf %add3A_880, %add3A_887 : vector<1x10xf32>
    %abs3A_889 = math.absf %sub3A_885 : vector<1x10xf32>
    %neg3A_890 = arith.constant 0.000000e+00 : f32
    %neg3A_891 = vector.broadcast %neg3A_890 : f32 to vector<1x10xf32>
    %neg3A_892 = arith.subf %neg3A_891, %abs3A_889 : vector<1x10xf32>
    %exp3A_893 = math.exp %neg3A_892 : vector<1x10xf32>
    %log1p3A_894 = math.log1p %exp3A_893 : vector<1x10xf32>
    %add3A_895 = arith.addf %max3A_883, %log1p3A_894 : vector<1x10xf32>
    %select_n3A_896 = arith.select %ne3A_886, %add3A_888, %add3A_895 : vector<1x10xi1>, vector<1x10xf32>
    %add3A_897 = arith.addf %add3A_870, %select_n3A_896 : vector<1x10xf32>
    %add3A_898 = arith.constant 3.200000e-05 : f32
    %add3A_899 = vector.broadcast %add3A_898 : f32 to vector<1x10xf32>
    %add3A_900 = arith.addf %add3A_897, %add3A_899 : vector<1x10xf32>
    %reduce_max3A = vector.shape_cast %add3A_900 : vector<1x10xf32> to vector<1x1x10xf32>
    %reduce_max3A_901 = arith.constant dense<0xFF800000> : vector<1xf32>
    %reduce_max3A_902 = vector.multi_reduction <maximumf>, %reduce_max3A, %reduce_max3A_901 [1, 2] : vector<1x1x10xf32> to vector<1xf32>
    %reduce_max3A_903 = vector.shape_cast %reduce_max3A_902 : vector<1xf32> to vector<1x1x1xf32>
    %reduce_max3A_904 = vector.extract %reduce_max3A_903[0, 0, 0] : f32 from vector<1x1x1xf32>
    %mul3A_905 = arith.constant 5.000000e+00 : f32
    %mul3A_906 = arith.mulf %reduce_max3A_904, %mul3A_905 : f32
    %get3A_907 = arith.constant 0 : index
    %get3A_908 = arith.constant 0 : index
    %get3A_909 = vector.load %arg5[%get3A_907, %get3A_908] : memref<1x8192xf32, #tpu.memory_space<vmem>>, vector<1x8192xf32>
    %neg3A_910 = arith.constant 0.000000e+00 : f32
    %neg3A_911 = vector.broadcast %neg3A_910 : f32 to vector<1x8192xf32>
    %neg3A_912 = arith.subf %neg3A_911, %get3A_909 : vector<1x8192xf32>
    %log1p3A_913 = math.log1p %neg3A_912 : vector<1x8192xf32>
    %neg3A_914 = arith.constant 0.000000e+00 : f32
    %neg3A_915 = vector.broadcast %neg3A_914 : f32 to vector<1x8192xf32>
    %neg3A_916 = arith.subf %neg3A_915, %log1p3A_913 : vector<1x8192xf32>
    %div3A = vector.broadcast %mul3A_906 : f32 to vector<1x8192xf32>
    %div3A_917 = arith.divf %neg3A_916, %div3A : vector<1x8192xf32>
    %slice3A_918 = vector.extract_strided_slice %div3A_917 {offsets = [0, 0], sizes = [1, 128], strides = [1, 1]} : vector<1x8192xf32> to vector<1x128xf32>
    %slice3A_919 = vector.extract_strided_slice %div3A_917 {offsets = [0, 128], sizes = [1, 128], strides = [1, 1]} : vector<1x8192xf32> to vector<1x128xf32>
    %slice3A_920 = vector.extract_strided_slice %div3A_917 {offsets = [0, 256], sizes = [1, 128], strides = [1, 1]} : vector<1x8192xf32> to vector<1x128xf32>
    %slice3A_921 = vector.extract_strided_slice %div3A_917 {offsets = [0, 384], sizes = [1, 128], strides = [1, 1]} : vector<1x8192xf32> to vector<1x128xf32>
    %slice3A_922 = vector.extract_strided_slice %div3A_917 {offsets = [0, 512], sizes = [1, 128], strides = [1, 1]} : vector<1x8192xf32> to vector<1x128xf32>
    %slice3A_923 = vector.extract_strided_slice %div3A_917 {offsets = [0, 640], sizes = [1, 128], strides = [1, 1]} : vector<1x8192xf32> to vector<1x128xf32>
    %slice3A_924 = vector.extract_strided_slice %div3A_917 {offsets = [0, 768], sizes = [1, 128], strides = [1, 1]} : vector<1x8192xf32> to vector<1x128xf32>
    %slice3A_925 = vector.extract_strided_slice %div3A_917 {offsets = [0, 896], sizes = [1, 128], strides = [1, 1]} : vector<1x8192xf32> to vector<1x128xf32>
    %slice3A_926 = vector.extract_strided_slice %div3A_917 {offsets = [0, 1024], sizes = [1, 128], strides = [1, 1]} : vector<1x8192xf32> to vector<1x128xf32>
    %slice3A_927 = vector.extract_strided_slice %div3A_917 {offsets = [0, 1152], sizes = [1, 128], strides = [1, 1]} : vector<1x8192xf32> to vector<1x128xf32>
    %slice3A_928 = vector.extract_strided_slice %div3A_917 {offsets = [0, 1280], sizes = [1, 128], strides = [1, 1]} : vector<1x8192xf32> to vector<1x128xf32>
    %slice3A_929 = vector.extract_strided_slice %div3A_917 {offsets = [0, 1408], sizes = [1, 128], strides = [1, 1]} : vector<1x8192xf32> to vector<1x128xf32>
    %slice3A_930 = vector.extract_strided_slice %div3A_917 {offsets = [0, 1536], sizes = [1, 128], strides = [1, 1]} : vector<1x8192xf32> to vector<1x128xf32>
    %slice3A_931 = vector.extract_strided_slice %div3A_917 {offsets = [0, 1664], sizes = [1, 128], strides = [1, 1]} : vector<1x8192xf32> to vector<1x128xf32>
    %slice3A_932 = vector.extract_strided_slice %div3A_917 {offsets = [0, 1792], sizes = [1, 128], strides = [1, 1]} : vector<1x8192xf32> to vector<1x128xf32>
    %slice3A_933 = vector.extract_strided_slice %div3A_917 {offsets = [0, 1920], sizes = [1, 128], strides = [1, 1]} : vector<1x8192xf32> to vector<1x128xf32>
    %slice3A_934 = vector.extract_strided_slice %div3A_917 {offsets = [0, 2048], sizes = [1, 128], strides = [1, 1]} : vector<1x8192xf32> to vector<1x128xf32>
    %slice3A_935 = vector.extract_strided_slice %div3A_917 {offsets = [0, 2176], sizes = [1, 128], strides = [1, 1]} : vector<1x8192xf32> to vector<1x128xf32>
    %slice3A_936 = vector.extract_strided_slice %div3A_917 {offsets = [0, 2304], sizes = [1, 128], strides = [1, 1]} : vector<1x8192xf32> to vector<1x128xf32>
    %slice3A_937 = vector.extract_strided_slice %div3A_917 {offsets = [0, 2432], sizes = [1, 128], strides = [1, 1]} : vector<1x8192xf32> to vector<1x128xf32>
    %slice3A_938 = vector.extract_strided_slice %div3A_917 {offsets = [0, 2560], sizes = [1, 128], strides = [1, 1]} : vector<1x8192xf32> to vector<1x128xf32>
    %slice3A_939 = vector.extract_strided_slice %div3A_917 {offsets = [0, 2688], sizes = [1, 128], strides = [1, 1]} : vector<1x8192xf32> to vector<1x128xf32>
    %slice3A_940 = vector.extract_strided_slice %div3A_917 {offsets = [0, 2816], sizes = [1, 128], strides = [1, 1]} : vector<1x8192xf32> to vector<1x128xf32>
    %slice3A_941 = vector.extract_strided_slice %div3A_917 {offsets = [0, 2944], sizes = [1, 128], strides = [1, 1]} : vector<1x8192xf32> to vector<1x128xf32>
    %slice3A_942 = vector.extract_strided_slice %div3A_917 {offsets = [0, 3072], sizes = [1, 128], strides = [1, 1]} : vector<1x8192xf32> to vector<1x128xf32>
    %slice3A_943 = vector.extract_strided_slice %div3A_917 {offsets = [0, 3200], sizes = [1, 128], strides = [1, 1]} : vector<1x8192xf32> to vector<1x128xf32>
    %slice3A_944 = vector.extract_strided_slice %div3A_917 {offsets = [0, 3328], sizes = [1, 128], strides = [1, 1]} : vector<1x8192xf32> to vector<1x128xf32>
    %slice3A_945 = vector.extract_strided_slice %div3A_917 {offsets = [0, 3456], sizes = [1, 128], strides = [1, 1]} : vector<1x8192xf32> to vector<1x128xf32>
    %slice3A_946 = vector.extract_strided_slice %div3A_917 {offsets = [0, 3584], sizes = [1, 128], strides = [1, 1]} : vector<1x8192xf32> to vector<1x128xf32>
    %slice3A_947 = vector.extract_strided_slice %div3A_917 {offsets = [0, 3712], sizes = [1, 128], strides = [1, 1]} : vector<1x8192xf32> to vector<1x128xf32>
    %slice3A_948 = vector.extract_strided_slice %div3A_917 {offsets = [0, 3840], sizes = [1, 128], strides = [1, 1]} : vector<1x8192xf32> to vector<1x128xf32>
    %slice3A_949 = vector.extract_strided_slice %div3A_917 {offsets = [0, 3968], sizes = [1, 128], strides = [1, 1]} : vector<1x8192xf32> to vector<1x128xf32>
    %slice3A_950 = vector.extract_strided_slice %div3A_917 {offsets = [0, 4096], sizes = [1, 128], strides = [1, 1]} : vector<1x8192xf32> to vector<1x128xf32>
    %slice3A_951 = vector.extract_strided_slice %div3A_917 {offsets = [0, 4224], sizes = [1, 128], strides = [1, 1]} : vector<1x8192xf32> to vector<1x128xf32>
    %slice3A_952 = vector.extract_strided_slice %div3A_917 {offsets = [0, 4352], sizes = [1, 128], strides = [1, 1]} : vector<1x8192xf32> to vector<1x128xf32>
    %slice3A_953 = vector.extract_strided_slice %div3A_917 {offsets = [0, 4480], sizes = [1, 128], strides = [1, 1]} : vector<1x8192xf32> to vector<1x128xf32>
    %slice3A_954 = vector.extract_strided_slice %div3A_917 {offsets = [0, 4608], sizes = [1, 128], strides = [1, 1]} : vector<1x8192xf32> to vector<1x128xf32>
    %slice3A_955 = vector.extract_strided_slice %div3A_917 {offsets = [0, 4736], sizes = [1, 128], strides = [1, 1]} : vector<1x8192xf32> to vector<1x128xf32>
    %slice3A_956 = vector.extract_strided_slice %div3A_917 {offsets = [0, 4864], sizes = [1, 128], strides = [1, 1]} : vector<1x8192xf32> to vector<1x128xf32>
    %slice3A_957 = vector.extract_strided_slice %div3A_917 {offsets = [0, 4992], sizes = [1, 128], strides = [1, 1]} : vector<1x8192xf32> to vector<1x128xf32>
    %slice3A_958 = vector.extract_strided_slice %div3A_917 {offsets = [0, 5120], sizes = [1, 128], strides = [1, 1]} : vector<1x8192xf32> to vector<1x128xf32>
    %slice3A_959 = vector.extract_strided_slice %div3A_917 {offsets = [0, 5248], sizes = [1, 128], strides = [1, 1]} : vector<1x8192xf32> to vector<1x128xf32>
    %slice3A_960 = vector.extract_strided_slice %div3A_917 {offsets = [0, 5376], sizes = [1, 128], strides = [1, 1]} : vector<1x8192xf32> to vector<1x128xf32>
    %slice3A_961 = vector.extract_strided_slice %div3A_917 {offsets = [0, 5504], sizes = [1, 128], strides = [1, 1]} : vector<1x8192xf32> to vector<1x128xf32>
    %slice3A_962 = vector.extract_strided_slice %div3A_917 {offsets = [0, 5632], sizes = [1, 128], strides = [1, 1]} : vector<1x8192xf32> to vector<1x128xf32>
    %slice3A_963 = vector.extract_strided_slice %div3A_917 {offsets = [0, 5760], sizes = [1, 128], strides = [1, 1]} : vector<1x8192xf32> to vector<1x128xf32>
    %slice3A_964 = vector.extract_strided_slice %div3A_917 {offsets = [0, 5888], sizes = [1, 128], strides = [1, 1]} : vector<1x8192xf32> to vector<1x128xf32>
    %slice3A_965 = vector.extract_strided_slice %div3A_917 {offsets = [0, 6016], sizes = [1, 128], strides = [1, 1]} : vector<1x8192xf32> to vector<1x128xf32>
    %slice3A_966 = vector.extract_strided_slice %div3A_917 {offsets = [0, 6144], sizes = [1, 128], strides = [1, 1]} : vector<1x8192xf32> to vector<1x128xf32>
    %slice3A_967 = vector.extract_strided_slice %div3A_917 {offsets = [0, 6272], sizes = [1, 128], strides = [1, 1]} : vector<1x8192xf32> to vector<1x128xf32>
    %slice3A_968 = vector.extract_strided_slice %div3A_917 {offsets = [0, 6400], sizes = [1, 128], strides = [1, 1]} : vector<1x8192xf32> to vector<1x128xf32>
    %slice3A_969 = vector.extract_strided_slice %div3A_917 {offsets = [0, 6528], sizes = [1, 128], strides = [1, 1]} : vector<1x8192xf32> to vector<1x128xf32>
    %slice3A_970 = vector.extract_strided_slice %div3A_917 {offsets = [0, 6656], sizes = [1, 128], strides = [1, 1]} : vector<1x8192xf32> to vector<1x128xf32>
    %slice3A_971 = vector.extract_strided_slice %div3A_917 {offsets = [0, 6784], sizes = [1, 128], strides = [1, 1]} : vector<1x8192xf32> to vector<1x128xf32>
    %slice3A_972 = vector.extract_strided_slice %div3A_917 {offsets = [0, 6912], sizes = [1, 128], strides = [1, 1]} : vector<1x8192xf32> to vector<1x128xf32>
    %slice3A_973 = vector.extract_strided_slice %div3A_917 {offsets = [0, 7040], sizes = [1, 128], strides = [1, 1]} : vector<1x8192xf32> to vector<1x128xf32>
    %slice3A_974 = vector.extract_strided_slice %div3A_917 {offsets = [0, 7168], sizes = [1, 128], strides = [1, 1]} : vector<1x8192xf32> to vector<1x128xf32>
    %slice3A_975 = vector.extract_strided_slice %div3A_917 {offsets = [0, 7296], sizes = [1, 128], strides = [1, 1]} : vector<1x8192xf32> to vector<1x128xf32>
    %slice3A_976 = vector.extract_strided_slice %div3A_917 {offsets = [0, 7424], sizes = [1, 128], strides = [1, 1]} : vector<1x8192xf32> to vector<1x128xf32>
    %slice3A_977 = vector.extract_strided_slice %div3A_917 {offsets = [0, 7552], sizes = [1, 128], strides = [1, 1]} : vector<1x8192xf32> to vector<1x128xf32>
    %slice3A_978 = vector.extract_strided_slice %div3A_917 {offsets = [0, 7680], sizes = [1, 128], strides = [1, 1]} : vector<1x8192xf32> to vector<1x128xf32>
    %slice3A_979 = vector.extract_strided_slice %div3A_917 {offsets = [0, 7808], sizes = [1, 128], strides = [1, 1]} : vector<1x8192xf32> to vector<1x128xf32>
    %slice3A_980 = vector.extract_strided_slice %div3A_917 {offsets = [0, 7936], sizes = [1, 128], strides = [1, 1]} : vector<1x8192xf32> to vector<1x128xf32>
    %slice3A_981 = vector.extract_strided_slice %div3A_917 {offsets = [0, 8064], sizes = [1, 128], strides = [1, 1]} : vector<1x8192xf32> to vector<1x128xf32>
    %concatenate3A = tpu.concatenate %slice3A_918, %slice3A_919, %slice3A_920, %slice3A_921, %slice3A_922, %slice3A_923, %slice3A_924, %slice3A_925, %slice3A_926, %slice3A_927, %slice3A_928, %slice3A_929, %slice3A_930, %slice3A_931, %slice3A_932, %slice3A_933, %slice3A_934, %slice3A_935, %slice3A_936, %slice3A_937, %slice3A_938, %slice3A_939, %slice3A_940, %slice3A_941, %slice3A_942, %slice3A_943, %slice3A_944, %slice3A_945, %slice3A_946, %slice3A_947, %slice3A_948, %slice3A_949, %slice3A_950, %slice3A_951, %slice3A_952, %slice3A_953, %slice3A_954, %slice3A_955, %slice3A_956, %slice3A_957, %slice3A_958, %slice3A_959, %slice3A_960, %slice3A_961, %slice3A_962, %slice3A_963, %slice3A_964, %slice3A_965, %slice3A_966, %slice3A_967, %slice3A_968, %slice3A_969, %slice3A_970, %slice3A_971, %slice3A_972, %slice3A_973, %slice3A_974, %slice3A_975, %slice3A_976, %slice3A_977, %slice3A_978, %slice3A_979, %slice3A_980, %slice3A_981 in 0 : vector<1x128xf32>, vector<1x128xf32>, vector<1x128xf32>, vector<1x128xf32>, vector<1x128xf32>, vector<1x128xf32>, vector<1x128xf32>, vector<1x128xf32>, vector<1x128xf32>, vector<1x128xf32>, vector<1x128xf32>, vector<1x128xf32>, vector<1x128xf32>, vector<1x128xf32>, vector<1x128xf32>, vector<1x128xf32>, vector<1x128xf32>, vector<1x128xf32>, vector<1x128xf32>, vector<1x128xf32>, vector<1x128xf32>, vector<1x128xf32>, vector<1x128xf32>, vector<1x128xf32>, vector<1x128xf32>, vector<1x128xf32>, vector<1x128xf32>, vector<1x128xf32>, vector<1x128xf32>, vector<1x128xf32>, vector<1x128xf32>, vector<1x128xf32>, vector<1x128xf32>, vector<1x128xf32>, vector<1x128xf32>, vector<1x128xf32>, vector<1x128xf32>, vector<1x128xf32>, vector<1x128xf32>, vector<1x128xf32>, vector<1x128xf32>, vector<1x128xf32>, vector<1x128xf32>, vector<1x128xf32>, vector<1x128xf32>, vector<1x128xf32>, vector<1x128xf32>, vector<1x128xf32>, vector<1x128xf32>, vector<1x128xf32>, vector<1x128xf32>, vector<1x128xf32>, vector<1x128xf32>, vector<1x128xf32>, vector<1x128xf32>, vector<1x128xf32>, vector<1x128xf32>, vector<1x128xf32>, vector<1x128xf32>, vector<1x128xf32>, vector<1x128xf32>, vector<1x128xf32>, vector<1x128xf32>, vector<1x128xf32> -> vector<64x128xf32>
    %iota3A_982 = tpu.iota {dimensions = array<i32: 0>} : vector<128x128xi32>
    %iota3A_983 = tpu.iota {dimensions = array<i32: 1>} : vector<128x128xi32>
    %le3A = arith.cmpi sle, %iota3A_982, %iota3A_983 : vector<128x128xi32>
    %convert_element_type3A_984 = arith.extui %le3A : vector<128x128xi1> to vector<128x128xi32>
    %convert_element_type3A_985 = arith.sitofp %convert_element_type3A_984 : vector<128x128xi32> to vector<128x128xf32>
    %dot_general3A_986 = arith.constant dense<0.000000e+00> : vector<64x128xf32>
    %dot_general3A_987 = tpu.matmul %concatenate3A, %convert_element_type3A_985, %dot_general3A_986 {dimension_numbers = #tpu.dot_dimension_numbers<[1], [0], [0], [1], [0, 0, 1, 1], [], []>, transpose_lhs_hint = false} : vector<64x128xf32>, vector<128x128xf32>, vector<64x128xf32> -> vector<64x128xf32>
    %slice3A_988 = vector.extract_strided_slice %dot_general3A_987 {offsets = [0, 127], sizes = [64, 1], strides = [1, 1]} : vector<64x128xf32> to vector<64x1xf32>
    %iota3A_989 = tpu.iota {dimensions = array<i32: 0>} : vector<64x64xi32>
    %iota3A_990 = tpu.iota {dimensions = array<i32: 1>} : vector<64x64xi32>
    %lt3A = arith.cmpi slt, %iota3A_990, %iota3A_989 : vector<64x64xi32>
    %convert_element_type3A_991 = arith.extui %lt3A : vector<64x64xi1> to vector<64x64xi32>
    %convert_element_type3A_992 = arith.sitofp %convert_element_type3A_991 : vector<64x64xi32> to vector<64x64xf32>
    %dot_general3A_993 = arith.constant dense<0.000000e+00> : vector<64x1xf32>
    %dot_general3A_994 = tpu.matmul %convert_element_type3A_992, %slice3A_988, %dot_general3A_993 {dimension_numbers = #tpu.dot_dimension_numbers<[1], [0], [0], [1], [0, 0, 1, 1], [], []>, transpose_lhs_hint = false} : vector<64x64xf32>, vector<64x1xf32>, vector<64x1xf32> -> vector<64x1xf32>
    %add3A_995 = vector.broadcast %dot_general3A_994 : vector<64x1xf32> to vector<64x128xf32>
    %add3A_996 = arith.addf %dot_general3A_987, %add3A_995 : vector<64x128xf32>
    %add3A_997 = vector.broadcast %get3A_2 : f32 to vector<64x128xf32>
    %add3A_998 = arith.addf %add3A_996, %add3A_997 : vector<64x128xf32>
    %swap3A = arith.constant 0 : index
    %swap3A_999 = arith.constant 0 : index
    %swap3A_1000 = vector.load %arg7[%swap3A, %swap3A_999] : memref<64x128xf32, #tpu.memory_space<vmem>>, vector<64x128xf32>
    tpu.vector_store %arg7[%swap3A, %swap3A_999], %add3A_998 {strides = array<i32>} : memref<64x128xf32, #tpu.memory_space<vmem>>, vector<64x128xf32>,
    %neg3A_1001 = arith.constant 0.000000e+00 : f32
    %neg3A_1002 = arith.subf %neg3A_1001, %get3A_10 : f32
    %mul3A_1003 = vector.broadcast %neg3A_1002 : f32 to vector<64x128xf32>
    %mul3A_1004 = arith.mulf %mul3A_1003, %add3A_996 : vector<64x128xf32>
    %exp3A_1005 = math.exp %mul3A_1004 : vector<64x128xf32>
    %broadcast_in_dim3A_1006 = arith.constant 0.000000e+00 : f32
    %broadcast_in_dim3A_1007 = vector.broadcast %broadcast_in_dim3A_1006 : f32 to vector<64x128xf32>
    %get3A_1008 = arith.constant 0 : index
    %get3A_1009 = arith.constant 0 : index
    %get3A_1010 = vector.load %arg3[%get3A_1008, %get3A_1009] : memref<1x32xf32, #tpu.memory_space<vmem>>, vector<1x1xf32>
    %get3A_1011 = vector.extract %get3A_1010[0, 0] : f32 from vector<1x1xf32>
    %slice3A_1012 = vector.extract_strided_slice %dot_general3A_30 {offsets = [0, 0], sizes = [1, 1], strides = [1, 1]} : vector<32x1xf32> to vector<1x1xf32>
    %squeeze3A_1013 = vector.extract %slice3A_1012[0, 0] : f32 from vector<1x1xf32>
    %mul3A_1014 = vector.broadcast %squeeze3A_1013 : f32 to vector<64x128xf32>
    %mul3A_1015 = arith.mulf %exp3A_1005, %mul3A_1014 : vector<64x128xf32>
    %add3A_1016 = vector.broadcast %get3A_1011 : f32 to vector<64x128xf32>
    %add3A_1017 = arith.addf %add3A_1016, %mul3A_1015 : vector<64x128xf32>
    %custom_jvp_call3A_1018 = arith.constant 0.000000e+00 : f32
    %max3A_1019 = vector.broadcast %custom_jvp_call3A_1018 : f32 to vector<64x128xf32>
    %max3A_1020 = arith.maximumf %add3A_1017, %max3A_1019 : vector<64x128xf32>
    %sub3A_1021 = vector.broadcast %custom_jvp_call3A_1018 : f32 to vector<64x128xf32>
    %sub3A_1022 = arith.subf %add3A_1017, %sub3A_1021 : vector<64x128xf32>
    %ne3A_1023 = arith.cmpf one, %sub3A_1022, %sub3A_1022 : vector<64x128xf32>
    %add3A_1024 = vector.broadcast %custom_jvp_call3A_1018 : f32 to vector<64x128xf32>
    %add3A_1025 = arith.addf %add3A_1017, %add3A_1024 : vector<64x128xf32>
    %abs3A_1026 = math.absf %sub3A_1022 : vector<64x128xf32>
    %neg3A_1027 = arith.constant 0.000000e+00 : f32
    %neg3A_1028 = vector.broadcast %neg3A_1027 : f32 to vector<64x128xf32>
    %neg3A_1029 = arith.subf %neg3A_1028, %abs3A_1026 : vector<64x128xf32>
    %exp3A_1030 = math.exp %neg3A_1029 : vector<64x128xf32>
    %log1p3A_1031 = math.log1p %exp3A_1030 : vector<64x128xf32>
    %add3A_1032 = arith.addf %max3A_1020, %log1p3A_1031 : vector<64x128xf32>
    %select_n3A_1033 = arith.select %ne3A_1023, %add3A_1025, %add3A_1032 : vector<64x128xi1>, vector<64x128xf32>
    %add3A_1034 = arith.addf %broadcast_in_dim3A_1007, %select_n3A_1033 : vector<64x128xf32>
    %get3A_1035 = arith.constant 0 : index
    %get3A_1036 = arith.constant 1 : index
    %get3A_1037 = vector.load %arg3[%get3A_1035, %get3A_1036] : memref<1x32xf32, #tpu.memory_space<vmem>>, vector<1x1xf32>
    %get3A_1038 = vector.extract %get3A_1037[0, 0] : f32 from vector<1x1xf32>
    %slice3A_1039 = vector.extract_strided_slice %dot_general3A_30 {offsets = [1, 0], sizes = [1, 1], strides = [1, 1]} : vector<32x1xf32> to vector<1x1xf32>
    %squeeze3A_1040 = vector.extract %slice3A_1039[0, 0] : f32 from vector<1x1xf32>
    %mul3A_1041 = vector.broadcast %squeeze3A_1040 : f32 to vector<64x128xf32>
    %mul3A_1042 = arith.mulf %exp3A_1005, %mul3A_1041 : vector<64x128xf32>
    %add3A_1043 = vector.broadcast %get3A_1038 : f32 to vector<64x128xf32>
    %add3A_1044 = arith.addf %add3A_1043, %mul3A_1042 : vector<64x128xf32>
    %custom_jvp_call3A_1045 = arith.constant 0.000000e+00 : f32
    %max3A_1046 = vector.broadcast %custom_jvp_call3A_1045 : f32 to vector<64x128xf32>
    %max3A_1047 = arith.maximumf %add3A_1044, %max3A_1046 : vector<64x128xf32>
    %sub3A_1048 = vector.broadcast %custom_jvp_call3A_1045 : f32 to vector<64x128xf32>
    %sub3A_1049 = arith.subf %add3A_1044, %sub3A_1048 : vector<64x128xf32>
    %ne3A_1050 = arith.cmpf one, %sub3A_1049, %sub3A_1049 : vector<64x128xf32>
    %add3A_1051 = vector.broadcast %custom_jvp_call3A_1045 : f32 to vector<64x128xf32>
    %add3A_1052 = arith.addf %add3A_1044, %add3A_1051 : vector<64x128xf32>
    %abs3A_1053 = math.absf %sub3A_1049 : vector<64x128xf32>
    %neg3A_1054 = arith.constant 0.000000e+00 : f32
    %neg3A_1055 = vector.broadcast %neg3A_1054 : f32 to vector<64x128xf32>
    %neg3A_1056 = arith.subf %neg3A_1055, %abs3A_1053 : vector<64x128xf32>
    %exp3A_1057 = math.exp %neg3A_1056 : vector<64x128xf32>
    %log1p3A_1058 = math.log1p %exp3A_1057 : vector<64x128xf32>
    %add3A_1059 = arith.addf %max3A_1047, %log1p3A_1058 : vector<64x128xf32>
    %select_n3A_1060 = arith.select %ne3A_1050, %add3A_1052, %add3A_1059 : vector<64x128xi1>, vector<64x128xf32>
    %add3A_1061 = arith.addf %add3A_1034, %select_n3A_1060 : vector<64x128xf32>
    %get3A_1062 = arith.constant 0 : index
    %get3A_1063 = arith.constant 2 : index
    %get3A_1064 = vector.load %arg3[%get3A_1062, %get3A_1063] : memref<1x32xf32, #tpu.memory_space<vmem>>, vector<1x1xf32>
    %get3A_1065 = vector.extract %get3A_1064[0, 0] : f32 from vector<1x1xf32>
    %slice3A_1066 = vector.extract_strided_slice %dot_general3A_30 {offsets = [2, 0], sizes = [1, 1], strides = [1, 1]} : vector<32x1xf32> to vector<1x1xf32>
    %squeeze3A_1067 = vector.extract %slice3A_1066[0, 0] : f32 from vector<1x1xf32>
    %mul3A_1068 = vector.broadcast %squeeze3A_1067 : f32 to vector<64x128xf32>
    %mul3A_1069 = arith.mulf %exp3A_1005, %mul3A_1068 : vector<64x128xf32>
    %add3A_1070 = vector.broadcast %get3A_1065 : f32 to vector<64x128xf32>
    %add3A_1071 = arith.addf %add3A_1070, %mul3A_1069 : vector<64x128xf32>
    %custom_jvp_call3A_1072 = arith.constant 0.000000e+00 : f32
    %max3A_1073 = vector.broadcast %custom_jvp_call3A_1072 : f32 to vector<64x128xf32>
    %max3A_1074 = arith.maximumf %add3A_1071, %max3A_1073 : vector<64x128xf32>
    %sub3A_1075 = vector.broadcast %custom_jvp_call3A_1072 : f32 to vector<64x128xf32>
    %sub3A_1076 = arith.subf %add3A_1071, %sub3A_1075 : vector<64x128xf32>
    %ne3A_1077 = arith.cmpf one, %sub3A_1076, %sub3A_1076 : vector<64x128xf32>
    %add3A_1078 = vector.broadcast %custom_jvp_call3A_1072 : f32 to vector<64x128xf32>
    %add3A_1079 = arith.addf %add3A_1071, %add3A_1078 : vector<64x128xf32>
    %abs3A_1080 = math.absf %sub3A_1076 : vector<64x128xf32>
    %neg3A_1081 = arith.constant 0.000000e+00 : f32
    %neg3A_1082 = vector.broadcast %neg3A_1081 : f32 to vector<64x128xf32>
    %neg3A_1083 = arith.subf %neg3A_1082, %abs3A_1080 : vector<64x128xf32>
    %exp3A_1084 = math.exp %neg3A_1083 : vector<64x128xf32>
    %log1p3A_1085 = math.log1p %exp3A_1084 : vector<64x128xf32>
    %add3A_1086 = arith.addf %max3A_1074, %log1p3A_1085 : vector<64x128xf32>
    %select_n3A_1087 = arith.select %ne3A_1077, %add3A_1079, %add3A_1086 : vector<64x128xi1>, vector<64x128xf32>
    %add3A_1088 = arith.addf %add3A_1061, %select_n3A_1087 : vector<64x128xf32>
    %get3A_1089 = arith.constant 0 : index
    %get3A_1090 = arith.constant 3 : index
    %get3A_1091 = vector.load %arg3[%get3A_1089, %get3A_1090] : memref<1x32xf32, #tpu.memory_space<vmem>>, vector<1x1xf32>
    %get3A_1092 = vector.extract %get3A_1091[0, 0] : f32 from vector<1x1xf32>
    %slice3A_1093 = vector.extract_strided_slice %dot_general3A_30 {offsets = [3, 0], sizes = [1, 1], strides = [1, 1]} : vector<32x1xf32> to vector<1x1xf32>
    %squeeze3A_1094 = vector.extract %slice3A_1093[0, 0] : f32 from vector<1x1xf32>
    %mul3A_1095 = vector.broadcast %squeeze3A_1094 : f32 to vector<64x128xf32>
    %mul3A_1096 = arith.mulf %exp3A_1005, %mul3A_1095 : vector<64x128xf32>
    %add3A_1097 = vector.broadcast %get3A_1092 : f32 to vector<64x128xf32>
    %add3A_1098 = arith.addf %add3A_1097, %mul3A_1096 : vector<64x128xf32>
    %custom_jvp_call3A_1099 = arith.constant 0.000000e+00 : f32
    %max3A_1100 = vector.broadcast %custom_jvp_call3A_1099 : f32 to vector<64x128xf32>
    %max3A_1101 = arith.maximumf %add3A_1098, %max3A_1100 : vector<64x128xf32>
    %sub3A_1102 = vector.broadcast %custom_jvp_call3A_1099 : f32 to vector<64x128xf32>
    %sub3A_1103 = arith.subf %add3A_1098, %sub3A_1102 : vector<64x128xf32>
    %ne3A_1104 = arith.cmpf one, %sub3A_1103, %sub3A_1103 : vector<64x128xf32>
    %add3A_1105 = vector.broadcast %custom_jvp_call3A_1099 : f32 to vector<64x128xf32>
    %add3A_1106 = arith.addf %add3A_1098, %add3A_1105 : vector<64x128xf32>
    %abs3A_1107 = math.absf %sub3A_1103 : vector<64x128xf32>
    %neg3A_1108 = arith.constant 0.000000e+00 : f32
    %neg3A_1109 = vector.broadcast %neg3A_1108 : f32 to vector<64x128xf32>
    %neg3A_1110 = arith.subf %neg3A_1109, %abs3A_1107 : vector<64x128xf32>
    %exp3A_1111 = math.exp %neg3A_1110 : vector<64x128xf32>
    %log1p3A_1112 = math.log1p %exp3A_1111 : vector<64x128xf32>
    %add3A_1113 = arith.addf %max3A_1101, %log1p3A_1112 : vector<64x128xf32>
    %select_n3A_1114 = arith.select %ne3A_1104, %add3A_1106, %add3A_1113 : vector<64x128xi1>, vector<64x128xf32>
    %add3A_1115 = arith.addf %add3A_1088, %select_n3A_1114 : vector<64x128xf32>
    %get3A_1116 = arith.constant 0 : index
    %get3A_1117 = arith.constant 4 : index
    %get3A_1118 = vector.load %arg3[%get3A_1116, %get3A_1117] : memref<1x32xf32, #tpu.memory_space<vmem>>, vector<1x1xf32>
    %get3A_1119 = vector.extract %get3A_1118[0, 0] : f32 from vector<1x1xf32>
    %slice3A_1120 = vector.extract_strided_slice %dot_general3A_30 {offsets = [4, 0], sizes = [1, 1], strides = [1, 1]} : vector<32x1xf32> to vector<1x1xf32>
    %squeeze3A_1121 = vector.extract %slice3A_1120[0, 0] : f32 from vector<1x1xf32>
    %mul3A_1122 = vector.broadcast %squeeze3A_1121 : f32 to vector<64x128xf32>
    %mul3A_1123 = arith.mulf %exp3A_1005, %mul3A_1122 : vector<64x128xf32>
    %add3A_1124 = vector.broadcast %get3A_1119 : f32 to vector<64x128xf32>
    %add3A_1125 = arith.addf %add3A_1124, %mul3A_1123 : vector<64x128xf32>
    %custom_jvp_call3A_1126 = arith.constant 0.000000e+00 : f32
    %max3A_1127 = vector.broadcast %custom_jvp_call3A_1126 : f32 to vector<64x128xf32>
    %max3A_1128 = arith.maximumf %add3A_1125, %max3A_1127 : vector<64x128xf32>
    %sub3A_1129 = vector.broadcast %custom_jvp_call3A_1126 : f32 to vector<64x128xf32>
    %sub3A_1130 = arith.subf %add3A_1125, %sub3A_1129 : vector<64x128xf32>
    %ne3A_1131 = arith.cmpf one, %sub3A_1130, %sub3A_1130 : vector<64x128xf32>
    %add3A_1132 = vector.broadcast %custom_jvp_call3A_1126 : f32 to vector<64x128xf32>
    %add3A_1133 = arith.addf %add3A_1125, %add3A_1132 : vector<64x128xf32>
    %abs3A_1134 = math.absf %sub3A_1130 : vector<64x128xf32>
    %neg3A_1135 = arith.constant 0.000000e+00 : f32
    %neg3A_1136 = vector.broadcast %neg3A_1135 : f32 to vector<64x128xf32>
    %neg3A_1137 = arith.subf %neg3A_1136, %abs3A_1134 : vector<64x128xf32>
    %exp3A_1138 = math.exp %neg3A_1137 : vector<64x128xf32>
    %log1p3A_1139 = math.log1p %exp3A_1138 : vector<64x128xf32>
    %add3A_1140 = arith.addf %max3A_1128, %log1p3A_1139 : vector<64x128xf32>
    %select_n3A_1141 = arith.select %ne3A_1131, %add3A_1133, %add3A_1140 : vector<64x128xi1>, vector<64x128xf32>
    %add3A_1142 = arith.addf %add3A_1115, %select_n3A_1141 : vector<64x128xf32>
    %get3A_1143 = arith.constant 0 : index
    %get3A_1144 = arith.constant 5 : index
    %get3A_1145 = vector.load %arg3[%get3A_1143, %get3A_1144] : memref<1x32xf32, #tpu.memory_space<vmem>>, vector<1x1xf32>
    %get3A_1146 = vector.extract %get3A_1145[0, 0] : f32 from vector<1x1xf32>
    %slice3A_1147 = vector.extract_strided_slice %dot_general3A_30 {offsets = [5, 0], sizes = [1, 1], strides = [1, 1]} : vector<32x1xf32> to vector<1x1xf32>
    %squeeze3A_1148 = vector.extract %slice3A_1147[0, 0] : f32 from vector<1x1xf32>
    %mul3A_1149 = vector.broadcast %squeeze3A_1148 : f32 to vector<64x128xf32>
    %mul3A_1150 = arith.mulf %exp3A_1005, %mul3A_1149 : vector<64x128xf32>
    %add3A_1151 = vector.broadcast %get3A_1146 : f32 to vector<64x128xf32>
    %add3A_1152 = arith.addf %add3A_1151, %mul3A_1150 : vector<64x128xf32>
    %custom_jvp_call3A_1153 = arith.constant 0.000000e+00 : f32
    %max3A_1154 = vector.broadcast %custom_jvp_call3A_1153 : f32 to vector<64x128xf32>
    %max3A_1155 = arith.maximumf %add3A_1152, %max3A_1154 : vector<64x128xf32>
    %sub3A_1156 = vector.broadcast %custom_jvp_call3A_1153 : f32 to vector<64x128xf32>
    %sub3A_1157 = arith.subf %add3A_1152, %sub3A_1156 : vector<64x128xf32>
    %ne3A_1158 = arith.cmpf one, %sub3A_1157, %sub3A_1157 : vector<64x128xf32>
    %add3A_1159 = vector.broadcast %custom_jvp_call3A_1153 : f32 to vector<64x128xf32>
    %add3A_1160 = arith.addf %add3A_1152, %add3A_1159 : vector<64x128xf32>
    %abs3A_1161 = math.absf %sub3A_1157 : vector<64x128xf32>
    %neg3A_1162 = arith.constant 0.000000e+00 : f32
    %neg3A_1163 = vector.broadcast %neg3A_1162 : f32 to vector<64x128xf32>
    %neg3A_1164 = arith.subf %neg3A_1163, %abs3A_1161 : vector<64x128xf32>
    %exp3A_1165 = math.exp %neg3A_1164 : vector<64x128xf32>
    %log1p3A_1166 = math.log1p %exp3A_1165 : vector<64x128xf32>
    %add3A_1167 = arith.addf %max3A_1155, %log1p3A_1166 : vector<64x128xf32>
    %select_n3A_1168 = arith.select %ne3A_1158, %add3A_1160, %add3A_1167 : vector<64x128xi1>, vector<64x128xf32>
    %add3A_1169 = arith.addf %add3A_1142, %select_n3A_1168 : vector<64x128xf32>
    %get3A_1170 = arith.constant 0 : index
    %get3A_1171 = arith.constant 6 : index
    %get3A_1172 = vector.load %arg3[%get3A_1170, %get3A_1171] : memref<1x32xf32, #tpu.memory_space<vmem>>, vector<1x1xf32>
    %get3A_1173 = vector.extract %get3A_1172[0, 0] : f32 from vector<1x1xf32>
    %slice3A_1174 = vector.extract_strided_slice %dot_general3A_30 {offsets = [6, 0], sizes = [1, 1], strides = [1, 1]} : vector<32x1xf32> to vector<1x1xf32>
    %squeeze3A_1175 = vector.extract %slice3A_1174[0, 0] : f32 from vector<1x1xf32>
    %mul3A_1176 = vector.broadcast %squeeze3A_1175 : f32 to vector<64x128xf32>
    %mul3A_1177 = arith.mulf %exp3A_1005, %mul3A_1176 : vector<64x128xf32>
    %add3A_1178 = vector.broadcast %get3A_1173 : f32 to vector<64x128xf32>
    %add3A_1179 = arith.addf %add3A_1178, %mul3A_1177 : vector<64x128xf32>
    %custom_jvp_call3A_1180 = arith.constant 0.000000e+00 : f32
    %max3A_1181 = vector.broadcast %custom_jvp_call3A_1180 : f32 to vector<64x128xf32>
    %max3A_1182 = arith.maximumf %add3A_1179, %max3A_1181 : vector<64x128xf32>
    %sub3A_1183 = vector.broadcast %custom_jvp_call3A_1180 : f32 to vector<64x128xf32>
    %sub3A_1184 = arith.subf %add3A_1179, %sub3A_1183 : vector<64x128xf32>
    %ne3A_1185 = arith.cmpf one, %sub3A_1184, %sub3A_1184 : vector<64x128xf32>
    %add3A_1186 = vector.broadcast %custom_jvp_call3A_1180 : f32 to vector<64x128xf32>
    %add3A_1187 = arith.addf %add3A_1179, %add3A_1186 : vector<64x128xf32>
    %abs3A_1188 = math.absf %sub3A_1184 : vector<64x128xf32>
    %neg3A_1189 = arith.constant 0.000000e+00 : f32
    %neg3A_1190 = vector.broadcast %neg3A_1189 : f32 to vector<64x128xf32>
    %neg3A_1191 = arith.subf %neg3A_1190, %abs3A_1188 : vector<64x128xf32>
    %exp3A_1192 = math.exp %neg3A_1191 : vector<64x128xf32>
    %log1p3A_1193 = math.log1p %exp3A_1192 : vector<64x128xf32>
    %add3A_1194 = arith.addf %max3A_1182, %log1p3A_1193 : vector<64x128xf32>
    %select_n3A_1195 = arith.select %ne3A_1185, %add3A_1187, %add3A_1194 : vector<64x128xi1>, vector<64x128xf32>
    %add3A_1196 = arith.addf %add3A_1169, %select_n3A_1195 : vector<64x128xf32>
    %get3A_1197 = arith.constant 0 : index
    %get3A_1198 = arith.constant 7 : index
    %get3A_1199 = vector.load %arg3[%get3A_1197, %get3A_1198] : memref<1x32xf32, #tpu.memory_space<vmem>>, vector<1x1xf32>
    %get3A_1200 = vector.extract %get3A_1199[0, 0] : f32 from vector<1x1xf32>
    %slice3A_1201 = vector.extract_strided_slice %dot_general3A_30 {offsets = [7, 0], sizes = [1, 1], strides = [1, 1]} : vector<32x1xf32> to vector<1x1xf32>
    %squeeze3A_1202 = vector.extract %slice3A_1201[0, 0] : f32 from vector<1x1xf32>
    %mul3A_1203 = vector.broadcast %squeeze3A_1202 : f32 to vector<64x128xf32>
    %mul3A_1204 = arith.mulf %exp3A_1005, %mul3A_1203 : vector<64x128xf32>
    %add3A_1205 = vector.broadcast %get3A_1200 : f32 to vector<64x128xf32>
    %add3A_1206 = arith.addf %add3A_1205, %mul3A_1204 : vector<64x128xf32>
    %custom_jvp_call3A_1207 = arith.constant 0.000000e+00 : f32
    %max3A_1208 = vector.broadcast %custom_jvp_call3A_1207 : f32 to vector<64x128xf32>
    %max3A_1209 = arith.maximumf %add3A_1206, %max3A_1208 : vector<64x128xf32>
    %sub3A_1210 = vector.broadcast %custom_jvp_call3A_1207 : f32 to vector<64x128xf32>
    %sub3A_1211 = arith.subf %add3A_1206, %sub3A_1210 : vector<64x128xf32>
    %ne3A_1212 = arith.cmpf one, %sub3A_1211, %sub3A_1211 : vector<64x128xf32>
    %add3A_1213 = vector.broadcast %custom_jvp_call3A_1207 : f32 to vector<64x128xf32>
    %add3A_1214 = arith.addf %add3A_1206, %add3A_1213 : vector<64x128xf32>
    %abs3A_1215 = math.absf %sub3A_1211 : vector<64x128xf32>
    %neg3A_1216 = arith.constant 0.000000e+00 : f32
    %neg3A_1217 = vector.broadcast %neg3A_1216 : f32 to vector<64x128xf32>
    %neg3A_1218 = arith.subf %neg3A_1217, %abs3A_1215 : vector<64x128xf32>
    %exp3A_1219 = math.exp %neg3A_1218 : vector<64x128xf32>
    %log1p3A_1220 = math.log1p %exp3A_1219 : vector<64x128xf32>
    %add3A_1221 = arith.addf %max3A_1209, %log1p3A_1220 : vector<64x128xf32>
    %select_n3A_1222 = arith.select %ne3A_1212, %add3A_1214, %add3A_1221 : vector<64x128xi1>, vector<64x128xf32>
    %add3A_1223 = arith.addf %add3A_1196, %select_n3A_1222 : vector<64x128xf32>
    %get3A_1224 = arith.constant 0 : index
    %get3A_1225 = arith.constant 8 : index
    %get3A_1226 = vector.load %arg3[%get3A_1224, %get3A_1225] : memref<1x32xf32, #tpu.memory_space<vmem>>, vector<1x1xf32>
    %get3A_1227 = vector.extract %get3A_1226[0, 0] : f32 from vector<1x1xf32>
    %slice3A_1228 = vector.extract_strided_slice %dot_general3A_30 {offsets = [8, 0], sizes = [1, 1], strides = [1, 1]} : vector<32x1xf32> to vector<1x1xf32>
    %squeeze3A_1229 = vector.extract %slice3A_1228[0, 0] : f32 from vector<1x1xf32>
    %mul3A_1230 = vector.broadcast %squeeze3A_1229 : f32 to vector<64x128xf32>
    %mul3A_1231 = arith.mulf %exp3A_1005, %mul3A_1230 : vector<64x128xf32>
    %add3A_1232 = vector.broadcast %get3A_1227 : f32 to vector<64x128xf32>
    %add3A_1233 = arith.addf %add3A_1232, %mul3A_1231 : vector<64x128xf32>
    %custom_jvp_call3A_1234 = arith.constant 0.000000e+00 : f32
    %max3A_1235 = vector.broadcast %custom_jvp_call3A_1234 : f32 to vector<64x128xf32>
    %max3A_1236 = arith.maximumf %add3A_1233, %max3A_1235 : vector<64x128xf32>
    %sub3A_1237 = vector.broadcast %custom_jvp_call3A_1234 : f32 to vector<64x128xf32>
    %sub3A_1238 = arith.subf %add3A_1233, %sub3A_1237 : vector<64x128xf32>
    %ne3A_1239 = arith.cmpf one, %sub3A_1238, %sub3A_1238 : vector<64x128xf32>
    %add3A_1240 = vector.broadcast %custom_jvp_call3A_1234 : f32 to vector<64x128xf32>
    %add3A_1241 = arith.addf %add3A_1233, %add3A_1240 : vector<64x128xf32>
    %abs3A_1242 = math.absf %sub3A_1238 : vector<64x128xf32>
    %neg3A_1243 = arith.constant 0.000000e+00 : f32
    %neg3A_1244 = vector.broadcast %neg3A_1243 : f32 to vector<64x128xf32>
    %neg3A_1245 = arith.subf %neg3A_1244, %abs3A_1242 : vector<64x128xf32>
    %exp3A_1246 = math.exp %neg3A_1245 : vector<64x128xf32>
    %log1p3A_1247 = math.log1p %exp3A_1246 : vector<64x128xf32>
    %add3A_1248 = arith.addf %max3A_1236, %log1p3A_1247 : vector<64x128xf32>
    %select_n3A_1249 = arith.select %ne3A_1239, %add3A_1241, %add3A_1248 : vector<64x128xi1>, vector<64x128xf32>
    %add3A_1250 = arith.addf %add3A_1223, %select_n3A_1249 : vector<64x128xf32>
    %get3A_1251 = arith.constant 0 : index
    %get3A_1252 = arith.constant 9 : index
    %get3A_1253 = vector.load %arg3[%get3A_1251, %get3A_1252] : memref<1x32xf32, #tpu.memory_space<vmem>>, vector<1x1xf32>
    %get3A_1254 = vector.extract %get3A_1253[0, 0] : f32 from vector<1x1xf32>
    %slice3A_1255 = vector.extract_strided_slice %dot_general3A_30 {offsets = [9, 0], sizes = [1, 1], strides = [1, 1]} : vector<32x1xf32> to vector<1x1xf32>
    %squeeze3A_1256 = vector.extract %slice3A_1255[0, 0] : f32 from vector<1x1xf32>
    %mul3A_1257 = vector.broadcast %squeeze3A_1256 : f32 to vector<64x128xf32>
    %mul3A_1258 = arith.mulf %exp3A_1005, %mul3A_1257 : vector<64x128xf32>
    %add3A_1259 = vector.broadcast %get3A_1254 : f32 to vector<64x128xf32>
    %add3A_1260 = arith.addf %add3A_1259, %mul3A_1258 : vector<64x128xf32>
    %custom_jvp_call3A_1261 = arith.constant 0.000000e+00 : f32
    %max3A_1262 = vector.broadcast %custom_jvp_call3A_1261 : f32 to vector<64x128xf32>
    %max3A_1263 = arith.maximumf %add3A_1260, %max3A_1262 : vector<64x128xf32>
    %sub3A_1264 = vector.broadcast %custom_jvp_call3A_1261 : f32 to vector<64x128xf32>
    %sub3A_1265 = arith.subf %add3A_1260, %sub3A_1264 : vector<64x128xf32>
    %ne3A_1266 = arith.cmpf one, %sub3A_1265, %sub3A_1265 : vector<64x128xf32>
    %add3A_1267 = vector.broadcast %custom_jvp_call3A_1261 : f32 to vector<64x128xf32>
    %add3A_1268 = arith.addf %add3A_1260, %add3A_1267 : vector<64x128xf32>
    %abs3A_1269 = math.absf %sub3A_1265 : vector<64x128xf32>
    %neg3A_1270 = arith.constant 0.000000e+00 : f32
    %neg3A_1271 = vector.broadcast %neg3A_1270 : f32 to vector<64x128xf32>
    %neg3A_1272 = arith.subf %neg3A_1271, %abs3A_1269 : vector<64x128xf32>
    %exp3A_1273 = math.exp %neg3A_1272 : vector<64x128xf32>
    %log1p3A_1274 = math.log1p %exp3A_1273 : vector<64x128xf32>
    %add3A_1275 = arith.addf %max3A_1263, %log1p3A_1274 : vector<64x128xf32>
    %select_n3A_1276 = arith.select %ne3A_1266, %add3A_1268, %add3A_1275 : vector<64x128xi1>, vector<64x128xf32>
    %add3A_1277 = arith.addf %add3A_1250, %select_n3A_1276 : vector<64x128xf32>
    %get3A_1278 = arith.constant 0 : index
    %get3A_1279 = arith.constant 10 : index
    %get3A_1280 = vector.load %arg3[%get3A_1278, %get3A_1279] : memref<1x32xf32, #tpu.memory_space<vmem>>, vector<1x1xf32>
    %get3A_1281 = vector.extract %get3A_1280[0, 0] : f32 from vector<1x1xf32>
    %slice3A_1282 = vector.extract_strided_slice %dot_general3A_30 {offsets = [10, 0], sizes = [1, 1], strides = [1, 1]} : vector<32x1xf32> to vector<1x1xf32>
    %squeeze3A_1283 = vector.extract %slice3A_1282[0, 0] : f32 from vector<1x1xf32>
    %mul3A_1284 = vector.broadcast %squeeze3A_1283 : f32 to vector<64x128xf32>
    %mul3A_1285 = arith.mulf %exp3A_1005, %mul3A_1284 : vector<64x128xf32>
    %add3A_1286 = vector.broadcast %get3A_1281 : f32 to vector<64x128xf32>
    %add3A_1287 = arith.addf %add3A_1286, %mul3A_1285 : vector<64x128xf32>
    %custom_jvp_call3A_1288 = arith.constant 0.000000e+00 : f32
    %max3A_1289 = vector.broadcast %custom_jvp_call3A_1288 : f32 to vector<64x128xf32>
    %max3A_1290 = arith.maximumf %add3A_1287, %max3A_1289 : vector<64x128xf32>
    %sub3A_1291 = vector.broadcast %custom_jvp_call3A_1288 : f32 to vector<64x128xf32>
    %sub3A_1292 = arith.subf %add3A_1287, %sub3A_1291 : vector<64x128xf32>
    %ne3A_1293 = arith.cmpf one, %sub3A_1292, %sub3A_1292 : vector<64x128xf32>
    %add3A_1294 = vector.broadcast %custom_jvp_call3A_1288 : f32 to vector<64x128xf32>
    %add3A_1295 = arith.addf %add3A_1287, %add3A_1294 : vector<64x128xf32>
    %abs3A_1296 = math.absf %sub3A_1292 : vector<64x128xf32>
    %neg3A_1297 = arith.constant 0.000000e+00 : f32
    %neg3A_1298 = vector.broadcast %neg3A_1297 : f32 to vector<64x128xf32>
    %neg3A_1299 = arith.subf %neg3A_1298, %abs3A_1296 : vector<64x128xf32>
    %exp3A_1300 = math.exp %neg3A_1299 : vector<64x128xf32>
    %log1p3A_1301 = math.log1p %exp3A_1300 : vector<64x128xf32>
    %add3A_1302 = arith.addf %max3A_1290, %log1p3A_1301 : vector<64x128xf32>
    %select_n3A_1303 = arith.select %ne3A_1293, %add3A_1295, %add3A_1302 : vector<64x128xi1>, vector<64x128xf32>
    %add3A_1304 = arith.addf %add3A_1277, %select_n3A_1303 : vector<64x128xf32>
    %get3A_1305 = arith.constant 0 : index
    %get3A_1306 = arith.constant 11 : index
    %get3A_1307 = vector.load %arg3[%get3A_1305, %get3A_1306] : memref<1x32xf32, #tpu.memory_space<vmem>>, vector<1x1xf32>
    %get3A_1308 = vector.extract %get3A_1307[0, 0] : f32 from vector<1x1xf32>
    %slice3A_1309 = vector.extract_strided_slice %dot_general3A_30 {offsets = [11, 0], sizes = [1, 1], strides = [1, 1]} : vector<32x1xf32> to vector<1x1xf32>
    %squeeze3A_1310 = vector.extract %slice3A_1309[0, 0] : f32 from vector<1x1xf32>
    %mul3A_1311 = vector.broadcast %squeeze3A_1310 : f32 to vector<64x128xf32>
    %mul3A_1312 = arith.mulf %exp3A_1005, %mul3A_1311 : vector<64x128xf32>
    %add3A_1313 = vector.broadcast %get3A_1308 : f32 to vector<64x128xf32>
    %add3A_1314 = arith.addf %add3A_1313, %mul3A_1312 : vector<64x128xf32>
    %custom_jvp_call3A_1315 = arith.constant 0.000000e+00 : f32
    %max3A_1316 = vector.broadcast %custom_jvp_call3A_1315 : f32 to vector<64x128xf32>
    %max3A_1317 = arith.maximumf %add3A_1314, %max3A_1316 : vector<64x128xf32>
    %sub3A_1318 = vector.broadcast %custom_jvp_call3A_1315 : f32 to vector<64x128xf32>
    %sub3A_1319 = arith.subf %add3A_1314, %sub3A_1318 : vector<64x128xf32>
    %ne3A_1320 = arith.cmpf one, %sub3A_1319, %sub3A_1319 : vector<64x128xf32>
    %add3A_1321 = vector.broadcast %custom_jvp_call3A_1315 : f32 to vector<64x128xf32>
    %add3A_1322 = arith.addf %add3A_1314, %add3A_1321 : vector<64x128xf32>
    %abs3A_1323 = math.absf %sub3A_1319 : vector<64x128xf32>
    %neg3A_1324 = arith.constant 0.000000e+00 : f32
    %neg3A_1325 = vector.broadcast %neg3A_1324 : f32 to vector<64x128xf32>
    %neg3A_1326 = arith.subf %neg3A_1325, %abs3A_1323 : vector<64x128xf32>
    %exp3A_1327 = math.exp %neg3A_1326 : vector<64x128xf32>
    %log1p3A_1328 = math.log1p %exp3A_1327 : vector<64x128xf32>
    %add3A_1329 = arith.addf %max3A_1317, %log1p3A_1328 : vector<64x128xf32>
    %select_n3A_1330 = arith.select %ne3A_1320, %add3A_1322, %add3A_1329 : vector<64x128xi1>, vector<64x128xf32>
    %add3A_1331 = arith.addf %add3A_1304, %select_n3A_1330 : vector<64x128xf32>
    %get3A_1332 = arith.constant 0 : index
    %get3A_1333 = arith.constant 12 : index
    %get3A_1334 = vector.load %arg3[%get3A_1332, %get3A_1333] : memref<1x32xf32, #tpu.memory_space<vmem>>, vector<1x1xf32>
    %get3A_1335 = vector.extract %get3A_1334[0, 0] : f32 from vector<1x1xf32>
    %slice3A_1336 = vector.extract_strided_slice %dot_general3A_30 {offsets = [12, 0], sizes = [1, 1], strides = [1, 1]} : vector<32x1xf32> to vector<1x1xf32>
    %squeeze3A_1337 = vector.extract %slice3A_1336[0, 0] : f32 from vector<1x1xf32>
    %mul3A_1338 = vector.broadcast %squeeze3A_1337 : f32 to vector<64x128xf32>
    %mul3A_1339 = arith.mulf %exp3A_1005, %mul3A_1338 : vector<64x128xf32>
    %add3A_1340 = vector.broadcast %get3A_1335 : f32 to vector<64x128xf32>
    %add3A_1341 = arith.addf %add3A_1340, %mul3A_1339 : vector<64x128xf32>
    %custom_jvp_call3A_1342 = arith.constant 0.000000e+00 : f32
    %max3A_1343 = vector.broadcast %custom_jvp_call3A_1342 : f32 to vector<64x128xf32>
    %max3A_1344 = arith.maximumf %add3A_1341, %max3A_1343 : vector<64x128xf32>
    %sub3A_1345 = vector.broadcast %custom_jvp_call3A_1342 : f32 to vector<64x128xf32>
    %sub3A_1346 = arith.subf %add3A_1341, %sub3A_1345 : vector<64x128xf32>
    %ne3A_1347 = arith.cmpf one, %sub3A_1346, %sub3A_1346 : vector<64x128xf32>
    %add3A_1348 = vector.broadcast %custom_jvp_call3A_1342 : f32 to vector<64x128xf32>
    %add3A_1349 = arith.addf %add3A_1341, %add3A_1348 : vector<64x128xf32>
    %abs3A_1350 = math.absf %sub3A_1346 : vector<64x128xf32>
    %neg3A_1351 = arith.constant 0.000000e+00 : f32
    %neg3A_1352 = vector.broadcast %neg3A_1351 : f32 to vector<64x128xf32>
    %neg3A_1353 = arith.subf %neg3A_1352, %abs3A_1350 : vector<64x128xf32>
    %exp3A_1354 = math.exp %neg3A_1353 : vector<64x128xf32>
    %log1p3A_1355 = math.log1p %exp3A_1354 : vector<64x128xf32>
    %add3A_1356 = arith.addf %max3A_1344, %log1p3A_1355 : vector<64x128xf32>
    %select_n3A_1357 = arith.select %ne3A_1347, %add3A_1349, %add3A_1356 : vector<64x128xi1>, vector<64x128xf32>
    %add3A_1358 = arith.addf %add3A_1331, %select_n3A_1357 : vector<64x128xf32>
    %get3A_1359 = arith.constant 0 : index
    %get3A_1360 = arith.constant 13 : index
    %get3A_1361 = vector.load %arg3[%get3A_1359, %get3A_1360] : memref<1x32xf32, #tpu.memory_space<vmem>>, vector<1x1xf32>
    %get3A_1362 = vector.extract %get3A_1361[0, 0] : f32 from vector<1x1xf32>
    %slice3A_1363 = vector.extract_strided_slice %dot_general3A_30 {offsets = [13, 0], sizes = [1, 1], strides = [1, 1]} : vector<32x1xf32> to vector<1x1xf32>
    %squeeze3A_1364 = vector.extract %slice3A_1363[0, 0] : f32 from vector<1x1xf32>
    %mul3A_1365 = vector.broadcast %squeeze3A_1364 : f32 to vector<64x128xf32>
    %mul3A_1366 = arith.mulf %exp3A_1005, %mul3A_1365 : vector<64x128xf32>
    %add3A_1367 = vector.broadcast %get3A_1362 : f32 to vector<64x128xf32>
    %add3A_1368 = arith.addf %add3A_1367, %mul3A_1366 : vector<64x128xf32>
    %custom_jvp_call3A_1369 = arith.constant 0.000000e+00 : f32
    %max3A_1370 = vector.broadcast %custom_jvp_call3A_1369 : f32 to vector<64x128xf32>
    %max3A_1371 = arith.maximumf %add3A_1368, %max3A_1370 : vector<64x128xf32>
    %sub3A_1372 = vector.broadcast %custom_jvp_call3A_1369 : f32 to vector<64x128xf32>
    %sub3A_1373 = arith.subf %add3A_1368, %sub3A_1372 : vector<64x128xf32>
    %ne3A_1374 = arith.cmpf one, %sub3A_1373, %sub3A_1373 : vector<64x128xf32>
    %add3A_1375 = vector.broadcast %custom_jvp_call3A_1369 : f32 to vector<64x128xf32>
    %add3A_1376 = arith.addf %add3A_1368, %add3A_1375 : vector<64x128xf32>
    %abs3A_1377 = math.absf %sub3A_1373 : vector<64x128xf32>
    %neg3A_1378 = arith.constant 0.000000e+00 : f32
    %neg3A_1379 = vector.broadcast %neg3A_1378 : f32 to vector<64x128xf32>
    %neg3A_1380 = arith.subf %neg3A_1379, %abs3A_1377 : vector<64x128xf32>
    %exp3A_1381 = math.exp %neg3A_1380 : vector<64x128xf32>
    %log1p3A_1382 = math.log1p %exp3A_1381 : vector<64x128xf32>
    %add3A_1383 = arith.addf %max3A_1371, %log1p3A_1382 : vector<64x128xf32>
    %select_n3A_1384 = arith.select %ne3A_1374, %add3A_1376, %add3A_1383 : vector<64x128xi1>, vector<64x128xf32>
    %add3A_1385 = arith.addf %add3A_1358, %select_n3A_1384 : vector<64x128xf32>
    %get3A_1386 = arith.constant 0 : index
    %get3A_1387 = arith.constant 14 : index
    %get3A_1388 = vector.load %arg3[%get3A_1386, %get3A_1387] : memref<1x32xf32, #tpu.memory_space<vmem>>, vector<1x1xf32>
    %get3A_1389 = vector.extract %get3A_1388[0, 0] : f32 from vector<1x1xf32>
    %slice3A_1390 = vector.extract_strided_slice %dot_general3A_30 {offsets = [14, 0], sizes = [1, 1], strides = [1, 1]} : vector<32x1xf32> to vector<1x1xf32>
    %squeeze3A_1391 = vector.extract %slice3A_1390[0, 0] : f32 from vector<1x1xf32>
    %mul3A_1392 = vector.broadcast %squeeze3A_1391 : f32 to vector<64x128xf32>
    %mul3A_1393 = arith.mulf %exp3A_1005, %mul3A_1392 : vector<64x128xf32>
    %add3A_1394 = vector.broadcast %get3A_1389 : f32 to vector<64x128xf32>
    %add3A_1395 = arith.addf %add3A_1394, %mul3A_1393 : vector<64x128xf32>
    %custom_jvp_call3A_1396 = arith.constant 0.000000e+00 : f32
    %max3A_1397 = vector.broadcast %custom_jvp_call3A_1396 : f32 to vector<64x128xf32>
    %max3A_1398 = arith.maximumf %add3A_1395, %max3A_1397 : vector<64x128xf32>
    %sub3A_1399 = vector.broadcast %custom_jvp_call3A_1396 : f32 to vector<64x128xf32>
    %sub3A_1400 = arith.subf %add3A_1395, %sub3A_1399 : vector<64x128xf32>
    %ne3A_1401 = arith.cmpf one, %sub3A_1400, %sub3A_1400 : vector<64x128xf32>
    %add3A_1402 = vector.broadcast %custom_jvp_call3A_1396 : f32 to vector<64x128xf32>
    %add3A_1403 = arith.addf %add3A_1395, %add3A_1402 : vector<64x128xf32>
    %abs3A_1404 = math.absf %sub3A_1400 : vector<64x128xf32>
    %neg3A_1405 = arith.constant 0.000000e+00 : f32
    %neg3A_1406 = vector.broadcast %neg3A_1405 : f32 to vector<64x128xf32>
    %neg3A_1407 = arith.subf %neg3A_1406, %abs3A_1404 : vector<64x128xf32>
    %exp3A_1408 = math.exp %neg3A_1407 : vector<64x128xf32>
    %log1p3A_1409 = math.log1p %exp3A_1408 : vector<64x128xf32>
    %add3A_1410 = arith.addf %max3A_1398, %log1p3A_1409 : vector<64x128xf32>
    %select_n3A_1411 = arith.select %ne3A_1401, %add3A_1403, %add3A_1410 : vector<64x128xi1>, vector<64x128xf32>
    %add3A_1412 = arith.addf %add3A_1385, %select_n3A_1411 : vector<64x128xf32>
    %get3A_1413 = arith.constant 0 : index
    %get3A_1414 = arith.constant 15 : index
    %get3A_1415 = vector.load %arg3[%get3A_1413, %get3A_1414] : memref<1x32xf32, #tpu.memory_space<vmem>>, vector<1x1xf32>
    %get3A_1416 = vector.extract %get3A_1415[0, 0] : f32 from vector<1x1xf32>
    %slice3A_1417 = vector.extract_strided_slice %dot_general3A_30 {offsets = [15, 0], sizes = [1, 1], strides = [1, 1]} : vector<32x1xf32> to vector<1x1xf32>
    %squeeze3A_1418 = vector.extract %slice3A_1417[0, 0] : f32 from vector<1x1xf32>
    %mul3A_1419 = vector.broadcast %squeeze3A_1418 : f32 to vector<64x128xf32>
    %mul3A_1420 = arith.mulf %exp3A_1005, %mul3A_1419 : vector<64x128xf32>
    %add3A_1421 = vector.broadcast %get3A_1416 : f32 to vector<64x128xf32>
    %add3A_1422 = arith.addf %add3A_1421, %mul3A_1420 : vector<64x128xf32>
    %custom_jvp_call3A_1423 = arith.constant 0.000000e+00 : f32
    %max3A_1424 = vector.broadcast %custom_jvp_call3A_1423 : f32 to vector<64x128xf32>
    %max3A_1425 = arith.maximumf %add3A_1422, %max3A_1424 : vector<64x128xf32>
    %sub3A_1426 = vector.broadcast %custom_jvp_call3A_1423 : f32 to vector<64x128xf32>
    %sub3A_1427 = arith.subf %add3A_1422, %sub3A_1426 : vector<64x128xf32>
    %ne3A_1428 = arith.cmpf one, %sub3A_1427, %sub3A_1427 : vector<64x128xf32>
    %add3A_1429 = vector.broadcast %custom_jvp_call3A_1423 : f32 to vector<64x128xf32>
    %add3A_1430 = arith.addf %add3A_1422, %add3A_1429 : vector<64x128xf32>
    %abs3A_1431 = math.absf %sub3A_1427 : vector<64x128xf32>
    %neg3A_1432 = arith.constant 0.000000e+00 : f32
    %neg3A_1433 = vector.broadcast %neg3A_1432 : f32 to vector<64x128xf32>
    %neg3A_1434 = arith.subf %neg3A_1433, %abs3A_1431 : vector<64x128xf32>
    %exp3A_1435 = math.exp %neg3A_1434 : vector<64x128xf32>
    %log1p3A_1436 = math.log1p %exp3A_1435 : vector<64x128xf32>
    %add3A_1437 = arith.addf %max3A_1425, %log1p3A_1436 : vector<64x128xf32>
    %select_n3A_1438 = arith.select %ne3A_1428, %add3A_1430, %add3A_1437 : vector<64x128xi1>, vector<64x128xf32>
    %add3A_1439 = arith.addf %add3A_1412, %select_n3A_1438 : vector<64x128xf32>
    %get3A_1440 = arith.constant 0 : index
    %get3A_1441 = arith.constant 16 : index
    %get3A_1442 = vector.load %arg3[%get3A_1440, %get3A_1441] : memref<1x32xf32, #tpu.memory_space<vmem>>, vector<1x1xf32>
    %get3A_1443 = vector.extract %get3A_1442[0, 0] : f32 from vector<1x1xf32>
    %slice3A_1444 = vector.extract_strided_slice %dot_general3A_30 {offsets = [16, 0], sizes = [1, 1], strides = [1, 1]} : vector<32x1xf32> to vector<1x1xf32>
    %squeeze3A_1445 = vector.extract %slice3A_1444[0, 0] : f32 from vector<1x1xf32>
    %mul3A_1446 = vector.broadcast %squeeze3A_1445 : f32 to vector<64x128xf32>
    %mul3A_1447 = arith.mulf %exp3A_1005, %mul3A_1446 : vector<64x128xf32>
    %add3A_1448 = vector.broadcast %get3A_1443 : f32 to vector<64x128xf32>
    %add3A_1449 = arith.addf %add3A_1448, %mul3A_1447 : vector<64x128xf32>
    %custom_jvp_call3A_1450 = arith.constant 0.000000e+00 : f32
    %max3A_1451 = vector.broadcast %custom_jvp_call3A_1450 : f32 to vector<64x128xf32>
    %max3A_1452 = arith.maximumf %add3A_1449, %max3A_1451 : vector<64x128xf32>
    %sub3A_1453 = vector.broadcast %custom_jvp_call3A_1450 : f32 to vector<64x128xf32>
    %sub3A_1454 = arith.subf %add3A_1449, %sub3A_1453 : vector<64x128xf32>
    %ne3A_1455 = arith.cmpf one, %sub3A_1454, %sub3A_1454 : vector<64x128xf32>
    %add3A_1456 = vector.broadcast %custom_jvp_call3A_1450 : f32 to vector<64x128xf32>
    %add3A_1457 = arith.addf %add3A_1449, %add3A_1456 : vector<64x128xf32>
    %abs3A_1458 = math.absf %sub3A_1454 : vector<64x128xf32>
    %neg3A_1459 = arith.constant 0.000000e+00 : f32
    %neg3A_1460 = vector.broadcast %neg3A_1459 : f32 to vector<64x128xf32>
    %neg3A_1461 = arith.subf %neg3A_1460, %abs3A_1458 : vector<64x128xf32>
    %exp3A_1462 = math.exp %neg3A_1461 : vector<64x128xf32>
    %log1p3A_1463 = math.log1p %exp3A_1462 : vector<64x128xf32>
    %add3A_1464 = arith.addf %max3A_1452, %log1p3A_1463 : vector<64x128xf32>
    %select_n3A_1465 = arith.select %ne3A_1455, %add3A_1457, %add3A_1464 : vector<64x128xi1>, vector<64x128xf32>
    %add3A_1466 = arith.addf %add3A_1439, %select_n3A_1465 : vector<64x128xf32>
    %get3A_1467 = arith.constant 0 : index
    %get3A_1468 = arith.constant 17 : index
    %get3A_1469 = vector.load %arg3[%get3A_1467, %get3A_1468] : memref<1x32xf32, #tpu.memory_space<vmem>>, vector<1x1xf32>
    %get3A_1470 = vector.extract %get3A_1469[0, 0] : f32 from vector<1x1xf32>
    %slice3A_1471 = vector.extract_strided_slice %dot_general3A_30 {offsets = [17, 0], sizes = [1, 1], strides = [1, 1]} : vector<32x1xf32> to vector<1x1xf32>
    %squeeze3A_1472 = vector.extract %slice3A_1471[0, 0] : f32 from vector<1x1xf32>
    %mul3A_1473 = vector.broadcast %squeeze3A_1472 : f32 to vector<64x128xf32>
    %mul3A_1474 = arith.mulf %exp3A_1005, %mul3A_1473 : vector<64x128xf32>
    %add3A_1475 = vector.broadcast %get3A_1470 : f32 to vector<64x128xf32>
    %add3A_1476 = arith.addf %add3A_1475, %mul3A_1474 : vector<64x128xf32>
    %custom_jvp_call3A_1477 = arith.constant 0.000000e+00 : f32
    %max3A_1478 = vector.broadcast %custom_jvp_call3A_1477 : f32 to vector<64x128xf32>
    %max3A_1479 = arith.maximumf %add3A_1476, %max3A_1478 : vector<64x128xf32>
    %sub3A_1480 = vector.broadcast %custom_jvp_call3A_1477 : f32 to vector<64x128xf32>
    %sub3A_1481 = arith.subf %add3A_1476, %sub3A_1480 : vector<64x128xf32>
    %ne3A_1482 = arith.cmpf one, %sub3A_1481, %sub3A_1481 : vector<64x128xf32>
    %add3A_1483 = vector.broadcast %custom_jvp_call3A_1477 : f32 to vector<64x128xf32>
    %add3A_1484 = arith.addf %add3A_1476, %add3A_1483 : vector<64x128xf32>
    %abs3A_1485 = math.absf %sub3A_1481 : vector<64x128xf32>
    %neg3A_1486 = arith.constant 0.000000e+00 : f32
    %neg3A_1487 = vector.broadcast %neg3A_1486 : f32 to vector<64x128xf32>
    %neg3A_1488 = arith.subf %neg3A_1487, %abs3A_1485 : vector<64x128xf32>
    %exp3A_1489 = math.exp %neg3A_1488 : vector<64x128xf32>
    %log1p3A_1490 = math.log1p %exp3A_1489 : vector<64x128xf32>
    %add3A_1491 = arith.addf %max3A_1479, %log1p3A_1490 : vector<64x128xf32>
    %select_n3A_1492 = arith.select %ne3A_1482, %add3A_1484, %add3A_1491 : vector<64x128xi1>, vector<64x128xf32>
    %add3A_1493 = arith.addf %add3A_1466, %select_n3A_1492 : vector<64x128xf32>
    %get3A_1494 = arith.constant 0 : index
    %get3A_1495 = arith.constant 18 : index
    %get3A_1496 = vector.load %arg3[%get3A_1494, %get3A_1495] : memref<1x32xf32, #tpu.memory_space<vmem>>, vector<1x1xf32>
    %get3A_1497 = vector.extract %get3A_1496[0, 0] : f32 from vector<1x1xf32>
    %slice3A_1498 = vector.extract_strided_slice %dot_general3A_30 {offsets = [18, 0], sizes = [1, 1], strides = [1, 1]} : vector<32x1xf32> to vector<1x1xf32>
    %squeeze3A_1499 = vector.extract %slice3A_1498[0, 0] : f32 from vector<1x1xf32>
    %mul3A_1500 = vector.broadcast %squeeze3A_1499 : f32 to vector<64x128xf32>
    %mul3A_1501 = arith.mulf %exp3A_1005, %mul3A_1500 : vector<64x128xf32>
    %add3A_1502 = vector.broadcast %get3A_1497 : f32 to vector<64x128xf32>
    %add3A_1503 = arith.addf %add3A_1502, %mul3A_1501 : vector<64x128xf32>
    %custom_jvp_call3A_1504 = arith.constant 0.000000e+00 : f32
    %max3A_1505 = vector.broadcast %custom_jvp_call3A_1504 : f32 to vector<64x128xf32>
    %max3A_1506 = arith.maximumf %add3A_1503, %max3A_1505 : vector<64x128xf32>
    %sub3A_1507 = vector.broadcast %custom_jvp_call3A_1504 : f32 to vector<64x128xf32>
    %sub3A_1508 = arith.subf %add3A_1503, %sub3A_1507 : vector<64x128xf32>
    %ne3A_1509 = arith.cmpf one, %sub3A_1508, %sub3A_1508 : vector<64x128xf32>
    %add3A_1510 = vector.broadcast %custom_jvp_call3A_1504 : f32 to vector<64x128xf32>
    %add3A_1511 = arith.addf %add3A_1503, %add3A_1510 : vector<64x128xf32>
    %abs3A_1512 = math.absf %sub3A_1508 : vector<64x128xf32>
    %neg3A_1513 = arith.constant 0.000000e+00 : f32
    %neg3A_1514 = vector.broadcast %neg3A_1513 : f32 to vector<64x128xf32>
    %neg3A_1515 = arith.subf %neg3A_1514, %abs3A_1512 : vector<64x128xf32>
    %exp3A_1516 = math.exp %neg3A_1515 : vector<64x128xf32>
    %log1p3A_1517 = math.log1p %exp3A_1516 : vector<64x128xf32>
    %add3A_1518 = arith.addf %max3A_1506, %log1p3A_1517 : vector<64x128xf32>
    %select_n3A_1519 = arith.select %ne3A_1509, %add3A_1511, %add3A_1518 : vector<64x128xi1>, vector<64x128xf32>
    %add3A_1520 = arith.addf %add3A_1493, %select_n3A_1519 : vector<64x128xf32>
    %get3A_1521 = arith.constant 0 : index
    %get3A_1522 = arith.constant 19 : index
    %get3A_1523 = vector.load %arg3[%get3A_1521, %get3A_1522] : memref<1x32xf32, #tpu.memory_space<vmem>>, vector<1x1xf32>
    %get3A_1524 = vector.extract %get3A_1523[0, 0] : f32 from vector<1x1xf32>
    %slice3A_1525 = vector.extract_strided_slice %dot_general3A_30 {offsets = [19, 0], sizes = [1, 1], strides = [1, 1]} : vector<32x1xf32> to vector<1x1xf32>
    %squeeze3A_1526 = vector.extract %slice3A_1525[0, 0] : f32 from vector<1x1xf32>
    %mul3A_1527 = vector.broadcast %squeeze3A_1526 : f32 to vector<64x128xf32>
    %mul3A_1528 = arith.mulf %exp3A_1005, %mul3A_1527 : vector<64x128xf32>
    %add3A_1529 = vector.broadcast %get3A_1524 : f32 to vector<64x128xf32>
    %add3A_1530 = arith.addf %add3A_1529, %mul3A_1528 : vector<64x128xf32>
    %custom_jvp_call3A_1531 = arith.constant 0.000000e+00 : f32
    %max3A_1532 = vector.broadcast %custom_jvp_call3A_1531 : f32 to vector<64x128xf32>
    %max3A_1533 = arith.maximumf %add3A_1530, %max3A_1532 : vector<64x128xf32>
    %sub3A_1534 = vector.broadcast %custom_jvp_call3A_1531 : f32 to vector<64x128xf32>
    %sub3A_1535 = arith.subf %add3A_1530, %sub3A_1534 : vector<64x128xf32>
    %ne3A_1536 = arith.cmpf one, %sub3A_1535, %sub3A_1535 : vector<64x128xf32>
    %add3A_1537 = vector.broadcast %custom_jvp_call3A_1531 : f32 to vector<64x128xf32>
    %add3A_1538 = arith.addf %add3A_1530, %add3A_1537 : vector<64x128xf32>
    %abs3A_1539 = math.absf %sub3A_1535 : vector<64x128xf32>
    %neg3A_1540 = arith.constant 0.000000e+00 : f32
    %neg3A_1541 = vector.broadcast %neg3A_1540 : f32 to vector<64x128xf32>
    %neg3A_1542 = arith.subf %neg3A_1541, %abs3A_1539 : vector<64x128xf32>
    %exp3A_1543 = math.exp %neg3A_1542 : vector<64x128xf32>
    %log1p3A_1544 = math.log1p %exp3A_1543 : vector<64x128xf32>
    %add3A_1545 = arith.addf %max3A_1533, %log1p3A_1544 : vector<64x128xf32>
    %select_n3A_1546 = arith.select %ne3A_1536, %add3A_1538, %add3A_1545 : vector<64x128xi1>, vector<64x128xf32>
    %add3A_1547 = arith.addf %add3A_1520, %select_n3A_1546 : vector<64x128xf32>
    %get3A_1548 = arith.constant 0 : index
    %get3A_1549 = arith.constant 20 : index
    %get3A_1550 = vector.load %arg3[%get3A_1548, %get3A_1549] : memref<1x32xf32, #tpu.memory_space<vmem>>, vector<1x1xf32>
    %get3A_1551 = vector.extract %get3A_1550[0, 0] : f32 from vector<1x1xf32>
    %slice3A_1552 = vector.extract_strided_slice %dot_general3A_30 {offsets = [20, 0], sizes = [1, 1], strides = [1, 1]} : vector<32x1xf32> to vector<1x1xf32>
    %squeeze3A_1553 = vector.extract %slice3A_1552[0, 0] : f32 from vector<1x1xf32>
    %mul3A_1554 = vector.broadcast %squeeze3A_1553 : f32 to vector<64x128xf32>
    %mul3A_1555 = arith.mulf %exp3A_1005, %mul3A_1554 : vector<64x128xf32>
    %add3A_1556 = vector.broadcast %get3A_1551 : f32 to vector<64x128xf32>
    %add3A_1557 = arith.addf %add3A_1556, %mul3A_1555 : vector<64x128xf32>
    %custom_jvp_call3A_1558 = arith.constant 0.000000e+00 : f32
    %max3A_1559 = vector.broadcast %custom_jvp_call3A_1558 : f32 to vector<64x128xf32>
    %max3A_1560 = arith.maximumf %add3A_1557, %max3A_1559 : vector<64x128xf32>
    %sub3A_1561 = vector.broadcast %custom_jvp_call3A_1558 : f32 to vector<64x128xf32>
    %sub3A_1562 = arith.subf %add3A_1557, %sub3A_1561 : vector<64x128xf32>
    %ne3A_1563 = arith.cmpf one, %sub3A_1562, %sub3A_1562 : vector<64x128xf32>
    %add3A_1564 = vector.broadcast %custom_jvp_call3A_1558 : f32 to vector<64x128xf32>
    %add3A_1565 = arith.addf %add3A_1557, %add3A_1564 : vector<64x128xf32>
    %abs3A_1566 = math.absf %sub3A_1562 : vector<64x128xf32>
    %neg3A_1567 = arith.constant 0.000000e+00 : f32
    %neg3A_1568 = vector.broadcast %neg3A_1567 : f32 to vector<64x128xf32>
    %neg3A_1569 = arith.subf %neg3A_1568, %abs3A_1566 : vector<64x128xf32>
    %exp3A_1570 = math.exp %neg3A_1569 : vector<64x128xf32>
    %log1p3A_1571 = math.log1p %exp3A_1570 : vector<64x128xf32>
    %add3A_1572 = arith.addf %max3A_1560, %log1p3A_1571 : vector<64x128xf32>
    %select_n3A_1573 = arith.select %ne3A_1563, %add3A_1565, %add3A_1572 : vector<64x128xi1>, vector<64x128xf32>
    %add3A_1574 = arith.addf %add3A_1547, %select_n3A_1573 : vector<64x128xf32>
    %get3A_1575 = arith.constant 0 : index
    %get3A_1576 = arith.constant 21 : index
    %get3A_1577 = vector.load %arg3[%get3A_1575, %get3A_1576] : memref<1x32xf32, #tpu.memory_space<vmem>>, vector<1x1xf32>
    %get3A_1578 = vector.extract %get3A_1577[0, 0] : f32 from vector<1x1xf32>
    %slice3A_1579 = vector.extract_strided_slice %dot_general3A_30 {offsets = [21, 0], sizes = [1, 1], strides = [1, 1]} : vector<32x1xf32> to vector<1x1xf32>
    %squeeze3A_1580 = vector.extract %slice3A_1579[0, 0] : f32 from vector<1x1xf32>
    %mul3A_1581 = vector.broadcast %squeeze3A_1580 : f32 to vector<64x128xf32>
    %mul3A_1582 = arith.mulf %exp3A_1005, %mul3A_1581 : vector<64x128xf32>
    %add3A_1583 = vector.broadcast %get3A_1578 : f32 to vector<64x128xf32>
    %add3A_1584 = arith.addf %add3A_1583, %mul3A_1582 : vector<64x128xf32>
    %custom_jvp_call3A_1585 = arith.constant 0.000000e+00 : f32
    %max3A_1586 = vector.broadcast %custom_jvp_call3A_1585 : f32 to vector<64x128xf32>
    %max3A_1587 = arith.maximumf %add3A_1584, %max3A_1586 : vector<64x128xf32>
    %sub3A_1588 = vector.broadcast %custom_jvp_call3A_1585 : f32 to vector<64x128xf32>
    %sub3A_1589 = arith.subf %add3A_1584, %sub3A_1588 : vector<64x128xf32>
    %ne3A_1590 = arith.cmpf one, %sub3A_1589, %sub3A_1589 : vector<64x128xf32>
    %add3A_1591 = vector.broadcast %custom_jvp_call3A_1585 : f32 to vector<64x128xf32>
    %add3A_1592 = arith.addf %add3A_1584, %add3A_1591 : vector<64x128xf32>
    %abs3A_1593 = math.absf %sub3A_1589 : vector<64x128xf32>
    %neg3A_1594 = arith.constant 0.000000e+00 : f32
    %neg3A_1595 = vector.broadcast %neg3A_1594 : f32 to vector<64x128xf32>
    %neg3A_1596 = arith.subf %neg3A_1595, %abs3A_1593 : vector<64x128xf32>
    %exp3A_1597 = math.exp %neg3A_1596 : vector<64x128xf32>
    %log1p3A_1598 = math.log1p %exp3A_1597 : vector<64x128xf32>
    %add3A_1599 = arith.addf %max3A_1587, %log1p3A_1598 : vector<64x128xf32>
    %select_n3A_1600 = arith.select %ne3A_1590, %add3A_1592, %add3A_1599 : vector<64x128xi1>, vector<64x128xf32>
    %add3A_1601 = arith.addf %add3A_1574, %select_n3A_1600 : vector<64x128xf32>
    %get3A_1602 = arith.constant 0 : index
    %get3A_1603 = arith.constant 22 : index
    %get3A_1604 = vector.load %arg3[%get3A_1602, %get3A_1603] : memref<1x32xf32, #tpu.memory_space<vmem>>, vector<1x1xf32>
    %get3A_1605 = vector.extract %get3A_1604[0, 0] : f32 from vector<1x1xf32>
    %slice3A_1606 = vector.extract_strided_slice %dot_general3A_30 {offsets = [22, 0], sizes = [1, 1], strides = [1, 1]} : vector<32x1xf32> to vector<1x1xf32>
    %squeeze3A_1607 = vector.extract %slice3A_1606[0, 0] : f32 from vector<1x1xf32>
    %mul3A_1608 = vector.broadcast %squeeze3A_1607 : f32 to vector<64x128xf32>
    %mul3A_1609 = arith.mulf %exp3A_1005, %mul3A_1608 : vector<64x128xf32>
    %add3A_1610 = vector.broadcast %get3A_1605 : f32 to vector<64x128xf32>
    %add3A_1611 = arith.addf %add3A_1610, %mul3A_1609 : vector<64x128xf32>
    %custom_jvp_call3A_1612 = arith.constant 0.000000e+00 : f32
    %max3A_1613 = vector.broadcast %custom_jvp_call3A_1612 : f32 to vector<64x128xf32>
    %max3A_1614 = arith.maximumf %add3A_1611, %max3A_1613 : vector<64x128xf32>
    %sub3A_1615 = vector.broadcast %custom_jvp_call3A_1612 : f32 to vector<64x128xf32>
    %sub3A_1616 = arith.subf %add3A_1611, %sub3A_1615 : vector<64x128xf32>
    %ne3A_1617 = arith.cmpf one, %sub3A_1616, %sub3A_1616 : vector<64x128xf32>
    %add3A_1618 = vector.broadcast %custom_jvp_call3A_1612 : f32 to vector<64x128xf32>
    %add3A_1619 = arith.addf %add3A_1611, %add3A_1618 : vector<64x128xf32>
    %abs3A_1620 = math.absf %sub3A_1616 : vector<64x128xf32>
    %neg3A_1621 = arith.constant 0.000000e+00 : f32
    %neg3A_1622 = vector.broadcast %neg3A_1621 : f32 to vector<64x128xf32>
    %neg3A_1623 = arith.subf %neg3A_1622, %abs3A_1620 : vector<64x128xf32>
    %exp3A_1624 = math.exp %neg3A_1623 : vector<64x128xf32>
    %log1p3A_1625 = math.log1p %exp3A_1624 : vector<64x128xf32>
    %add3A_1626 = arith.addf %max3A_1614, %log1p3A_1625 : vector<64x128xf32>
    %select_n3A_1627 = arith.select %ne3A_1617, %add3A_1619, %add3A_1626 : vector<64x128xi1>, vector<64x128xf32>
    %add3A_1628 = arith.addf %add3A_1601, %select_n3A_1627 : vector<64x128xf32>
    %get3A_1629 = arith.constant 0 : index
    %get3A_1630 = arith.constant 23 : index
    %get3A_1631 = vector.load %arg3[%get3A_1629, %get3A_1630] : memref<1x32xf32, #tpu.memory_space<vmem>>, vector<1x1xf32>
    %get3A_1632 = vector.extract %get3A_1631[0, 0] : f32 from vector<1x1xf32>
    %slice3A_1633 = vector.extract_strided_slice %dot_general3A_30 {offsets = [23, 0], sizes = [1, 1], strides = [1, 1]} : vector<32x1xf32> to vector<1x1xf32>
    %squeeze3A_1634 = vector.extract %slice3A_1633[0, 0] : f32 from vector<1x1xf32>
    %mul3A_1635 = vector.broadcast %squeeze3A_1634 : f32 to vector<64x128xf32>
    %mul3A_1636 = arith.mulf %exp3A_1005, %mul3A_1635 : vector<64x128xf32>
    %add3A_1637 = vector.broadcast %get3A_1632 : f32 to vector<64x128xf32>
    %add3A_1638 = arith.addf %add3A_1637, %mul3A_1636 : vector<64x128xf32>
    %custom_jvp_call3A_1639 = arith.constant 0.000000e+00 : f32
    %max3A_1640 = vector.broadcast %custom_jvp_call3A_1639 : f32 to vector<64x128xf32>
    %max3A_1641 = arith.maximumf %add3A_1638, %max3A_1640 : vector<64x128xf32>
    %sub3A_1642 = vector.broadcast %custom_jvp_call3A_1639 : f32 to vector<64x128xf32>
    %sub3A_1643 = arith.subf %add3A_1638, %sub3A_1642 : vector<64x128xf32>
    %ne3A_1644 = arith.cmpf one, %sub3A_1643, %sub3A_1643 : vector<64x128xf32>
    %add3A_1645 = vector.broadcast %custom_jvp_call3A_1639 : f32 to vector<64x128xf32>
    %add3A_1646 = arith.addf %add3A_1638, %add3A_1645 : vector<64x128xf32>
    %abs3A_1647 = math.absf %sub3A_1643 : vector<64x128xf32>
    %neg3A_1648 = arith.constant 0.000000e+00 : f32
    %neg3A_1649 = vector.broadcast %neg3A_1648 : f32 to vector<64x128xf32>
    %neg3A_1650 = arith.subf %neg3A_1649, %abs3A_1647 : vector<64x128xf32>
    %exp3A_1651 = math.exp %neg3A_1650 : vector<64x128xf32>
    %log1p3A_1652 = math.log1p %exp3A_1651 : vector<64x128xf32>
    %add3A_1653 = arith.addf %max3A_1641, %log1p3A_1652 : vector<64x128xf32>
    %select_n3A_1654 = arith.select %ne3A_1644, %add3A_1646, %add3A_1653 : vector<64x128xi1>, vector<64x128xf32>
    %add3A_1655 = arith.addf %add3A_1628, %select_n3A_1654 : vector<64x128xf32>
    %get3A_1656 = arith.constant 0 : index
    %get3A_1657 = arith.constant 24 : index
    %get3A_1658 = vector.load %arg3[%get3A_1656, %get3A_1657] : memref<1x32xf32, #tpu.memory_space<vmem>>, vector<1x1xf32>
    %get3A_1659 = vector.extract %get3A_1658[0, 0] : f32 from vector<1x1xf32>
    %slice3A_1660 = vector.extract_strided_slice %dot_general3A_30 {offsets = [24, 0], sizes = [1, 1], strides = [1, 1]} : vector<32x1xf32> to vector<1x1xf32>
    %squeeze3A_1661 = vector.extract %slice3A_1660[0, 0] : f32 from vector<1x1xf32>
    %mul3A_1662 = vector.broadcast %squeeze3A_1661 : f32 to vector<64x128xf32>
    %mul3A_1663 = arith.mulf %exp3A_1005, %mul3A_1662 : vector<64x128xf32>
    %add3A_1664 = vector.broadcast %get3A_1659 : f32 to vector<64x128xf32>
    %add3A_1665 = arith.addf %add3A_1664, %mul3A_1663 : vector<64x128xf32>
    %custom_jvp_call3A_1666 = arith.constant 0.000000e+00 : f32
    %max3A_1667 = vector.broadcast %custom_jvp_call3A_1666 : f32 to vector<64x128xf32>
    %max3A_1668 = arith.maximumf %add3A_1665, %max3A_1667 : vector<64x128xf32>
    %sub3A_1669 = vector.broadcast %custom_jvp_call3A_1666 : f32 to vector<64x128xf32>
    %sub3A_1670 = arith.subf %add3A_1665, %sub3A_1669 : vector<64x128xf32>
    %ne3A_1671 = arith.cmpf one, %sub3A_1670, %sub3A_1670 : vector<64x128xf32>
    %add3A_1672 = vector.broadcast %custom_jvp_call3A_1666 : f32 to vector<64x128xf32>
    %add3A_1673 = arith.addf %add3A_1665, %add3A_1672 : vector<64x128xf32>
    %abs3A_1674 = math.absf %sub3A_1670 : vector<64x128xf32>
    %neg3A_1675 = arith.constant 0.000000e+00 : f32
    %neg3A_1676 = vector.broadcast %neg3A_1675 : f32 to vector<64x128xf32>
    %neg3A_1677 = arith.subf %neg3A_1676, %abs3A_1674 : vector<64x128xf32>
    %exp3A_1678 = math.exp %neg3A_1677 : vector<64x128xf32>
    %log1p3A_1679 = math.log1p %exp3A_1678 : vector<64x128xf32>
    %add3A_1680 = arith.addf %max3A_1668, %log1p3A_1679 : vector<64x128xf32>
    %select_n3A_1681 = arith.select %ne3A_1671, %add3A_1673, %add3A_1680 : vector<64x128xi1>, vector<64x128xf32>
    %add3A_1682 = arith.addf %add3A_1655, %select_n3A_1681 : vector<64x128xf32>
    %get3A_1683 = arith.constant 0 : index
    %get3A_1684 = arith.constant 25 : index
    %get3A_1685 = vector.load %arg3[%get3A_1683, %get3A_1684] : memref<1x32xf32, #tpu.memory_space<vmem>>, vector<1x1xf32>
    %get3A_1686 = vector.extract %get3A_1685[0, 0] : f32 from vector<1x1xf32>
    %slice3A_1687 = vector.extract_strided_slice %dot_general3A_30 {offsets = [25, 0], sizes = [1, 1], strides = [1, 1]} : vector<32x1xf32> to vector<1x1xf32>
    %squeeze3A_1688 = vector.extract %slice3A_1687[0, 0] : f32 from vector<1x1xf32>
    %mul3A_1689 = vector.broadcast %squeeze3A_1688 : f32 to vector<64x128xf32>
    %mul3A_1690 = arith.mulf %exp3A_1005, %mul3A_1689 : vector<64x128xf32>
    %add3A_1691 = vector.broadcast %get3A_1686 : f32 to vector<64x128xf32>
    %add3A_1692 = arith.addf %add3A_1691, %mul3A_1690 : vector<64x128xf32>
    %custom_jvp_call3A_1693 = arith.constant 0.000000e+00 : f32
    %max3A_1694 = vector.broadcast %custom_jvp_call3A_1693 : f32 to vector<64x128xf32>
    %max3A_1695 = arith.maximumf %add3A_1692, %max3A_1694 : vector<64x128xf32>
    %sub3A_1696 = vector.broadcast %custom_jvp_call3A_1693 : f32 to vector<64x128xf32>
    %sub3A_1697 = arith.subf %add3A_1692, %sub3A_1696 : vector<64x128xf32>
    %ne3A_1698 = arith.cmpf one, %sub3A_1697, %sub3A_1697 : vector<64x128xf32>
    %add3A_1699 = vector.broadcast %custom_jvp_call3A_1693 : f32 to vector<64x128xf32>
    %add3A_1700 = arith.addf %add3A_1692, %add3A_1699 : vector<64x128xf32>
    %abs3A_1701 = math.absf %sub3A_1697 : vector<64x128xf32>
    %neg3A_1702 = arith.constant 0.000000e+00 : f32
    %neg3A_1703 = vector.broadcast %neg3A_1702 : f32 to vector<64x128xf32>
    %neg3A_1704 = arith.subf %neg3A_1703, %abs3A_1701 : vector<64x128xf32>
    %exp3A_1705 = math.exp %neg3A_1704 : vector<64x128xf32>
    %log1p3A_1706 = math.log1p %exp3A_1705 : vector<64x128xf32>
    %add3A_1707 = arith.addf %max3A_1695, %log1p3A_1706 : vector<64x128xf32>
    %select_n3A_1708 = arith.select %ne3A_1698, %add3A_1700, %add3A_1707 : vector<64x128xi1>, vector<64x128xf32>
    %add3A_1709 = arith.addf %add3A_1682, %select_n3A_1708 : vector<64x128xf32>
    %get3A_1710 = arith.constant 0 : index
    %get3A_1711 = arith.constant 26 : index
    %get3A_1712 = vector.load %arg3[%get3A_1710, %get3A_1711] : memref<1x32xf32, #tpu.memory_space<vmem>>, vector<1x1xf32>
    %get3A_1713 = vector.extract %get3A_1712[0, 0] : f32 from vector<1x1xf32>
    %slice3A_1714 = vector.extract_strided_slice %dot_general3A_30 {offsets = [26, 0], sizes = [1, 1], strides = [1, 1]} : vector<32x1xf32> to vector<1x1xf32>
    %squeeze3A_1715 = vector.extract %slice3A_1714[0, 0] : f32 from vector<1x1xf32>
    %mul3A_1716 = vector.broadcast %squeeze3A_1715 : f32 to vector<64x128xf32>
    %mul3A_1717 = arith.mulf %exp3A_1005, %mul3A_1716 : vector<64x128xf32>
    %add3A_1718 = vector.broadcast %get3A_1713 : f32 to vector<64x128xf32>
    %add3A_1719 = arith.addf %add3A_1718, %mul3A_1717 : vector<64x128xf32>
    %custom_jvp_call3A_1720 = arith.constant 0.000000e+00 : f32
    %max3A_1721 = vector.broadcast %custom_jvp_call3A_1720 : f32 to vector<64x128xf32>
    %max3A_1722 = arith.maximumf %add3A_1719, %max3A_1721 : vector<64x128xf32>
    %sub3A_1723 = vector.broadcast %custom_jvp_call3A_1720 : f32 to vector<64x128xf32>
    %sub3A_1724 = arith.subf %add3A_1719, %sub3A_1723 : vector<64x128xf32>
    %ne3A_1725 = arith.cmpf one, %sub3A_1724, %sub3A_1724 : vector<64x128xf32>
    %add3A_1726 = vector.broadcast %custom_jvp_call3A_1720 : f32 to vector<64x128xf32>
    %add3A_1727 = arith.addf %add3A_1719, %add3A_1726 : vector<64x128xf32>
    %abs3A_1728 = math.absf %sub3A_1724 : vector<64x128xf32>
    %neg3A_1729 = arith.constant 0.000000e+00 : f32
    %neg3A_1730 = vector.broadcast %neg3A_1729 : f32 to vector<64x128xf32>
    %neg3A_1731 = arith.subf %neg3A_1730, %abs3A_1728 : vector<64x128xf32>
    %exp3A_1732 = math.exp %neg3A_1731 : vector<64x128xf32>
    %log1p3A_1733 = math.log1p %exp3A_1732 : vector<64x128xf32>
    %add3A_1734 = arith.addf %max3A_1722, %log1p3A_1733 : vector<64x128xf32>
    %select_n3A_1735 = arith.select %ne3A_1725, %add3A_1727, %add3A_1734 : vector<64x128xi1>, vector<64x128xf32>
    %add3A_1736 = arith.addf %add3A_1709, %select_n3A_1735 : vector<64x128xf32>
    %get3A_1737 = arith.constant 0 : index
    %get3A_1738 = arith.constant 27 : index
    %get3A_1739 = vector.load %arg3[%get3A_1737, %get3A_1738] : memref<1x32xf32, #tpu.memory_space<vmem>>, vector<1x1xf32>
    %get3A_1740 = vector.extract %get3A_1739[0, 0] : f32 from vector<1x1xf32>
    %slice3A_1741 = vector.extract_strided_slice %dot_general3A_30 {offsets = [27, 0], sizes = [1, 1], strides = [1, 1]} : vector<32x1xf32> to vector<1x1xf32>
    %squeeze3A_1742 = vector.extract %slice3A_1741[0, 0] : f32 from vector<1x1xf32>
    %mul3A_1743 = vector.broadcast %squeeze3A_1742 : f32 to vector<64x128xf32>
    %mul3A_1744 = arith.mulf %exp3A_1005, %mul3A_1743 : vector<64x128xf32>
    %add3A_1745 = vector.broadcast %get3A_1740 : f32 to vector<64x128xf32>
    %add3A_1746 = arith.addf %add3A_1745, %mul3A_1744 : vector<64x128xf32>
    %custom_jvp_call3A_1747 = arith.constant 0.000000e+00 : f32
    %max3A_1748 = vector.broadcast %custom_jvp_call3A_1747 : f32 to vector<64x128xf32>
    %max3A_1749 = arith.maximumf %add3A_1746, %max3A_1748 : vector<64x128xf32>
    %sub3A_1750 = vector.broadcast %custom_jvp_call3A_1747 : f32 to vector<64x128xf32>
    %sub3A_1751 = arith.subf %add3A_1746, %sub3A_1750 : vector<64x128xf32>
    %ne3A_1752 = arith.cmpf one, %sub3A_1751, %sub3A_1751 : vector<64x128xf32>
    %add3A_1753 = vector.broadcast %custom_jvp_call3A_1747 : f32 to vector<64x128xf32>
    %add3A_1754 = arith.addf %add3A_1746, %add3A_1753 : vector<64x128xf32>
    %abs3A_1755 = math.absf %sub3A_1751 : vector<64x128xf32>
    %neg3A_1756 = arith.constant 0.000000e+00 : f32
    %neg3A_1757 = vector.broadcast %neg3A_1756 : f32 to vector<64x128xf32>
    %neg3A_1758 = arith.subf %neg3A_1757, %abs3A_1755 : vector<64x128xf32>
    %exp3A_1759 = math.exp %neg3A_1758 : vector<64x128xf32>
    %log1p3A_1760 = math.log1p %exp3A_1759 : vector<64x128xf32>
    %add3A_1761 = arith.addf %max3A_1749, %log1p3A_1760 : vector<64x128xf32>
    %select_n3A_1762 = arith.select %ne3A_1752, %add3A_1754, %add3A_1761 : vector<64x128xi1>, vector<64x128xf32>
    %add3A_1763 = arith.addf %add3A_1736, %select_n3A_1762 : vector<64x128xf32>
    %get3A_1764 = arith.constant 0 : index
    %get3A_1765 = arith.constant 28 : index
    %get3A_1766 = vector.load %arg3[%get3A_1764, %get3A_1765] : memref<1x32xf32, #tpu.memory_space<vmem>>, vector<1x1xf32>
    %get3A_1767 = vector.extract %get3A_1766[0, 0] : f32 from vector<1x1xf32>
    %slice3A_1768 = vector.extract_strided_slice %dot_general3A_30 {offsets = [28, 0], sizes = [1, 1], strides = [1, 1]} : vector<32x1xf32> to vector<1x1xf32>
    %squeeze3A_1769 = vector.extract %slice3A_1768[0, 0] : f32 from vector<1x1xf32>
    %mul3A_1770 = vector.broadcast %squeeze3A_1769 : f32 to vector<64x128xf32>
    %mul3A_1771 = arith.mulf %exp3A_1005, %mul3A_1770 : vector<64x128xf32>
    %add3A_1772 = vector.broadcast %get3A_1767 : f32 to vector<64x128xf32>
    %add3A_1773 = arith.addf %add3A_1772, %mul3A_1771 : vector<64x128xf32>
    %custom_jvp_call3A_1774 = arith.constant 0.000000e+00 : f32
    %max3A_1775 = vector.broadcast %custom_jvp_call3A_1774 : f32 to vector<64x128xf32>
    %max3A_1776 = arith.maximumf %add3A_1773, %max3A_1775 : vector<64x128xf32>
    %sub3A_1777 = vector.broadcast %custom_jvp_call3A_1774 : f32 to vector<64x128xf32>
    %sub3A_1778 = arith.subf %add3A_1773, %sub3A_1777 : vector<64x128xf32>
    %ne3A_1779 = arith.cmpf one, %sub3A_1778, %sub3A_1778 : vector<64x128xf32>
    %add3A_1780 = vector.broadcast %custom_jvp_call3A_1774 : f32 to vector<64x128xf32>
    %add3A_1781 = arith.addf %add3A_1773, %add3A_1780 : vector<64x128xf32>
    %abs3A_1782 = math.absf %sub3A_1778 : vector<64x128xf32>
    %neg3A_1783 = arith.constant 0.000000e+00 : f32
    %neg3A_1784 = vector.broadcast %neg3A_1783 : f32 to vector<64x128xf32>
    %neg3A_1785 = arith.subf %neg3A_1784, %abs3A_1782 : vector<64x128xf32>
    %exp3A_1786 = math.exp %neg3A_1785 : vector<64x128xf32>
    %log1p3A_1787 = math.log1p %exp3A_1786 : vector<64x128xf32>
    %add3A_1788 = arith.addf %max3A_1776, %log1p3A_1787 : vector<64x128xf32>
    %select_n3A_1789 = arith.select %ne3A_1779, %add3A_1781, %add3A_1788 : vector<64x128xi1>, vector<64x128xf32>
    %add3A_1790 = arith.addf %add3A_1763, %select_n3A_1789 : vector<64x128xf32>
    %get3A_1791 = arith.constant 0 : index
    %get3A_1792 = arith.constant 29 : index
    %get3A_1793 = vector.load %arg3[%get3A_1791, %get3A_1792] : memref<1x32xf32, #tpu.memory_space<vmem>>, vector<1x1xf32>
    %get3A_1794 = vector.extract %get3A_1793[0, 0] : f32 from vector<1x1xf32>
    %slice3A_1795 = vector.extract_strided_slice %dot_general3A_30 {offsets = [29, 0], sizes = [1, 1], strides = [1, 1]} : vector<32x1xf32> to vector<1x1xf32>
    %squeeze3A_1796 = vector.extract %slice3A_1795[0, 0] : f32 from vector<1x1xf32>
    %mul3A_1797 = vector.broadcast %squeeze3A_1796 : f32 to vector<64x128xf32>
    %mul3A_1798 = arith.mulf %exp3A_1005, %mul3A_1797 : vector<64x128xf32>
    %add3A_1799 = vector.broadcast %get3A_1794 : f32 to vector<64x128xf32>
    %add3A_1800 = arith.addf %add3A_1799, %mul3A_1798 : vector<64x128xf32>
    %custom_jvp_call3A_1801 = arith.constant 0.000000e+00 : f32
    %max3A_1802 = vector.broadcast %custom_jvp_call3A_1801 : f32 to vector<64x128xf32>
    %max3A_1803 = arith.maximumf %add3A_1800, %max3A_1802 : vector<64x128xf32>
    %sub3A_1804 = vector.broadcast %custom_jvp_call3A_1801 : f32 to vector<64x128xf32>
    %sub3A_1805 = arith.subf %add3A_1800, %sub3A_1804 : vector<64x128xf32>
    %ne3A_1806 = arith.cmpf one, %sub3A_1805, %sub3A_1805 : vector<64x128xf32>
    %add3A_1807 = vector.broadcast %custom_jvp_call3A_1801 : f32 to vector<64x128xf32>
    %add3A_1808 = arith.addf %add3A_1800, %add3A_1807 : vector<64x128xf32>
    %abs3A_1809 = math.absf %sub3A_1805 : vector<64x128xf32>
    %neg3A_1810 = arith.constant 0.000000e+00 : f32
    %neg3A_1811 = vector.broadcast %neg3A_1810 : f32 to vector<64x128xf32>
    %neg3A_1812 = arith.subf %neg3A_1811, %abs3A_1809 : vector<64x128xf32>
    %exp3A_1813 = math.exp %neg3A_1812 : vector<64x128xf32>
    %log1p3A_1814 = math.log1p %exp3A_1813 : vector<64x128xf32>
    %add3A_1815 = arith.addf %max3A_1803, %log1p3A_1814 : vector<64x128xf32>
    %select_n3A_1816 = arith.select %ne3A_1806, %add3A_1808, %add3A_1815 : vector<64x128xi1>, vector<64x128xf32>
    %add3A_1817 = arith.addf %add3A_1790, %select_n3A_1816 : vector<64x128xf32>
    %get3A_1818 = arith.constant 0 : index
    %get3A_1819 = arith.constant 30 : index
    %get3A_1820 = vector.load %arg3[%get3A_1818, %get3A_1819] : memref<1x32xf32, #tpu.memory_space<vmem>>, vector<1x1xf32>
    %get3A_1821 = vector.extract %get3A_1820[0, 0] : f32 from vector<1x1xf32>
    %slice3A_1822 = vector.extract_strided_slice %dot_general3A_30 {offsets = [30, 0], sizes = [1, 1], strides = [1, 1]} : vector<32x1xf32> to vector<1x1xf32>
    %squeeze3A_1823 = vector.extract %slice3A_1822[0, 0] : f32 from vector<1x1xf32>
    %mul3A_1824 = vector.broadcast %squeeze3A_1823 : f32 to vector<64x128xf32>
    %mul3A_1825 = arith.mulf %exp3A_1005, %mul3A_1824 : vector<64x128xf32>
    %add3A_1826 = vector.broadcast %get3A_1821 : f32 to vector<64x128xf32>
    %add3A_1827 = arith.addf %add3A_1826, %mul3A_1825 : vector<64x128xf32>
    %custom_jvp_call3A_1828 = arith.constant 0.000000e+00 : f32
    %max3A_1829 = vector.broadcast %custom_jvp_call3A_1828 : f32 to vector<64x128xf32>
    %max3A_1830 = arith.maximumf %add3A_1827, %max3A_1829 : vector<64x128xf32>
    %sub3A_1831 = vector.broadcast %custom_jvp_call3A_1828 : f32 to vector<64x128xf32>
    %sub3A_1832 = arith.subf %add3A_1827, %sub3A_1831 : vector<64x128xf32>
    %ne3A_1833 = arith.cmpf one, %sub3A_1832, %sub3A_1832 : vector<64x128xf32>
    %add3A_1834 = vector.broadcast %custom_jvp_call3A_1828 : f32 to vector<64x128xf32>
    %add3A_1835 = arith.addf %add3A_1827, %add3A_1834 : vector<64x128xf32>
    %abs3A_1836 = math.absf %sub3A_1832 : vector<64x128xf32>
    %neg3A_1837 = arith.constant 0.000000e+00 : f32
    %neg3A_1838 = vector.broadcast %neg3A_1837 : f32 to vector<64x128xf32>
    %neg3A_1839 = arith.subf %neg3A_1838, %abs3A_1836 : vector<64x128xf32>
    %exp3A_1840 = math.exp %neg3A_1839 : vector<64x128xf32>
    %log1p3A_1841 = math.log1p %exp3A_1840 : vector<64x128xf32>
    %add3A_1842 = arith.addf %max3A_1830, %log1p3A_1841 : vector<64x128xf32>
    %select_n3A_1843 = arith.select %ne3A_1833, %add3A_1835, %add3A_1842 : vector<64x128xi1>, vector<64x128xf32>
    %add3A_1844 = arith.addf %add3A_1817, %select_n3A_1843 : vector<64x128xf32>
    %get3A_1845 = arith.constant 0 : index
    %get3A_1846 = arith.constant 31 : index
    %get3A_1847 = vector.load %arg3[%get3A_1845, %get3A_1846] : memref<1x32xf32, #tpu.memory_space<vmem>>, vector<1x1xf32>
    %get3A_1848 = vector.extract %get3A_1847[0, 0] : f32 from vector<1x1xf32>
    %slice3A_1849 = vector.extract_strided_slice %dot_general3A_30 {offsets = [31, 0], sizes = [1, 1], strides = [1, 1]} : vector<32x1xf32> to vector<1x1xf32>
    %squeeze3A_1850 = vector.extract %slice3A_1849[0, 0] : f32 from vector<1x1xf32>
    %mul3A_1851 = vector.broadcast %squeeze3A_1850 : f32 to vector<64x128xf32>
    %mul3A_1852 = arith.mulf %exp3A_1005, %mul3A_1851 : vector<64x128xf32>
    %add3A_1853 = vector.broadcast %get3A_1848 : f32 to vector<64x128xf32>
    %add3A_1854 = arith.addf %add3A_1853, %mul3A_1852 : vector<64x128xf32>
    %custom_jvp_call3A_1855 = arith.constant 0.000000e+00 : f32
    %max3A_1856 = vector.broadcast %custom_jvp_call3A_1855 : f32 to vector<64x128xf32>
    %max3A_1857 = arith.maximumf %add3A_1854, %max3A_1856 : vector<64x128xf32>
    %sub3A_1858 = vector.broadcast %custom_jvp_call3A_1855 : f32 to vector<64x128xf32>
    %sub3A_1859 = arith.subf %add3A_1854, %sub3A_1858 : vector<64x128xf32>
    %ne3A_1860 = arith.cmpf one, %sub3A_1859, %sub3A_1859 : vector<64x128xf32>
    %add3A_1861 = vector.broadcast %custom_jvp_call3A_1855 : f32 to vector<64x128xf32>
    %add3A_1862 = arith.addf %add3A_1854, %add3A_1861 : vector<64x128xf32>
    %abs3A_1863 = math.absf %sub3A_1859 : vector<64x128xf32>
    %neg3A_1864 = arith.constant 0.000000e+00 : f32
    %neg3A_1865 = vector.broadcast %neg3A_1864 : f32 to vector<64x128xf32>
    %neg3A_1866 = arith.subf %neg3A_1865, %abs3A_1863 : vector<64x128xf32>
    %exp3A_1867 = math.exp %neg3A_1866 : vector<64x128xf32>
    %log1p3A_1868 = math.log1p %exp3A_1867 : vector<64x128xf32>
    %add3A_1869 = arith.addf %max3A_1857, %log1p3A_1868 : vector<64x128xf32>
    %select_n3A_1870 = arith.select %ne3A_1860, %add3A_1862, %add3A_1869 : vector<64x128xi1>, vector<64x128xf32>
    %add3A_1871 = arith.addf %add3A_1844, %select_n3A_1870 : vector<64x128xf32>
    %add3A_1872 = arith.constant 3.200000e-05 : f32
    %add3A_1873 = vector.broadcast %add3A_1872 : f32 to vector<64x128xf32>
    %add3A_1874 = arith.addf %add3A_1871, %add3A_1873 : vector<64x128xf32>
    %div3A_1875 = vector.broadcast %mul3A_906 : f32 to vector<64x128xf32>
    %div3A_1876 = arith.divf %add3A_1874, %div3A_1875 : vector<64x128xf32>
    %swap3A_1877 = arith.constant 0 : index
    %swap3A_1878 = arith.constant 0 : index
    %swap3A_1879 = vector.load %arg8[%swap3A_1877, %swap3A_1878] : memref<64x128xf32, #tpu.memory_space<vmem>>, vector<64x128xf32>
    tpu.vector_store %arg8[%swap3A_1877, %swap3A_1878], %div3A_1876 {strides = array<i32>} : memref<64x128xf32, #tpu.memory_space<vmem>>, vector<64x128xf32>,
    %slice3A_1880 = vector.extract_strided_slice %add3A_996 {offsets = [63, 127], sizes = [1, 1], strides = [1, 1]} : vector<64x128xf32> to vector<1x1xf32>
    %add3A_1881 = vector.broadcast %get3A_2 : f32 to vector<1x1xf32>
    %add3A_1882 = arith.addf %slice3A_1880, %add3A_1881 : vector<1x1xf32>
    %add3A_1883 = arith.constant 1.000000e+00 : f32
    %add3A_1884 = vector.broadcast %add3A_1883 : f32 to vector<1x1xf32>
    %add3A_1885 = arith.addf %add3A_1882, %add3A_1884 : vector<1x1xf32>
    %gt3A = vector.broadcast %get3A_6 : f32 to vector<1x1xf32>
    %gt3A_1886 = arith.cmpf ogt, %add3A_1882, %gt3A : vector<1x1xf32>
    %broadcast_in_dim3A_1887 = vector.broadcast %get3A_6 : f32 to vector<1x1xf32>
    %select_n3A_1888 = arith.select %gt3A_1886, %add3A_1882, %broadcast_in_dim3A_1887 : vector<1x1xi1>, vector<1x1xf32>
    %iota3A_1889 = tpu.iota {dimensions = array<i32: 1>} : vector<1x16xi32>
    %eq3A_1890 = arith.constant 0 : i32
    %eq3A_1891 = vector.broadcast %eq3A_1890 : i32 to vector<1x16xi32>
    %eq3A_1892 = arith.cmpi eq, %iota3A_1889, %eq3A_1891 : vector<1x16xi32>
    %eq3A_1893 = arith.constant 1 : i32
    %eq3A_1894 = vector.broadcast %eq3A_1893 : i32 to vector<1x16xi32>
    %eq3A_1895 = arith.cmpi eq, %iota3A_1889, %eq3A_1894 : vector<1x16xi32>
    %jit3A = arith.constant 0.000000e+00 : f32
    %broadcast_in_dim3A_1896 = vector.shape_cast %select_n3A_1888 : vector<1x1xf32> to vector<1x1xf32>
    %broadcast_in_dim3A_1897 = vector.broadcast %broadcast_in_dim3A_1896 : vector<1x1xf32> to vector<1x16xf32>
    %broadcast_in_dim3A_1898 = vector.broadcast %jit3A : f32 to vector<1x16xf32>
    %select_n3A_1899 = arith.select %eq3A_1895, %broadcast_in_dim3A_1897, %broadcast_in_dim3A_1898 : vector<1x16xi1>, vector<1x16xf32>
    %broadcast_in_dim3A_1900 = vector.shape_cast %add3A_1885 : vector<1x1xf32> to vector<1x1xf32>
    %broadcast_in_dim3A_1901 = vector.broadcast %broadcast_in_dim3A_1900 : vector<1x1xf32> to vector<1x16xf32>
    %select_n3A_1902 = arith.select %eq3A_1892, %broadcast_in_dim3A_1901, %select_n3A_1899 : vector<1x16xi1>, vector<1x16xf32>
    %swap3A_1903 = arith.constant 0 : index
    %swap3A_1904 = arith.constant 0 : index
    %swap3A_1905 = vector.load %arg9[%swap3A_1903, %swap3A_1904] : memref<1x16xf32, #tpu.memory_space<vmem>>, vector<1x16xf32>
    tpu.vector_store %arg9[%swap3A_1903, %swap3A_1904], %select_n3A_1902 {strides = array<i32>} : memref<1x16xf32, #tpu.memory_space<vmem>>, vector<1x16xf32>,
    %broadcast_in_dim3A_1906 = arith.constant 9.765625E-4 : f32
    %broadcast_in_dim3A_1907 = vector.broadcast %broadcast_in_dim3A_1906 : f32 to vector<8x128xf32>
    %swap3A_1908 = arith.constant 0 : index
    %swap3A_1909 = arith.constant 0 : index
    %swap3A_1910 = vector.load %arg10[%swap3A_1908, %swap3A_1909] : memref<8x128xf32, #tpu.memory_space<vmem>>, vector<8x128xf32>
    tpu.vector_store %arg10[%swap3A_1908, %swap3A_1909], %broadcast_in_dim3A_1907 {strides = array<i32>} : memref<8x128xf32, #tpu.memory_space<vmem>>, vector<8x128xf32>,
    return
  }
}

</mosaic_0001>

<sc_bundles>
// kernel: kernel.4.cloned.1.call-start
scs
__scs_entry_jumppad:
0x0: {  	(pc) =	sbr.rel $0x88, $3  }
0x1: {  	(tag) =	ssettag $0x0;
	lr =	simm.s32 $0x1  }
0x2: {  	[smem:$0x3F97] =	sst lr;
	_ =	strace $0xD0000000  }
0x3: {  	_ = 	snop  }
0x4: {  	_ = 	snop  }
0x5: {  	_ = 	snop  }
0x6: {  	_ = 	snop  }
0x7: {  	_ = 	snop  }
__scs_overlays_trampoline_lowered:
0x8: {  	[smem:$0x3FA6] =	sst s0  }
0x9: {  	[smem:$0x3FA7] =	sst s1  }
0xa: {  	[smem:$0x3FA8] =	sst s2  }
0xb: {  	[smem:$0x3FA9] =	sst s3  }
0xc: {  	[smem:$0x3FAA] =	sst s4  }
0xd: {  	[smem:$0x3FAB] =	sst s5  }
0xe: {  	[smem:$0x3FAC] =	sst s6  }
0xf: {  	[smem:$0x3FAD] =	sst s7  }
0x10: {  	[smem:$0x3FAE] =	sst s8  }
0x11: {  	[smem:$0x3FAF] =	sst s9;
	s0 =	simm.s32 @!p0 $0x0  }
0x12: {  	s1 =	sld [smem:$0x3F95];
	s0 =	simm.s32 @p0 $0x1  }
0x13: {  	[smem:$0x3FB0] =	sst s0;
	s0 =	simm.s32 @!p1 $0x0  }
0x14: {  	s2 =	sld [smem:$0x3F94];
	s0 =	simm.s32 @p1 $0x1  }
0x15: {  	[smem:$0x3FB1] =	sst s0;
	s0 =	simm.s32 @!p2 $0x0  }
0x16: {  	s3 =	sld [smem:$0x3FDB];
	s0 =	simm.s32 @p2 $0x1  }
0x17: {  	s4 =	simm.s32 $0x1BF5;
	[smem:$0x3FB3] =	sst s0  }
0x18: {  	s0 =	sld [smem:$0x3F96];
	_ =	swait.ge [sflag:s4], $0x0  }
0x19: {  	s7 =	sld [smem:$0x3F97]  }
0x1a: {  	s8 =	sadd.s32 $0xFFFFE003, lr  }
0x1b: {  	s9 =	sadd.s32 $0xFFFFFEF7, lr;
	s5 =	simm.s32 $0xFFFFFFFF;
	p2 =	slt.u32 s8, $0xFFFFF086  }
0x1c: {  	p1 =	slt.u32 s9, $0xF7A;
	s5 =	simm.s32 @!p2 $0x0  }
0x1d: {  	s5 =	simm.s32 @p1 $0x1;
	p0 =	seq.s32 s7, s2  }
0x1e: {  	s7 =	smul.u32 @!p0 $0xF7A, s2;
	p2 =	seq.s32 @!p0 s5, $0x0  }
0x1f: {  	s9 =	smul.u32 $0xF7A, s1;
	s8 =	simm.s32 @!p0 $0x1BF5;
	p2 =	por !p2, p0  }
0x20: {  	[sflag:s8] =	ssyncset.s32 @!p0 $0xFFFFF086;
	s6 =	sadd.s32 @!p0 s3, s7;
	s7 =	simm.s32 @!p0 $0x108  }
0x21: {  	s3 =	sadd.s32 s3, s9;
	s6 =	sadd.s32 @!p0 $0x88, s6;
	s7 =	simm.s32 @p2 $0x1082  }
0x22: {  	[simem:s7], [sflag:s8] =	dma.local @!p0 [hbm:s6], $0xF7A  }
0x23: {  	s9 =	sor.u32 $0xD0000000, s2;
	s6 =	simm.s32 $0x108;
	_ =	swait.ge @!p0 [sflag:s8], $0x0  }
0x24: {  	s3 =	sadd.s32 $0x88, s3;
	s6 =	simm.s32 @!p1 $0x1082;
	[sflag:s4] =	ssyncset.s32 $0xFFFFF086  }
0x25: {  	[simem:s6], [sflag:s4] =	dma.local [hbm:s3], $0xF7A  }
0x26: {  	[smem:$0x3F97] =	sst s1;
	(tag) =	ssettag s2;
	_ =	strace s9  }
0x27: {  	s1 =	sld [smem:$0x3FA7]  }
0x28: {  	s2 =	sld [smem:$0x3FA8]  }
0x29: {  	s4 =	sld [smem:$0x3FAA]  }
0x2a: {  	p0 =	seq.s32 s5, $0x0;
	s5 =	sld [smem:$0x3FAB]  }
0x2b: {  	s6 =	sld [smem:$0x3FAC]  }
0x2c: {  	s7 =	sld [smem:$0x3FAD]  }
0x2d: {  	s3 =	simm.s32 $0x108;
	s8 =	sld [smem:$0x3FAE]  }
0x2e: {  	s3 =	simm.s32 @!p0 $0x1082;
	s9 =	sld [smem:$0x3FAF]  }
0x2f: {  	lr =	sadd.s32 s0, s3;
	s0 =	sld [smem:$0x3FA6]  }
0x30: {  	s3 =	sld [smem:$0x3FA9]  }
0x31: {  	[smem:$0x3FB2] =	sst s10  }
0x32: {  	s10 =	sld [smem:$0x3FB0];
	_ =	sdelay $0x3  }
0x33: {  	p0 =	seq.s32 s10, $0x1;
	s10 =	sld [smem:$0x3FB2];
	_ =	sdelay $0x3  }
0x34: {  	[smem:$0x3FB2] =	sst s10  }
0x35: {  	s10 =	sld [smem:$0x3FB1];
	_ =	sdelay $0x3  }
0x36: {  	p1 =	seq.s32 s10, $0x1;
	s10 =	sld [smem:$0x3FB2];
	_ =	sdelay $0x3  }
0x37: {  	[smem:$0x3FB2] =	sst s10  }
0x38: {  	s10 =	sld [smem:$0x3FB3]  }
0x39: {  	_ = 	snop;
	(pc) =	sbr.ind lr, $3  }
0x3a: {  	_ = 	snop  }
0x3b: {  	_ = 	snop  }
0x3c: {  	p2 =	seq.s32 s10, $0x1;
	s10 =	sld [smem:$0x3FB2]  }
0x3d: {  	_ =	shalt  }
0x3e: {  	_ =	shalt  }
0x3f: {  	_ =	shalt  }
0x40: {  	_ =	shalt  }
0x41: {  	_ =	shalt  }
0x42: {  	_ =	shalt  }
0x43: {  	_ =	shalt  }
0x44: {  	_ =	shalt  }
0x45: {  	_ =	shalt  }
0x46: {  	_ =	shalt  }
0x47: {  	_ =	shalt  }
0x48: {  	_ =	shalt  }
0x49: {  	_ =	shalt  }
0x4a: {  	_ =	shalt  }
0x4b: {  	_ =	shalt  }
0x4c: {  	_ =	shalt  }
0x4d: {  	_ =	shalt  }
0x4e: {  	_ =	shalt  }
0x4f: {  	_ =	shalt  }
0x50: {  	_ =	shalt  }
0x51: {  	_ =	shalt  }
0x52: {  	_ =	shalt  }
0x53: {  	_ =	shalt  }
0x54: {  	_ =	shalt  }
0x55: {  	_ =	shalt  }
0x56: {  	_ =	shalt  }
0x57: {  	_ =	shalt  }
0x58: {  	_ =	shalt  }
0x59: {  	_ =	shalt  }
0x5a: {  	_ =	shalt  }
0x5b: {  	_ =	shalt  }
0x5c: {  	_ =	shalt  }
0x5d: {  	_ =	shalt  }
0x5e: {  	_ =	shalt  }
0x5f: {  	_ =	shalt  }
0x60: {  	_ =	shalt  }
0x61: {  	_ =	shalt  }
0x62: {  	_ =	shalt  }
0x63: {  	_ =	shalt  }
0x64: {  	_ =	shalt  }
0x65: {  	_ =	shalt  }
0x66: {  	_ =	shalt  }
0x67: {  	_ =	shalt  }
0x68: {  	_ =	shalt  }
0x69: {  	_ =	shalt  }
0x6a: {  	_ =	shalt  }
0x6b: {  	_ =	shalt  }
0x6c: {  	_ =	shalt  }
0x6d: {  	_ =	shalt  }
0x6e: {  	_ =	shalt  }
0x6f: {  	_ =	shalt  }
0x70: {  	_ =	shalt  }
0x71: {  	_ =	shalt  }
0x72: {  	_ =	shalt  }
0x73: {  	_ =	shalt  }
0x74: {  	_ =	shalt  }
0x75: {  	_ =	shalt  }
0x76: {  	_ =	shalt  }
0x77: {  	_ =	shalt  }
0x78: {  	_ =	shalt  }
0x79: {  	_ =	shalt  }
0x7a: {  	_ =	shalt  }
0x7b: {  	_ =	shalt  }
0x7c: {  	_ =	shalt  }
0x7d: {  	_ =	shalt  }
0x7e: {  	_ =	shalt  }
0x7f: {  	_ =	shalt  }
0x80: {  	_ =	shalt  }
0x81: {  	_ =	shalt  }
0x82: {  	_ =	shalt  }
0x83: {  	_ =	shalt  }
0x84: {  	_ =	shalt  }
0x85: {  	_ =	shalt  }
0x86: {  	_ =	shalt  }
0x87: {  	_ =	shalt  }
.Lfunc_end0:
.L_simem_size_0:
called_computation_lowered:
.L_overlay_start_0:
0x88: {  	s2 =	sld [smem:$0x3FD9]  }
0x89: {  	s3 =	sld [smem:$0x3FFE];
	_ =	sdelay $0x1  }
0x8a: {  	s1 =	srdreg.scid  }
0x8b: {  	s0 =	sand.u32 $0x1, s1  }
0x8c: {  	s14 =	sshll.u32 s0, $0xA;
	s2 =	sadd.s32 s3, s2  }
0x8d: {  	s2 =	sadd.s32 s2, s14  }
0x8e: {  	[smem:$0x3FBE] =	sst s2  }
0x8f: {  	_ = 	snop  }
0x90: {  	s2 =	sld [smem:$0x3FD0];
	_ =	sdelay $0x2  }
0x91: {  	s4 =	simm.s32 $0xA;
	s5 =	simm.s32 $0x10;
	s15 =	sld [smem:$0x3FC3]  }
0x92: {  	[smem:s5], [sflag:s4] =	dma.local [hbm:s2], $0x1  }
0x93: {  	_ =	swait.eq [sflag:s4], $0x1  }
0x94: {  	[sflag:s4] =	ssyncset.done $0x0  }
0x95: {  	[sflag:s4] =	ssyncadd.s32 $0xFFFFFFFF  }
0x96: {  	s16 =	sld [smem:$0x10];
	(tm) =	ssettm $0x1  }
0x97: {  	s17 =	sld [smem:$0x3FFB];
	_ =	sdelay $0x3  }
0x98: {  	_ =	strace s17  }
0x99: {  	s4 =	sld [smem:$0x3FFC];
	_ =	sdelay $0x3  }
0x9a: {  	_ =	strace s4  }
0x9b: {  	s4 =	sld [smem:$0x3FFD];
	_ =	sdelay $0x3  }
0x9c: {  	_ =	strace s4  }
0x9d: {  	_ =	strace $0x8FFFFFFF  }
0x9e: {  	s18 =	sld [smem:$0x3FDB];
	_ =	sdelay $0x1  }
0x9f: {  	s19 =	simm.s32 $_scs_section_size  }
0xa0: {  	s6 =	simm.s32 $_size__tile_overlayer_lowered;
	s7 =	simm.s32 $_tile_overlayer_lowered  }
0xa1: {  	s22 =	simm.s32 $0x1BFF;
	s21 =	sshll.u32 s7, $0x1;
	s4 =	sadd.s32 s19, s18  }
0xa2: {  	s8 =	simm.s32 $0x0;
	s20 =	sshll.u32 s6, $0x1;
	s6 =	sadd.s32 s21, s4  }
0xa3: {  	[timem:s8], [sflag:s22] =	dma.local [hbm:s6], s20  }
0xa4: {  	_ =	swait.ge [sflag:s22], s20  }
0xa5: {  	s5 =	ssub.s32 $0x0, s20;
	[sflag:s22] =	ssyncset.done $0x0  }
0xa6: {  	[sflag:s22] =	ssyncadd.s32 s5;
	_ =	sdelay $0x1  }
0xa7: {  	s23 =	simm.s32 $0x1B8B  }
0xa8: {  	_ =	swait.ge [sflag:s23], $0x1  }
0xa9: {  	[sflag:s23] =	ssyncset.done $0x0  }
0xaa: {  	s25 =	simm.s32 $0x1B8E;
	s24 =	sld [smem:$0x3FFE];
	[sflag:s23] =	ssyncadd.s32 $0xFFFFFFFF  }
0xab: {  	s26 =	simm.s32 $execute0_lowered;
	[smem:$0x3FD2] =	sst s25  }
0xac: {  	s6 =	sshll.u32 s26, $0x1;
	_ =	strace $0x80000046;
	[dreg:$0x1] =	wrdreg $0xFFFFFFFF  }
0xad: {  	s28 =	simm.s32 $_size_execute0_lowered;
	s4 =	sadd.s32 s4, s6;
	[dreg:$0x0] =	wrdreg $0x0  }
0xae: {  	s6 =	sshll.u32 s28, $0x1;
	[dreg:$0x2] =	wrdreg s4  }
0xaf: {  	[dreg:$0x3] =	wrdreg s6  }
0xb0: {  	[dreg:$0x4] =	wrdreg $0xC0  }
0xb1: {  	_ =	task [dreg:s8], $0x5FFFF  }
0xb2: {  	[dreg:$0x1] =	wrdreg $0xFFFFFFFF  }
0xb3: {  	[dreg:$0x0] =	wrdreg $0x60  }
0xb4: {  	[dreg:$0x2] =	wrdreg s15  }
0xb5: {  	[dreg:$0x3] =	wrdreg s24  }
0xb6: {  	[dreg:$0x4] =	wrdreg s16  }
0xb7: {  	[dreg:$0x5] =	wrdreg $0x9  }
0xb8: {  	_ =	task.clear_ibuf [dreg:s8], $0x6FFFF;
	_ =	strace $0x90000046  }
0xb9: {  	s29 =	simm.s32 $0x9;
	_ =	strace $0x80000048  }
0xba: {  	_ =	swait.ge [sflag:s29], $0x1  }
0xbb: {  	[sflag:s29] =	ssyncadd.s32 $0xFFFFFFFF  }
0xbc: {  	_ =	strace $0x90000048  }
0xbd: {  	_ =	sfence  }
0xbe: {  	s30 =	sld [smem:$0x0];
	_ =	sdelay $0x2  }
0xbf: {  	s31 =	sshll.u32 s1, $0xD;
	s1 =	sshrl.u32 s1, $0x2  }
0xc0: {  	s3 =	sand.u32 $0x4000, s31;
	s1 =	sadd.s32 s1, s30  }
0xc1: {  	s0 =	sor.u32 s3, s0;
	s1 =	sshll.u32 s1, $0x11  }
0xc2: {  	s0 =	sor.u32 s1, s0  }
0xc3: {  	s0 =	sadd.s32 $0x8F2B, s0  }
0xc4: {  	[sflag:s0] =	ssyncadd.remote.s32 $0x1  }
0xc5: {  	_ =	sfence.sel $0xFFFF  }
0xc6: {  	[dreg:$0x0] =	wrdreg $0xFFFFFFFF;
	(pc) =	sbr.abs _section_cstart, $3  }
0xc7: {  	[dreg:$0x1] =	wrdreg $0xFFFFFFFF  }
0xc8: {  	_ =	task.clear_ibuf [dreg:s8], $0x2FFFF;
	_ =	strace $0x9FFFFFFF  }
0xc9: {  	(tm) =	ssettm $0x7FFFFFFF  }
tec
execute0_lowered:
.L_overlay_start_1:
0x0: {  	(tag) =	ssettag $0x1  }
0x1: {  	s0 =	rddreg [dreg:$0x0]  }
0x2: {  	s2 =	rddreg [dreg:$0x1]  }
0x3: {  	s7 =	rddreg [dreg:$0x2];
	s1 =	simm.s32 $0x0  }
0x4: {  	s5 =	srdreg.scid;
	s8 =	stileid.u32;
	s10 =	simm.s32 $0x10000  }
0x5: {  	s11 =	simm.s32 $0x100;
	s12 =	simm.s32 $0x80;
	s14 =	simm.s32 $0x2  }
0x6: {  	s15 =	simm.s32 $0x1;
	[smem:$0x7FF] =	sst s1;
	s3 =	sadd.s32 $0x1C00, s2  }
0x7: {  	s4 =	sadd.s32 $0x1800, s2;
	s5 =	sand.u32 $0x1, s5;
	s8 =	sshll.u32 s8, $0x6  }
0x8: {  	s2 =	sadd.s32 $0x2000, s2;
	_ =	strace $0x80000047;
	s9 =	sshll.u32 s5, $0x5  }
.Ltmp0:
0x9: {  	s6 =	ssub.s32 $0x2, s5;
	s8 =	sor.u32 s9, s8;
	(pc) =	sbr.rel .LBB2_1-.Ltmp0, $4  }
0xa: {  	s28 =	sshrl.u32 s6, $0x1;
	s29 =	sshll.u32 s8, $0xA;
	s8 =	sshrl.u32 s8, $0x3  }
0xb: {  	[dreg:$0x4] =	wrdreg s2;
	s2 =	ssub.s32 s6, s28;
	s30 =	sadd.s32 s7, s8  }
0xc: {  	s17 =	simm.s32 $0x0;
	s31 =	smax.u32 s2, $0x1;
	[dreg:$0x5] =	wrdreg s30  }
0xd: {  	v0 =	vlaneseq.u32;
	s9 =	simm.s32 $0x400;
	s6 =	sadd.s32 s0, s29;
	[dreg:$0x6] =	wrdreg s31  }
.LBB2_9:
0xe: {  	v1 =	vbroadcast v1, $0x1  }
0xf: {  	vm0 =	vlt.f32 v4, v2  }
0x10: {  	vm15 =	vlt.f32 v3, v2;
	v4 =	vsel vm0, v4, v1  }
0x11: {  	v1 =	vsel vm15, v3, v1;
	[tilespmem:$0x1180] =	vst v4  }
0x12: {  	s0 =	rddreg [dreg:$0x5];
	s2 =	simm.s32 $0x1180;
	[tilespmem:$0x1190] =	vst v1  }
0x13: {  	[hbm4b:s0+s1] =	stream.linear.scatter [tilespmem:s2], [sflag:$0x2], $0x20, $0x38;
	[tilespmem:$0x1200] =	vst v63  }
0x14: {  	_ =	swait.ge [sflag:s14], $0x20  }
0x15: {  	s17 =	sadd.s32 $0x1, s17;
	s31 =	rddreg [dreg:$0x6]  }
0x16: {  	p0 =	sne.s32 s17, s31  }
.Ltmp1:
0x17: {  	_ = 	snop;
	(pc) =	sbr.rel @!p0 .LBB2_10-.Ltmp1, $3  }
0x18: {  	_ =	sdelay $0x1  }
0x19: {  	[sflag:s14] =	ssyncset.done $0x0  }
0x1a: {  	[sflag:s14] =	ssyncadd.s32 $0xFFFFFFE0  }
.LBB2_1:
0x1b: {  	[tilespmem:s11], [sflag:$0x1] =	stream.strided.gather [hbm4b:s6+s9], $0x1000, s10, s9, $0x38;
	[tilespmem:$0x1200] =	vst v63  }
0x1c: {  	_ = 	snop  }
0x1d: {  	[tilespmem:s1], [sflag:$0x1] =	stream.linear.gather [hbm4b:s3+s1], $0x80, $0x38;
	[tilespmem:$0x1200] =	vst v63  }
0x1e: {  	_ = 	snop  }
0x1f: {  	[tilespmem:s12], [sflag:$0x1] =	stream.linear.gather [hbm4b:s4+s1], $0x80, $0x38;
	[tilespmem:$0x1200] =	vst v63  }
0x20: {  	s0 =	rddreg [dreg:$0x4];
	s2 =	simm.s32 $0x1100  }
0x21: {  	[tilespmem:s2], [sflag:$0x2] =	stream.linear.gather [hbm4b:s0+s1], $0x80, $0x38;
	[tilespmem:$0x1200] =	vst v63  }
0x22: {  	_ =	swait.ge [sflag:s14], $0x80  }
0x23: {  	[sflag:s14] =	ssyncset.done $0x0  }
0x24: {  	[sflag:s14] =	ssyncadd.s32 $0xFFFFFF80  }
0x25: {  	v1 =	vld [tilespmem:$0x1100];
	_ =	swait.ge [sflag:s15], $0x1000  }
0x26: {  	[sflag:s15] =	ssyncset.done $0x0  }
0x27: {  	[sflag:s15] =	ssyncadd.s32 $0xFFFFF000  }
0x28: {  	_ =	swait.ge [sflag:s15], $0x80  }
0x29: {  	[sflag:s15] =	ssyncset.done $0x0  }
0x2a: {  	[sflag:s15] =	ssyncadd.s32 $0xFFFFFF80  }
0x2b: {  	_ =	swait.ge [sflag:s15], $0x80  }
0x2c: {  	[sflag:s15] =	ssyncset.done $0x0  }
0x2d: {  	[sflag:s15] =	ssyncadd.s32 $0xFFFFFF80  }
0x2e: {  	v8 =	vld [tilespmem:$0x0]  }
0x2f: {  	v3 =	vld [tilespmem:$0x80]  }
0x30: {  	v9 =	vld [tilespmem:$0x10]  }
0x31: {  	v10 =	vld [tilespmem:$0x90]  }
0x32: {  	v11 =	vld [tilespmem:$0x20]  }
0x33: {  	v12 =	vld [tilespmem:$0xA0]  }
0x34: {  	v13 =	vld [tilespmem:$0x30]  }
0x35: {  	v14 =	vld [tilespmem:$0xB0]  }
0x36: {  	v15 =	vld [tilespmem:$0x40]  }
0x37: {  	v16 =	vld [tilespmem:$0xC0]  }
0x38: {  	v17 =	vld [tilespmem:$0x50]  }
0x39: {  	v18 =	vld [tilespmem:$0xD0]  }
0x3a: {  	v19 =	vld [tilespmem:$0x60]  }
0x3b: {  	v20 =	vld [tilespmem:$0xE0]  }
0x3c: {  	s18 =	simm.s32 $0x140;
	v21 =	vld [tilespmem:$0x70]  }
0x3d: {  	v4 =	vld [tilespmem:s18+$0xFFFFFFD0]  }
0x3e: {  	v5 =	vld [tilespmem:s18+$0x10]  }
0x3f: {  	v6 =	vld [tilespmem:s18+$0x0]  }
0x40: {  	v7 =	vld [tilespmem:s18+$0x30]  }
0x41: {  	v24 =	vld [tilespmem:s18+$0x20]  }
0x42: {  	v25 =	vld [tilespmem:s18+$0xFFFFFFC0]  }
0x43: {  	v26 =	vld [tilespmem:s18+$0xFFFFFFE0]  }
0x44: {  	s19 =	simm.s32 $0x1C0;
	v27 =	vld [tilespmem:s18+$0xFFFFFFF0]  }
0x45: {  	v2 =	vbroadcast v1, $0x0;
	v28 =	vld [tilespmem:s19+$0xFFFFFFD0]  }
0x46: {  	v29 =	vld [tilespmem:s19+$0x10]  }
0x47: {  	s20 =	simm.s32 $0xFFFFFFF0;
	v22 =	vld [tilespmem:$0xF0];
	v23 =	vmin.f32 v2, v3;
	vm0 =	vlt.f32 v4, v9  }
0x48: {  	v3 =	vmov s20;
	vm12 =	vlt.f32 v6, v15;
	v6 =	vld [tilespmem:s19+$0x0];
	vm13 =	vlt.f32 v7, v21  }
0x49: {  	vm1 =	vlt.f32 v25, v8;
	v7 =	vld [tilespmem:s19+$0x30];
	vm2 =	vlt.f32 v5, v17;
	vm3 =	vlt.f32 v26, v11  }
0x4a: {  	v25 =	vld [tilespmem:s19+$0xFFFFFFC0];
	vm14 =	vlt.f32 v27, v13;
	vm15 =	vlt.f32 v24, v19;
	vm4 =	vlt.f32 v28, v9  }
0x4b: {  	s22 =	simm.s32 $0x240;
	v26 =	vld [tilespmem:s19+$0xFFFFFFE0];
	vm8 =	vlt.f32 v29, v17;
	v4 =	vsel vm0, v10, v2;
	v5 =	vsel vm1, v23, v2  }
0x4c: {  	v29 =	vld [tilespmem:s22+$0x0];
	v30 =	vsel vm12, v16, v2;
	v4 =	vmin.f32 v5, v4;
	v5 =	vsel vm3, v12, v2  }
0x4d: {  	v27 =	vsel vm2, v18, v2;
	v31 =	vsel vm14, v14, v2;
	v4 =	vmin.f32 v4, v5  }
0x4e: {  	s21 =	simm.s32 $0xFFFFFFF1;
	s24 =	simm.s32 $0x2C0;
	v32 =	vsel vm13, v22, v2;
	v28 =	vsel vm4, v10, v2;
	v5 =	vld [tilespmem:s19+$0xFFFFFFF0];
	v24 =	vmin.f32 v4, v31  }
0x4f: {  	v35 =	vld [tilespmem:s24+$0x0];
	v31 =	vsel vm15, v20, v2;
	v4 =	vmov s21;
	vm5 =	vlt.f32 v6, v15  }
0x50: {  	v6 =	vld [tilespmem:s19+$0x20];
	vm6 =	vlt.f32 v7, v21;
	vm7 =	vlt.f32 v25, v8;
	vm9 =	vlt.f32 v26, v11  }
0x51: {  	v7 =	vld [tilespmem:s22+$0xFFFFFFD0];
	v25 =	vsel vm8, v18, v2;
	v24 =	vmin.f32 v24, v30;
	vm13 =	vlt.f32 v29, v15  }
0x52: {  	v30 =	vld [tilespmem:s22+$0x30];
	v33 =	vsel vm5, v16, v2;
	v34 =	vsel vm6, v22, v2;
	v24 =	vmin.f32 v24, v27  }
0x53: {  	v26 =	vld [tilespmem:s22+$0x10];
	v36 =	vsel vm13, v16, v2;
	vm10 =	vlt.f32 v5, v13;
	v5 =	vsel vm7, v23, v2  }
0x54: {  	v41 =	vld [tilespmem:s24+$0xFFFFFFF0];
	v24 =	vmin.f32 v24, v31;
	v5 =	vmin.f32 v5, v28;
	v28 =	vsel vm9, v12, v2  }
0x55: {  	v24 =	vmin.f32 v24, v32;
	v27 =	vsel vm10, v14, v2;
	v5 =	vmin.f32 v5, v28;
	v28 =	vld [tilespmem:s22+$0xFFFFFFC0]  }
0x56: {  	(v2sf) =	vpush v24, $0xF;
	vm11 =	vlt.f32 v6, v19;
	v6 =	vld [tilespmem:s22+$0xFFFFFFE0];
	vm12 =	vlt.f32 v7, v9  }
0x57: {  	(v2sf) =	vpush v24, $0x7;
	vm14 =	vlt.f32 v30, v21;
	v31 =	vmin.f32 v5, v27;
	v27 =	vld [tilespmem:s22+$0xFFFFFFF0]  }
0x58: {  	s23 =	simm.s32 $0xFFFFFFF2;
	v39 =	vld [tilespmem:s24+$0xFFFFFFE0];
	vm6 =	vlt.f32 v26, v17;
	v54 =	vsel vm11, v20, v2;
	(v2sf) =	vpush v24, $0xE  }
0x59: {  	v29 =	vld [tilespmem:s24+$0x10];
	v5 =	vmov s23;
	v7 =	vsel vm12, v10, v2;
	(v2sf) =	vpush v24, $0xB  }
0x5a: {  	v30 =	vsel vm6, v18, v2;
	vm11 =	vlt.f32 v35, v15;
	(v2sf) =	vpush v24, $0x4  }
0x5b: {  	vm6 =	vlt.f32 v41, v13;
	(v2sf) =	vpush v24, $0x3;
	vm15 =	vlt.f32 v28, v8  }
0x5c: {  	s13 =	simm.s32 $0x340;
	vm7 =	vlt.f32 v6, v11;
	(v2sf) =	vpush v24, $0xD;
	vm8 =	vlt.f32 v27, v13  }
0x5d: {  	v60 =	vld [tilespmem:s13+$0xFFFFFFF0];
	v27 =	vsel vm14, v22, v2;
	v26 =	vsel vm15, v23, v2;
	(v2sf) =	vpush v24, $0x5  }
0x5e: {  	v28 =	vld [tilespmem:s22+$0x20];
	vm14 =	vlt.f32 v29, v17;
	vm15 =	vlt.f32 v39, v11;
	(v2sf) =	vpush v24, $0xC  }
0x5f: {  	v62 =	vld [tilespmem:s13+$0x20];
	v7 =	vmin.f32 v26, v7;
	v26 =	vsel vm7, v12, v2;
	(v2sf) =	vpush v24, $0xA  }
0x60: {  	v6 =	vld [tilespmem:s24+$0xFFFFFFD0];
	v37 =	vsel vm8, v14, v2;
	v29 =	vsel vm14, v18, v2;
	(v2sf) =	vpush v24, $0x9  }
0x61: {  	v56 =	vsel vm15, v12, v2;
	v7 =	vmin.f32 v7, v26;
	(v2sf) =	vpush v24, $0x0  }
0x62: {  	vm14 =	vlt.f32 v60, v13;
	v37 =	vmin.f32 v7, v37;
	v7 =	vld [tilespmem:s24+$0xFFFFFFC0];
	(v2sf) =	vpush v24, $0x1  }
0x63: {  	vm9 =	vlt.f32 v28, v19;
	v28 =	vmin.f32 v31, v33;
	(v2sf) =	vpush v24, $0x6  }
0x64: {  	s25 =	simm.s32 $0xFFFFFFF3;
	vm15 =	vlt.f32 v62, v19;
	v25 =	vmin.f32 v28, v25;
	(v2sf) =	vpush v24, $0x2  }
0x65: {  	vm10 =	vlt.f32 v6, v9;
	v6 =	vmov s25;
	v25 =	vmin.f32 v25, v54;
	s26 =	spop (v2sf)  }
0x66: {  	v57 =	vld [tilespmem:s13+$0x0];
	v31 =	vsel vm6, v14, v2;
	v35 =	vmin.f32 v25, v34;
	(v2sf) =	vpush v24, $0x8;
	s0 =	spop (v2sf)  }
0x67: {  	v36 =	vmin.f32 v37, v36;
	vm13 =	vlt.f32 v7, v8;
	v24 =	vld [tilespmem:s13+$0xFFFFFFD0];
	(v2sf) =	vpush v35, $0xF;
	s16 =	spop (v2sf)  }
0x68: {  	v58 =	vld [tilespmem:s13+$0x30];
	v40 =	vsel vm10, v10, v2;
	v25 =	vsel vm13, v23, v2;
	(v2sf) =	vpush v35, $0x7;
	s18 =	spop (v2sf)  }
0x69: {  	v26 =	vld [tilespmem:s24+$0x30];
	v33 =	vsel vm15, v20, v2;
	v38 =	vsel vm9, v20, v2;
	v25 =	vmin.f32 v25, v40;
	s19 =	spop (v2sf)  }
0x6a: {  	v28 =	vsel vm11, v16, v2;
	v7 =	vld [tilespmem:s24+$0x20];
	(v2sf) =	vpush v35, $0xE;
	v25 =	vmin.f32 v25, v56;
	s22 =	spop (v2sf)  }
0x6b: {  	vm9 =	vlt.f32 v57, v15;
	(v2sf) =	vpush v35, $0xB;
	v34 =	vmin.f32 v25, v31;
	v25 =	vld [tilespmem:s13+$0xFFFFFFC0];
	s21 =	spop (v2sf)  }
0x6c: {  	v61 =	vmin.f32 v36, v30;
	(v2sf) =	vpush v35, $0x4;
	vm8 =	vlt.f32 v24, v9;
	v24 =	vld [tilespmem:s13+$0xFFFFFFE0];
	s28 =	spop (v2sf)  }
0x6d: {  	vm10 =	vlt.f32 v58, v21;
	v30 =	vsel vm9, v16, v2;
	s2 =	smin.f32 s16, s26;
	(v2sf) =	vpush v35, $0x3;
	s31 =	spop (v2sf)  }
0x6e: {  	s20 =	simm.s32 $0xFFFFFFF4;
	v37 =	vsel vm10, v22, v2;
	vm12 =	vlt.f32 v26, v21;
	(v2sf) =	vpush v35, $0xD;
	s23 =	smin.f32 s19, s28;
	s5 =	spop (v2sf)  }
0x6f: {  	v55 =	vld [tilespmem:s13+$0x10];
	vm7 =	vlt.f32 v7, v19;
	v7 =	vmov s20;
	(v2sf) =	vpush v35, $0x5;
	s16 =	smin.f32 s31, s21;
	s24 =	spop (v2sf)  }
0x70: {  	s20 =	simm.s32 $0x2;
	v59 =	vsel vm8, v10, v2;
	(v2sf) =	vpush v35, $0xC;
	vm11 =	vlt.f32 v25, v8;
	s26 =	smin.f32 s5, s18;
	s7 =	spop (v2sf)  }
0x71: {  	s19 =	simm.s32 $0x3;
	(v2sf) =	vpush v35, $0xA;
	vm13 =	vlt.f32 v24, v11;
	s25 =	smin.f32 s16, s2;
	v24 =	vsel vm11, v23, v2;
	s8 =	spop (v2sf)  }
0x72: {  	s21 =	simm.s32 $0x1;
	(v2sf) =	vpush v35, $0x9;
	v24 =	vmin.f32 v24, v59;
	v63 =	vsel vm13, v12, v2;
	s13 =	smin.f32 s7, s8;
	s16 =	spop (v2sf)  }
0x73: {  	v25 =	vsel vm14, v14, v2;
	s18 =	simm.s32 $0x4;
	(v2sf) =	vpush v35, $0x0;
	v24 =	vmin.f32 v24, v63;
	s0 =	smin.f32 s16, s0;
	s28 =	spop (v2sf)  }
0x74: {  	v26 =	vsel vm12, v22, v2;
	vm12 =	vlt.f32 v55, v17;
	s2 =	simm.s32 $0x5;
	(v2sf) =	vpush v35, $0x1;
	s16 =	smin.f32 s28, s22;
	s29 =	smin.f32 s23, s0  }
0x75: {  	v38 =	vmin.f32 v61, v38;
	v32 =	vsel vm12, v18, v2;
	(v2sf) =	vpush v35, $0x6;
	s31 =	spop (v2sf);
	s23 =	simm.s32 $0x3C0;
	s0 =	smin.f32 s13, s16  }
0x76: {  	v31 =	vsel vm7, v20, v2;
	v36 =	vmin.f32 v24, v25;
	v25 =	vmovc v2;
	(v2sf) =	vpush v35, $0x2;
	s22 =	simm.s32 $0x0;
	v24 =	vmovc v2;
	s30 =	spop (v2sf);
	s13 =	smin.f32 s31, s24  }
.LBB2_2:
0x77: {  	s28 =	spop (v2sf)  }
0x78: {  	v39 =	vld [tilespmem:s23+$0xFFFFFFD0];
	(v2sf) =	vpush v35, $0x8;
	v35 =	vmin.f32 v38, v27;
	s13 =	smin.f32 s13, s26;
	v27 =	vmovc v26;
	v26 =	vmov v37;
	s16 =	smov.u32 s2;
	s24 =	sadd.s32 $0x1, s2  }
0x79: {  	v37 =	vld [tilespmem:s23+$0x10];
	s26 =	sadd.s32 $0xFFFFFFF0, s16;
	(v2sf) =	vpush v35, $0xF;
	s31 =	spop (v2sf);
	s13 =	smin.f32 s13, s25  }
0x7a: {  	p0 =	sne.s32 s2, $0x1F;
	s0 =	smin.f32 s0, s29;
	v38 =	vld [tilespmem:s23+$0x0];
	v40 =	vmov s26;
	(v2sf) =	vpush v35, $0x7;
	s2 =	spop (v2sf)  }
0x7b: {  	v42 =	vmov s22;
	vm0 =	veq.s32 v3, v0;
	v3 =	vmovc v4;
	v4 =	vmovc v5;
	s22 =	smov.u32 s21;
	s13 =	smin.f32 s0, s13;
	v41 =	vld [tilespmem:s23+$0x30];
	(v2sf) =	vpush v35, $0xE;
	s25 =	spop (v2sf)  }
0x7c: {  	v5 =	vmovc v6;
	v6 =	vmovc v7;
	s21 =	smov.u32 s20;
	s29 =	smin.f32 s31, s30;
	v44 =	vmin.f32 v25, s13;
	v45 =	vmin.f32 v24, s13;
	v43 =	vld [tilespmem:s23+$0x20];
	(v2sf) =	vpush v35, $0xB;
	s0 =	spop (v2sf)  }
0x7d: {  	s20 =	smov.u32 s19;
	s19 =	smov.u32 s18;
	vm2 =	veq.s32 v42, v0;
	v7 =	vmovc v40;
	v46 =	vld [tilespmem:s23+$0xFFFFFFC0];
	vm1 =	vlt.f32 v39, v9;
	(v2sf) =	vpush v35, $0x4;
	s13 =	spop (v2sf)  }
0x7e: {  	s18 =	smov.u32 s16;
	v25 =	vsel vm2, v44, v25;
	v39 =	vsel vm1, v10, v2;
	v40 =	vld [tilespmem:s23+$0xFFFFFFE0];
	(v2sf) =	vpush v35, $0x3;
	s26 =	spop (v2sf)  }
0x7f: {  	v44 =	vmin.f32 v34, v28;
	v24 =	vsel vm0, v45, v24;
	v28 =	vmovc v30;
	v34 =	vmovc v36;
	v42 =	vld [tilespmem:s23+$0xFFFFFFF0];
	(v2sf) =	vpush v35, $0xD;
	s16 =	smin.f32 s25, s26;
	s25 =	spop (v2sf)  }
0x80: {  	vm0 =	vlt.f32 v38, v15;
	v38 =	vmin.f32 v44, v29;
	v29 =	vmovc v32;
	(v2sf) =	vpush v35, $0x5;
	s26 =	spop (v2sf)  }
0x81: {  	v30 =	vsel vm0, v16, v2;
	vm0 =	vlt.f32 v41, v21;
	s13 =	smin.f32 s25, s13;
	(v2sf) =	vpush v35, $0xC;
	s31 =	spop (v2sf)  }
0x82: {  	vm2 =	vlt.f32 v37, v17;
	s26 =	smin.f32 s26, s2;
	vm1 =	vlt.f32 v46, v8;
	(v2sf) =	vpush v35, $0xA;
	s2 =	spop (v2sf)  }
0x83: {  	s25 =	smin.f32 s13, s29;
	s13 =	spop (v2sf)  }
0x84: {  	v32 =	vsel vm2, v18, v2;
	vm3 =	vlt.f32 v40, v11;
	(v2sf) =	vpush v35, $0x9;
	s2 =	smin.f32 s2, s13  }
.Ltmp2:
0x85: {  	v37 =	vsel vm0, v22, v2;
	vm2 =	vlt.f32 v42, v13;
	(v2sf) =	vpush v35, $0x0;
	s13 =	spop (v2sf);
	(pc) =	sbr.rel @p0 .LBB2_2-.Ltmp2, $4  }
0x86: {  	v36 =	vsel vm1, v23, v2;
	v40 =	vsel vm2, v14, v2;
	(v2sf) =	vpush v35, $0x1;
	s13 =	smin.f32 s13, s28;
	s28 =	spop (v2sf)  }
0x87: {  	v36 =	vmin.f32 v36, v39;
	v39 =	vsel vm3, v12, v2;
	(v2sf) =	vpush v35, $0x6;
	s0 =	smin.f32 s28, s0;
	s29 =	smin.f32 s16, s13  }
0x88: {  	s23 =	sadd.s32 $0x80, s23;
	vm0 =	vlt.f32 v43, v19;
	v36 =	vmin.f32 v36, v39;
	(v2sf) =	vpush v35, $0x2;
	s0 =	smin.f32 s2, s0;
	s2 =	spop (v2sf)  }
0x89: {  	v38 =	vmin.f32 v38, v31;
	v31 =	vmovc v33;
	v33 =	vsel vm0, v20, v2;
	v36 =	vmin.f32 v36, v40;
	s30 =	spop (v2sf);
	s13 =	smin.f32 s2, s31;
	s2 =	smov.u32 s24  }
0x8a: {  	v8 =	vmin.f32 v38, v27;
	(v2sf) =	vpush v35, $0x8  }
0x8b: {  	s2 =	spop (v2sf);
	(v2sf) =	vpush v8, $0xF  }
0x8c: {  	s16 =	spop (v2sf);
	(v2sf) =	vpush v8, $0x7  }
0x8d: {  	s24 =	spop (v2sf);
	(v2sf) =	vpush v8, $0xE  }
0x8e: {  	s28 =	spop (v2sf);
	(v2sf) =	vpush v8, $0xB  }
0x8f: {  	s31 =	spop (v2sf);
	(v2sf) =	vpush v8, $0x4  }
0x90: {  	s5 =	spop (v2sf);
	(v2sf) =	vpush v8, $0x3  }
0x91: {  	s13 =	smin.f32 s13, s26;
	s26 =	spop (v2sf);
	(v2sf) =	vpush v8, $0xD  }
0x92: {  	s13 =	smin.f32 s13, s25;
	s25 =	spop (v2sf);
	(v2sf) =	vpush v8, $0x5  }
0x93: {  	s0 =	smin.f32 s0, s29;
	s7 =	spop (v2sf);
	(v2sf) =	vpush v8, $0xC  }
0x94: {  	s23 =	smin.f32 s0, s13;
	s0 =	spop (v2sf);
	(v2sf) =	vpush v8, $0xA  }
0x95: {  	s8 =	smin.f32 s16, s30;
	s16 =	spop (v2sf);
	(v2sf) =	vpush v8, $0x9  }
0x96: {  	s26 =	smin.f32 s28, s26;
	s28 =	spop (v2sf);
	(v2sf) =	vpush v8, $0x0  }
0x97: {  	v9 =	vmin.f32 v34, v28;
	s5 =	smin.f32 s25, s5;
	s30 =	spop (v2sf);
	(v2sf) =	vpush v8, $0x1  }
0x98: {  	v9 =	vmin.f32 v9, v29;
	s24 =	smin.f32 s7, s24;
	s7 =	spop (v2sf);
	(v2sf) =	vpush v8, $0x6  }
0x99: {  	v9 =	vmin.f32 v9, v31;
	s5 =	smin.f32 s5, s8;
	(v2sf) =	vpush v8, $0x2;
	s8 =	spop (v2sf)  }
0x9a: {  	v9 =	vmin.f32 v9, v26;
	s16 =	smin.f32 s16, s28;
	s28 =	spop (v2sf);
	(v2sf) =	vpush v8, $0x8  }
0x9b: {  	s2 =	smin.f32 s30, s2;
	s25 =	spop (v2sf);
	(v2sf) =	vpush v9, $0xF  }
0x9c: {  	s29 =	smin.f32 s7, s31;
	s30 =	spop (v2sf);
	(v2sf) =	vpush v9, $0x7  }
0x9d: {  	s2 =	smin.f32 s26, s2;
	s26 =	spop (v2sf);
	(v2sf) =	vpush v9, $0xE  }
0x9e: {  	s16 =	smin.f32 s16, s29;
	s29 =	spop (v2sf);
	(v2sf) =	vpush v9, $0xB  }
0x9f: {  	s0 =	smin.f32 s8, s0;
	s13 =	spop (v2sf);
	(v2sf) =	vpush v9, $0x4  }
0xa0: {  	s0 =	smin.f32 s0, s24;
	s31 =	spop (v2sf);
	(v2sf) =	vpush v9, $0x3  }
0xa1: {  	s0 =	smin.f32 s0, s5;
	s5 =	spop (v2sf);
	(v2sf) =	vpush v9, $0xD  }
0xa2: {  	s2 =	smin.f32 s16, s2;
	s7 =	spop (v2sf);
	(v2sf) =	vpush v9, $0x5  }
0xa3: {  	s24 =	smin.f32 s2, s0;
	s8 =	spop (v2sf);
	(v2sf) =	vpush v9, $0xC  }
0xa4: {  	s2 =	smin.f32 s30, s28;
	s28 =	spop (v2sf);
	(v2sf) =	vpush v9, $0xA  }
0xa5: {  	s5 =	smin.f32 s29, s5;
	s29 =	spop (v2sf);
	(v2sf) =	vpush v9, $0x9  }
0xa6: {  	s16 =	smin.f32 s7, s31;
	s7 =	spop (v2sf);
	(v2sf) =	vpush v9, $0x0  }
0xa7: {  	v57 =	vmin.f32 v36, v30;
	s0 =	smin.f32 s8, s26;
	s8 =	spop (v2sf);
	(v2sf) =	vpush v9, $0x1  }
0xa8: {  	v8 =	vmin.f32 v57, v32;
	s2 =	smin.f32 s16, s2;
	s31 =	spop (v2sf);
	(v2sf) =	vpush v9, $0x6  }
0xa9: {  	v8 =	vmin.f32 v8, v33;
	s29 =	smin.f32 s29, s7;
	(v2sf) =	vpush v9, $0x2;
	s7 =	spop (v2sf)  }
0xaa: {  	v8 =	vmin.f32 v8, v37;
	s25 =	smin.f32 s8, s25;
	s26 =	spop (v2sf);
	(v2sf) =	vpush v9, $0x8  }
0xab: {  	s13 =	smin.f32 s31, s13;
	s16 =	spop (v2sf);
	(v2sf) =	vpush v8, $0xF  }
0xac: {  	s5 =	smin.f32 s5, s25;
	s8 =	spop (v2sf);
	(v2sf) =	vpush v8, $0x7  }
0xad: {  	s13 =	smin.f32 s29, s13;
	s29 =	spop (v2sf);
	(v2sf) =	vpush v8, $0xE  }
0xae: {  	s30 =	smin.f32 s7, s28;
	s28 =	spop (v2sf);
	(v2sf) =	vpush v8, $0xB  }
0xaf: {  	s0 =	smin.f32 s30, s0;
	s30 =	spop (v2sf);
	(v2sf) =	vpush v8, $0x4  }
0xb0: {  	s0 =	smin.f32 s0, s2;
	s2 =	spop (v2sf);
	(v2sf) =	vpush v8, $0x3  }
0xb1: {  	s5 =	smin.f32 s13, s5;
	s13 =	spop (v2sf);
	(v2sf) =	vpush v8, $0xD  }
0xb2: {  	s25 =	smin.f32 s5, s0;
	s7 =	spop (v2sf);
	(v2sf) =	vpush v8, $0x5  }
0xb3: {  	s5 =	smin.f32 s8, s26;
	s8 =	spop (v2sf);
	(v2sf) =	vpush v8, $0xC  }
0xb4: {  	s13 =	smin.f32 s28, s13;
	s28 =	spop (v2sf);
	(v2sf) =	vpush v8, $0xA  }
0xb5: {  	s0 =	smin.f32 s7, s2;
	s31 =	spop (v2sf);
	(v2sf) =	vpush v8, $0x9  }
0xb6: {  	s26 =	smin.f32 s8, s29;
	s7 =	spop (v2sf);
	(v2sf) =	vpush v8, $0x0  }
0xb7: {  	s0 =	smin.f32 s0, s5;
	s8 =	spop (v2sf);
	(v2sf) =	vpush v8, $0x1  }
0xb8: {  	s2 =	smin.f32 s31, s7;
	s31 =	spop (v2sf);
	(v2sf) =	vpush v8, $0x6  }
0xb9: {  	s5 =	smin.f32 s8, s16;
	(v2sf) =	vpush v8, $0x2;
	s7 =	spop (v2sf)  }
0xba: {  	s29 =	smin.f32 s31, s30;
	s30 =	spop (v2sf);
	(v2sf) =	vpush v8, $0x8  }
0xbb: {  	s5 =	smin.f32 s13, s5;
	s13 =	spop (v2sf)  }
0xbc: {  	s2 =	smin.f32 s2, s29;
	s8 =	spop (v2sf)  }
0xbd: {  	s16 =	smin.f32 s7, s28;
	s28 =	spop (v2sf)  }
0xbe: {  	s16 =	smin.f32 s16, s26;
	s26 =	spop (v2sf)  }
0xbf: {  	s0 =	smin.f32 s16, s0;
	s16 =	spop (v2sf)  }
0xc0: {  	s2 =	smin.f32 s2, s5;
	s31 =	spop (v2sf)  }
0xc1: {  	s0 =	smin.f32 s2, s0;
	s7 =	spop (v2sf)  }
0xc2: {  	s29 =	smin.f32 s8, s30;
	s8 =	spop (v2sf)  }
0xc3: {  	s2 =	smin.f32 s26, s7;
	s26 =	spop (v2sf)  }
0xc4: {  	v58 =	vmov s22;
	vm1 =	veq.s32 v3, v0;
	v60 =	vmov s21;
	s5 =	smin.f32 s8, s31;
	s30 =	spop (v2sf)  }
0xc5: {  	vm8 =	veq.s32 v4, v0;
	v61 =	vmov s20;
	vm10 =	veq.s32 v5, v0;
	s22 =	smin.f32 s26, s28;
	s31 =	spop (v2sf)  }
0xc6: {  	vm0 =	veq.s32 v58, v0;
	v59 =	vmin.f32 v25, s23;
	v3 =	vmin.f32 v24, s23;
	s5 =	smin.f32 s5, s29;
	s7 =	spop (v2sf)  }
0xc7: {  	vm13 =	veq.s32 v6, v0;
	v3 =	vsel vm1, v3, v24;
	v8 =	vsel vm0, v59, v25;
	s21 =	smin.f32 s31, s7;
	s8 =	spop (v2sf)  }
0xc8: {  	vm9 =	veq.s32 v60, v0;
	v10 =	vmin.f32 v3, s24;
	v4 =	vmin.f32 v8, s24;
	s13 =	smin.f32 s8, s13;
	s24 =	spop (v2sf)  }
0xc9: {  	vm14 =	veq.s32 v7, v0;
	v3 =	vsel vm8, v10, v3;
	v4 =	vsel vm9, v4, v8;
	s16 =	smin.f32 s24, s16;
	s28 =	spop (v2sf)  }
0xca: {  	vm11 =	veq.s32 v61, v0;
	v62 =	vmin.f32 v3, s25;
	v5 =	vmin.f32 v4, s25;
	s2 =	smin.f32 s2, s13;
	s29 =	smin.f32 s28, s30  }
0xcb: {  	v3 =	vsel vm10, v62, v3;
	v4 =	vsel vm11, v5, v4;
	v5 =	vmov s19;
	s16 =	smin.f32 s21, s16;
	s13 =	smin.f32 s29, s22  }
0xcc: {  	v63 =	vmin.f32 v4, s0;
	vm12 =	veq.s32 v5, v0;
	v5 =	vmin.f32 v3, s0;
	s2 =	smin.f32 s16, s2;
	s30 =	smin.f32 s13, s5  }
0xcd: {  	v4 =	vsel vm12, v63, v4;
	v3 =	vsel vm13, v5, v3;
	v5 =	vmov s18;
	s0 =	smin.f32 s2, s30  }
0xce: {  	vm15 =	veq.s32 v5, v0;
	v6 =	vmin.f32 v4, s0;
	v7 =	vmin.f32 v3, s0  }
0xcf: {  	v4 =	vsel vm15, v6, v4;
	v3 =	vsel vm14, v7, v3  }
0xd0: {  	(v2sf) =	vpush v1, $0x0;
	v5 =	vmax.f32 v4, v3  }
0xd1: {  	(v2sf) =	vpush v5, $0x0  }
0xd2: {  	(v2sf) =	vpush v5, $0x1  }
0xd3: {  	(v2sf) =	vpush v5, $0x2  }
0xd4: {  	(v2sf) =	vpush v5, $0x3  }
0xd5: {  	(v2sf) =	vpush v5, $0x4  }
0xd6: {  	(v2sf) =	vpush v5, $0x5  }
0xd7: {  	(v2sf) =	vpush v5, $0x6  }
0xd8: {  	(v2sf) =	vpush v5, $0x7  }
0xd9: {  	(v2sf) =	vpush v5, $0x8  }
0xda: {  	(v2sf) =	vpush v5, $0x9  }
0xdb: {  	(v2sf) =	vpush v5, $0xA  }
0xdc: {  	(v2sf) =	vpush v5, $0xB  }
0xdd: {  	(v2sf) =	vpush v5, $0xC  }
0xde: {  	(v2sf) =	vpush v5, $0xD  }
0xdf: {  	s18 =	spop (v2sf);
	(v2sf) =	vpush v5, $0xE  }
0xe0: {  	s0 =	spop (v2sf);
	(v2sf) =	vpush v5, $0xF  }
0xe1: {  	s2 =	spop (v2sf)  }
0xe2: {  	s5 =	spop (v2sf)  }
0xe3: {  	s13 =	spop (v2sf)  }
0xe4: {  	s16 =	spop (v2sf)  }
0xe5: {  	s19 =	spop (v2sf)  }
0xe6: {  	s20 =	spop (v2sf)  }
0xe7: {  	s0 =	smax.f32 s0, s2;
	s21 =	spop (v2sf)  }
0xe8: {  	s13 =	smax.f32 s5, s13;
	s22 =	spop (v2sf)  }
0xe9: {  	s0 =	smax.f32 s0, s13;
	s23 =	spop (v2sf)  }
0xea: {  	s19 =	smax.f32 s16, s19;
	s24 =	spop (v2sf)  }
0xeb: {  	s21 =	smax.f32 s20, s21;
	s25 =	spop (v2sf)  }
0xec: {  	s28 =	smax.f32 s19, s21;
	s26 =	spop (v2sf)  }
0xed: {  	s23 =	smax.f32 s22, s23;
	s31 =	spop (v2sf)  }
0xee: {  	s0 =	smax.f32 s0, s28;
	s7 =	spop (v2sf)  }
0xef: {  	s24 =	smax.f32 s24, s25;
	s8 =	spop (v2sf)  }
0xf0: {  	s25 =	smax.f32 s26, s31;
	s26 =	smax.f32 s7, s8  }
0xf1: {  	s29 =	smax.f32 s23, s24;
	s30 =	smax.f32 s25, s26  }
.Ltmp3:
0xf2: {  	s31 =	smax.f32 s29, s30;
	(pc) =	sbr.rel .LBB2_4-.Ltmp3, $4  }
0xf3: {  	s0 =	smax.f32 s0, s31  }
0xf4: {  	p0 =	slt.f32 s0, s18  }
0xf5: {  	[tilespmem:$0x1180] =	vst v4;
	s0 =	simm.s32 $0x1  }
0xf6: {  	[tilespmem:$0x1190] =	vst v3;
	s19 =	simm.s32 $0x1;
	s0 =	simm.s32 @!p0 $0x0  }
.LBB2_8:
0xf7: {  	s19 =	sadd.s32 $0x1, s19  }
0xf8: {  	p0 =	sne.s32 s19, $0x40  }
.Ltmp4:
0xf9: {  	_ = 	snop;
	(pc) =	sbr.rel @!p0 .LBB2_9-.Ltmp4, $1  }
0xfa: {  	_ =	sdelay $0x3  }
.LBB2_4:
0xfb: {  	p0 =	sne.s32 s0, $0x0  }
.Ltmp5:
0xfc: {  	_ = 	snop;
	(pc) =	sbr.rel @p0 .LBB2_8-.Ltmp5, $2  }
0xfd: {  	_ =	sdelay $0x2  }
0xfe: {  	s0 =	simm.s32 $0x1  }
0xff: {  	s0 =	sshll.u32 s19, $0x7  }
0x100: {  	s7 =	sshll.u32 s19, $0x4;
	s0 =	sadd.s32 s0, s6  }
0x101: {  	[tilespmem:s11], [sflag:$0x1] =	stream.strided.gather [hbm4b:s0+s9], $0x1000, s10, s9, $0x38;
	[tilespmem:$0x1200] =	vst v63  }
0x102: {  	s20 =	simm.s32 $0x0;
	s2 =	sadd.s32 s3, s7  }
0x103: {  	[tilespmem:s20], [sflag:$0x1] =	stream.linear.gather [hbm4b:s2+s20], $0x80, $0x38;
	[tilespmem:$0x1200] =	vst v63  }
0x104: {  	s0 =	sadd.s32 s4, s7  }
0x105: {  	[tilespmem:s12], [sflag:$0x1] =	stream.linear.gather [hbm4b:s0+s20], $0x80, $0x38;
	[tilespmem:$0x1200] =	vst v63  }
0x106: {  	_ =	swait.ge [sflag:s15], $0x1000  }
0x107: {  	[sflag:s15] =	ssyncset.done $0x0  }
0x108: {  	[sflag:s15] =	ssyncadd.s32 $0xFFFFF000  }
0x109: {  	_ =	swait.ge [sflag:s15], $0x80  }
0x10a: {  	[sflag:s15] =	ssyncset.done $0x0  }
0x10b: {  	[sflag:s15] =	ssyncadd.s32 $0xFFFFFF80  }
0x10c: {  	_ =	swait.ge [sflag:s15], $0x80  }
0x10d: {  	[sflag:s15] =	ssyncset.done $0x0  }
0x10e: {  	[sflag:s15] =	ssyncadd.s32 $0xFFFFFF80  }
0x10f: {  	v8 =	vld [tilespmem:$0x0]  }
0x110: {  	v3 =	vld [tilespmem:$0x80]  }
0x111: {  	v9 =	vld [tilespmem:$0x10]  }
0x112: {  	v10 =	vld [tilespmem:$0x90]  }
0x113: {  	v11 =	vld [tilespmem:$0x20]  }
0x114: {  	v12 =	vld [tilespmem:$0xA0]  }
0x115: {  	v13 =	vld [tilespmem:$0x30]  }
0x116: {  	v14 =	vld [tilespmem:$0xB0]  }
0x117: {  	v15 =	vld [tilespmem:$0x40]  }
0x118: {  	v16 =	vld [tilespmem:$0xC0]  }
0x119: {  	v17 =	vld [tilespmem:$0x50]  }
0x11a: {  	v18 =	vld [tilespmem:$0xD0]  }
0x11b: {  	v19 =	vld [tilespmem:$0x60]  }
0x11c: {  	v20 =	vld [tilespmem:$0xE0]  }
0x11d: {  	s8 =	simm.s32 $0x140;
	v21 =	vld [tilespmem:$0x70]  }
0x11e: {  	v4 =	vld [tilespmem:s8+$0xFFFFFFD0]  }
0x11f: {  	v5 =	vld [tilespmem:s8+$0x10]  }
0x120: {  	v6 =	vld [tilespmem:s8+$0x0]  }
0x121: {  	v7 =	vld [tilespmem:s8+$0x30]  }
0x122: {  	v24 =	vld [tilespmem:s8+$0x20]  }
0x123: {  	v25 =	vld [tilespmem:s8+$0xFFFFFFC0]  }
0x124: {  	v26 =	vld [tilespmem:s8+$0xFFFFFFE0]  }
0x125: {  	s13 =	simm.s32 $0x1C0;
	v27 =	vld [tilespmem:s8+$0xFFFFFFF0]  }
0x126: {  	v28 =	vld [tilespmem:s13+$0xFFFFFFD0]  }
0x127: {  	v29 =	vld [tilespmem:s13+$0x10]  }
0x128: {  	s16 =	simm.s32 $0xFFFFFFF0;
	v22 =	vld [tilespmem:$0xF0];
	v23 =	vmin.f32 v2, v3;
	vm0 =	vlt.f32 v4, v9  }
0x129: {  	v3 =	vmov s16;
	vm12 =	vlt.f32 v6, v15;
	v6 =	vld [tilespmem:s13+$0x0];
	vm13 =	vlt.f32 v7, v21  }
0x12a: {  	vm1 =	vlt.f32 v25, v8;
	v7 =	vld [tilespmem:s13+$0x30];
	vm2 =	vlt.f32 v5, v17;
	vm3 =	vlt.f32 v26, v11  }
0x12b: {  	v25 =	vld [tilespmem:s13+$0xFFFFFFC0];
	vm14 =	vlt.f32 v27, v13;
	vm15 =	vlt.f32 v24, v19;
	vm4 =	vlt.f32 v28, v9  }
0x12c: {  	s22 =	simm.s32 $0x240;
	v26 =	vld [tilespmem:s13+$0xFFFFFFE0];
	vm8 =	vlt.f32 v29, v17;
	v4 =	vsel vm0, v10, v2;
	v5 =	vsel vm1, v23, v2  }
0x12d: {  	v29 =	vld [tilespmem:s22+$0x0];
	v30 =	vsel vm12, v16, v2;
	v4 =	vmin.f32 v5, v4;
	v5 =	vsel vm3, v12, v2  }
0x12e: {  	v27 =	vsel vm2, v18, v2;
	v31 =	vsel vm14, v14, v2;
	v4 =	vmin.f32 v4, v5  }
0x12f: {  	s21 =	simm.s32 $0xFFFFFFF1;
	s24 =	simm.s32 $0x2C0;
	v32 =	vsel vm13, v22, v2;
	v28 =	vsel vm4, v10, v2;
	v5 =	vld [tilespmem:s13+$0xFFFFFFF0];
	v24 =	vmin.f32 v4, v31  }
0x130: {  	v35 =	vld [tilespmem:s24+$0x0];
	v31 =	vsel vm15, v20, v2;
	v4 =	vmov s21;
	vm5 =	vlt.f32 v6, v15  }
0x131: {  	v6 =	vld [tilespmem:s13+$0x20];
	vm6 =	vlt.f32 v7, v21;
	vm7 =	vlt.f32 v25, v8;
	vm9 =	vlt.f32 v26, v11  }
0x132: {  	v7 =	vld [tilespmem:s22+$0xFFFFFFD0];
	v25 =	vsel vm8, v18, v2;
	v24 =	vmin.f32 v24, v30;
	vm13 =	vlt.f32 v29, v15  }
0x133: {  	v30 =	vld [tilespmem:s22+$0x30];
	v33 =	vsel vm5, v16, v2;
	v34 =	vsel vm6, v22, v2;
	v24 =	vmin.f32 v24, v27  }
0x134: {  	v26 =	vld [tilespmem:s22+$0x10];
	v36 =	vsel vm13, v16, v2;
	vm10 =	vlt.f32 v5, v13;
	v5 =	vsel vm7, v23, v2  }
0x135: {  	v41 =	vld [tilespmem:s24+$0xFFFFFFF0];
	v24 =	vmin.f32 v24, v31;
	v5 =	vmin.f32 v5, v28;
	v28 =	vsel vm9, v12, v2  }
0x136: {  	v24 =	vmin.f32 v24, v32;
	v27 =	vsel vm10, v14, v2;
	v5 =	vmin.f32 v5, v28;
	v28 =	vld [tilespmem:s22+$0xFFFFFFC0]  }
0x137: {  	(v2sf) =	vpush v24, $0xF;
	vm11 =	vlt.f32 v6, v19;
	v6 =	vld [tilespmem:s22+$0xFFFFFFE0];
	vm12 =	vlt.f32 v7, v9  }
0x138: {  	(v2sf) =	vpush v24, $0x7;
	vm14 =	vlt.f32 v30, v21;
	v31 =	vmin.f32 v5, v27;
	v27 =	vld [tilespmem:s22+$0xFFFFFFF0]  }
0x139: {  	s23 =	simm.s32 $0xFFFFFFF2;
	v39 =	vld [tilespmem:s24+$0xFFFFFFE0];
	vm6 =	vlt.f32 v26, v17;
	v53 =	vsel vm11, v20, v2;
	(v2sf) =	vpush v24, $0xE  }
0x13a: {  	v29 =	vld [tilespmem:s24+$0x10];
	v5 =	vmov s23;
	v7 =	vsel vm12, v10, v2;
	(v2sf) =	vpush v24, $0xB  }
0x13b: {  	v30 =	vsel vm6, v18, v2;
	vm11 =	vlt.f32 v35, v15;
	(v2sf) =	vpush v24, $0x4  }
0x13c: {  	s5 =	simm.s32 $0x340;
	vm6 =	vlt.f32 v41, v13;
	(v2sf) =	vpush v24, $0x3;
	vm15 =	vlt.f32 v28, v8  }
0x13d: {  	v59 =	vld [tilespmem:s5+$0xFFFFFFF0];
	vm7 =	vlt.f32 v6, v11;
	(v2sf) =	vpush v24, $0xD;
	vm8 =	vlt.f32 v27, v13  }
0x13e: {  	v61 =	vld [tilespmem:s5+$0x20];
	v27 =	vsel vm14, v22, v2;
	v26 =	vsel vm15, v23, v2;
	(v2sf) =	vpush v24, $0x5  }
0x13f: {  	v28 =	vld [tilespmem:s22+$0x20];
	vm14 =	vlt.f32 v29, v17;
	vm15 =	vlt.f32 v39, v11;
	(v2sf) =	vpush v24, $0xC  }
0x140: {  	v7 =	vmin.f32 v26, v7;
	v26 =	vsel vm7, v12, v2;
	(v2sf) =	vpush v24, $0xA  }
0x141: {  	v6 =	vld [tilespmem:s24+$0xFFFFFFD0];
	v37 =	vsel vm8, v14, v2;
	v29 =	vsel vm14, v18, v2;
	(v2sf) =	vpush v24, $0x9  }
0x142: {  	v55 =	vsel vm15, v12, v2;
	vm14 =	vlt.f32 v59, v13;
	(v2sf) =	vpush v24, $0x0  }
0x143: {  	vm15 =	vlt.f32 v61, v19;
	v7 =	vmin.f32 v7, v26;
	(v2sf) =	vpush v24, $0x1  }
0x144: {  	vm9 =	vlt.f32 v28, v19;
	v28 =	vmin.f32 v31, v33;
	(v2sf) =	vpush v24, $0x6  }
0x145: {  	v37 =	vmin.f32 v7, v37;
	v7 =	vld [tilespmem:s24+$0xFFFFFFC0];
	v25 =	vmin.f32 v28, v25;
	(v2sf) =	vpush v24, $0x2  }
0x146: {  	s25 =	simm.s32 $0xFFFFFFF3;
	v56 =	vld [tilespmem:s5+$0x0];
	v62 =	vsel vm14, v14, v2;
	vm10 =	vlt.f32 v6, v9;
	v25 =	vmin.f32 v25, v53;
	s26 =	spop (v2sf)  }
0x147: {  	v6 =	vmov s25;
	v35 =	vmin.f32 v25, v34;
	(v2sf) =	vpush v24, $0x8;
	s0 =	spop (v2sf)  }
0x148: {  	v57 =	vld [tilespmem:s5+$0x30];
	v31 =	vsel vm6, v14, v2;
	v36 =	vmin.f32 v37, v36;
	(v2sf) =	vpush v35, $0xF;
	s13 =	spop (v2sf)  }
0x149: {  	v33 =	vsel vm15, v20, v2;
	v38 =	vsel vm9, v20, v2;
	(v2sf) =	vpush v35, $0x7;
	s16 =	spop (v2sf)  }
0x14a: {  	v40 =	vsel vm10, v10, v2;
	v28 =	vsel vm11, v16, v2;
	vm13 =	vlt.f32 v7, v8;
	v24 =	vld [tilespmem:s5+$0xFFFFFFD0];
	s21 =	spop (v2sf)  }
0x14b: {  	v26 =	vld [tilespmem:s24+$0x30];
	vm9 =	vlt.f32 v56, v15;
	v25 =	vsel vm13, v23, v2;
	(v2sf) =	vpush v35, $0xE;
	s25 =	spop (v2sf)  }
0x14c: {  	v60 =	vmin.f32 v36, v30;
	v7 =	vld [tilespmem:s24+$0x20];
	v25 =	vmin.f32 v25, v40;
	(v2sf) =	vpush v35, $0xB;
	s23 =	spop (v2sf)  }
0x14d: {  	v54 =	vld [tilespmem:s5+$0x10];
	vm10 =	vlt.f32 v57, v21;
	v25 =	vmin.f32 v25, v55;
	(v2sf) =	vpush v35, $0x4;
	s30 =	spop (v2sf)  }
0x14e: {  	v30 =	vsel vm9, v16, v2;
	s2 =	smin.f32 s13, s26;
	v34 =	vmin.f32 v25, v31;
	v25 =	vld [tilespmem:s5+$0xFFFFFFC0];
	(v2sf) =	vpush v35, $0x3;
	s7 =	spop (v2sf)  }
0x14f: {  	v36 =	vsel vm10, v22, v2;
	vm8 =	vlt.f32 v24, v9;
	v24 =	vld [tilespmem:s5+$0xFFFFFFE0];
	(v2sf) =	vpush v35, $0xD;
	s26 =	smin.f32 s21, s30;
	s8 =	spop (v2sf)  }
0x150: {  	s22 =	simm.s32 $0xFFFFFFF4;
	v38 =	vmin.f32 v60, v38;
	vm12 =	vlt.f32 v26, v21;
	(v2sf) =	vpush v35, $0x5;
	s13 =	smin.f32 s7, s23;
	s30 =	spop (v2sf)  }
0x151: {  	vm7 =	vlt.f32 v7, v19;
	v7 =	vmov s22;
	(v2sf) =	vpush v35, $0xC;
	s29 =	smin.f32 s8, s16;
	s22 =	spop (v2sf)  }
0x152: {  	v26 =	vsel vm12, v22, v2;
	vm12 =	vlt.f32 v54, v17;
	s24 =	simm.s32 $0x1;
	(v2sf) =	vpush v35, $0xA;
	s28 =	smin.f32 s13, s2;
	s7 =	spop (v2sf)  }
0x153: {  	v58 =	vsel vm8, v10, v2;
	s21 =	simm.s32 $0x4;
	vm11 =	vlt.f32 v25, v8;
	(v2sf) =	vpush v35, $0x9;
	s2 =	smin.f32 s22, s7;
	s8 =	spop (v2sf)  }
0x154: {  	s23 =	simm.s32 $0x2;
	vm13 =	vlt.f32 v24, v11;
	v24 =	vsel vm11, v23, v2;
	(v2sf) =	vpush v35, $0x0;
	s0 =	smin.f32 s8, s0;
	s13 =	spop (v2sf)  }
0x155: {  	v25 =	vmin.f32 v24, v58;
	v63 =	vsel vm13, v12, v2;
	s22 =	simm.s32 $0x3;
	(v2sf) =	vpush v35, $0x1;
	s5 =	smin.f32 s13, s25;
	s31 =	smin.f32 s26, s0  }
0x156: {  	v32 =	vsel vm12, v18, v2;
	v24 =	vld [tilespmem:$0x1180];
	v40 =	vmin.f32 v25, v63;
	(v2sf) =	vpush v35, $0x6;
	s26 =	simm.s32 $0x5;
	s16 =	spop (v2sf);
	s2 =	smin.f32 s2, s5  }
0x157: {  	v31 =	vsel vm7, v20, v2;
	v25 =	vld [tilespmem:$0x1190];
	v37 =	vmin.f32 v40, v62;
	(v2sf) =	vpush v35, $0x2;
	s25 =	simm.s32 $0x3C0;
	s0 =	spop (v2sf);
	s16 =	smin.f32 s16, s30  }
.LBB2_6:
0x158: {  	s30 =	spop (v2sf)  }
0x159: {  	v39 =	vld [tilespmem:s25+$0xFFFFFFD0];
	(v2sf) =	vpush v35, $0x8;
	v35 =	vmin.f32 v38, v27;
	s5 =	smin.f32 s16, s29;
	v27 =	vmovc v26;
	v26 =	vmov v36;
	s16 =	smov.u32 s26;
	s13 =	sadd.s32 $0x1, s26  }
0x15a: {  	v36 =	vld [tilespmem:s25+$0x10];
	s29 =	sadd.s32 $0xFFFFFFF0, s16;
	(v2sf) =	vpush v35, $0xF;
	s7 =	spop (v2sf);
	s5 =	smin.f32 s5, s28  }
0x15b: {  	p0 =	sne.s32 s26, $0x1F;
	s2 =	smin.f32 s2, s31;
	v38 =	vld [tilespmem:s25+$0x0];
	v40 =	vmov s29;
	(v2sf) =	vpush v35, $0x7;
	s28 =	spop (v2sf)  }
0x15c: {  	v42 =	vmov s20;
	vm0 =	veq.s32 v3, v0;
	v3 =	vmovc v4;
	v4 =	vmovc v5;
	s20 =	smov.u32 s24;
	s2 =	smin.f32 s2, s5;
	v41 =	vld [tilespmem:s25+$0x30];
	(v2sf) =	vpush v35, $0xE;
	s26 =	spop (v2sf)  }
0x15d: {  	v5 =	vmovc v6;
	v6 =	vmovc v7;
	s24 =	smov.u32 s23;
	s5 =	smin.f32 s7, s0;
	v44 =	vmin.f32 v24, s2;
	v45 =	vmin.f32 v25, s2;
	v43 =	vld [tilespmem:s25+$0x20];
	(v2sf) =	vpush v35, $0xB;
	s0 =	spop (v2sf)  }
0x15e: {  	s23 =	smov.u32 s22;
	s22 =	smov.u32 s21;
	vm2 =	veq.s32 v42, v0;
	v7 =	vmovc v40;
	v46 =	vld [tilespmem:s25+$0xFFFFFFC0];
	vm1 =	vlt.f32 v39, v9;
	(v2sf) =	vpush v35, $0x4;
	s2 =	spop (v2sf)  }
0x15f: {  	s21 =	smov.u32 s16;
	v24 =	vsel vm2, v44, v24;
	v39 =	vsel vm1, v10, v2;
	v40 =	vld [tilespmem:s25+$0xFFFFFFE0];
	(v2sf) =	vpush v35, $0x3;
	s7 =	spop (v2sf)  }
0x160: {  	v44 =	vmin.f32 v34, v28;
	v25 =	vsel vm0, v45, v25;
	v28 =	vmovc v30;
	v34 =	vmovc v37;
	v42 =	vld [tilespmem:s25+$0xFFFFFFF0];
	(v2sf) =	vpush v35, $0xD;
	s7 =	smin.f32 s26, s7;
	s16 =	spop (v2sf)  }
0x161: {  	vm0 =	vlt.f32 v38, v15;
	v38 =	vmin.f32 v44, v29;
	v29 =	vmovc v32;
	(v2sf) =	vpush v35, $0x5;
	s26 =	spop (v2sf)  }
0x162: {  	v30 =	vsel vm0, v16, v2;
	vm0 =	vlt.f32 v41, v21;
	s2 =	smin.f32 s16, s2;
	(v2sf) =	vpush v35, $0xC;
	s16 =	spop (v2sf)  }
0x163: {  	vm2 =	vlt.f32 v36, v17;
	s29 =	smin.f32 s26, s28;
	vm1 =	vlt.f32 v46, v8;
	(v2sf) =	vpush v35, $0xA;
	s26 =	spop (v2sf)  }
0x164: {  	s28 =	smin.f32 s2, s5;
	s2 =	spop (v2sf)  }
0x165: {  	v32 =	vsel vm2, v18, v2;
	vm3 =	vlt.f32 v40, v11;
	(v2sf) =	vpush v35, $0x9;
	s2 =	smin.f32 s26, s2  }
.Ltmp6:
0x166: {  	v36 =	vsel vm0, v22, v2;
	vm2 =	vlt.f32 v42, v13;
	(v2sf) =	vpush v35, $0x0;
	s5 =	spop (v2sf);
	(pc) =	sbr.rel @p0 .LBB2_6-.Ltmp6, $4  }
0x167: {  	v37 =	vsel vm1, v23, v2;
	v40 =	vsel vm2, v14, v2;
	(v2sf) =	vpush v35, $0x1;
	s5 =	smin.f32 s5, s30;
	s26 =	spop (v2sf)  }
0x168: {  	v37 =	vmin.f32 v37, v39;
	v39 =	vsel vm3, v12, v2;
	(v2sf) =	vpush v35, $0x6;
	s0 =	smin.f32 s26, s0;
	s31 =	smin.f32 s7, s5  }
0x169: {  	s25 =	sadd.s32 $0x80, s25;
	vm0 =	vlt.f32 v43, v19;
	v37 =	vmin.f32 v37, v39;
	(v2sf) =	vpush v35, $0x2;
	s2 =	smin.f32 s2, s0;
	s5 =	spop (v2sf)  }
0x16a: {  	v38 =	vmin.f32 v38, v31;
	v31 =	vmovc v33;
	v33 =	vsel vm0, v20, v2;
	v37 =	vmin.f32 v37, v40;
	s26 =	smov.u32 s13;
	s0 =	spop (v2sf);
	s16 =	smin.f32 s5, s16  }
0x16b: {  	v8 =	vmin.f32 v38, v27;
	(v2sf) =	vpush v35, $0x8  }
0x16c: {  	s5 =	spop (v2sf);
	(v2sf) =	vpush v8, $0xF  }
0x16d: {  	s7 =	spop (v2sf);
	(v2sf) =	vpush v8, $0x7  }
0x16e: {  	s13 =	spop (v2sf);
	(v2sf) =	vpush v8, $0xE  }
0x16f: {  	s26 =	spop (v2sf);
	(v2sf) =	vpush v8, $0xB  }
0x170: {  	s30 =	spop (v2sf);
	(v2sf) =	vpush v8, $0x4  }
0x171: {  	s8 =	spop (v2sf);
	(v2sf) =	vpush v8, $0x3  }
0x172: {  	s16 =	smin.f32 s16, s29;
	s29 =	spop (v2sf);
	(v2sf) =	vpush v8, $0xD  }
0x173: {  	s16 =	smin.f32 s16, s28;
	s28 =	spop (v2sf);
	(v2sf) =	vpush v8, $0x5  }
0x174: {  	s2 =	smin.f32 s2, s31;
	s31 =	spop (v2sf);
	(v2sf) =	vpush v8, $0xC  }
0x175: {  	s25 =	smin.f32 s2, s16;
	s2 =	spop (v2sf);
	(v2sf) =	vpush v8, $0xA  }
0x176: {  	s0 =	smin.f32 s7, s0;
	s7 =	spop (v2sf);
	(v2sf) =	vpush v8, $0x9  }
0x177: {  	s16 =	smin.f32 s26, s29;
	s26 =	spop (v2sf);
	(v2sf) =	vpush v8, $0x0  }
0x178: {  	v9 =	vmin.f32 v34, v28;
	s8 =	smin.f32 s28, s8;
	s28 =	spop (v2sf);
	(v2sf) =	vpush v8, $0x1  }
0x179: {  	v9 =	vmin.f32 v9, v29;
	s13 =	smin.f32 s31, s13;
	s29 =	spop (v2sf);
	(v2sf) =	vpush v8, $0x6  }
0x17a: {  	v9 =	vmin.f32 v9, v31;
	s0 =	smin.f32 s8, s0;
	(v2sf) =	vpush v8, $0x2;
	s8 =	spop (v2sf)  }
0x17b: {  	v9 =	vmin.f32 v9, v26;
	s7 =	smin.f32 s7, s26;
	s31 =	spop (v2sf);
	(v2sf) =	vpush v8, $0x8  }
0x17c: {  	s5 =	smin.f32 s28, s5;
	s28 =	spop (v2sf);
	(v2sf) =	vpush v9, $0xF  }
0x17d: {  	s30 =	smin.f32 s29, s30;
	s29 =	spop (v2sf);
	(v2sf) =	vpush v9, $0x7  }
0x17e: {  	s5 =	smin.f32 s16, s5;
	s16 =	spop (v2sf);
	(v2sf) =	vpush v9, $0xE  }
0x17f: {  	s7 =	smin.f32 s7, s30;
	s30 =	spop (v2sf);
	(v2sf) =	vpush v9, $0xB  }
0x180: {  	s2 =	smin.f32 s8, s2;
	s8 =	spop (v2sf);
	(v2sf) =	vpush v9, $0x4  }
0x181: {  	s2 =	smin.f32 s2, s13;
	s13 =	spop (v2sf);
	(v2sf) =	vpush v9, $0x3  }
0x182: {  	s0 =	smin.f32 s2, s0;
	s2 =	spop (v2sf);
	(v2sf) =	vpush v9, $0xD  }
0x183: {  	s5 =	smin.f32 s7, s5;
	s7 =	spop (v2sf);
	(v2sf) =	vpush v9, $0x5  }
0x184: {  	s26 =	smin.f32 s5, s0;
	s0 =	spop (v2sf);
	(v2sf) =	vpush v9, $0xC  }
0x185: {  	s5 =	smin.f32 s29, s31;
	s29 =	spop (v2sf);
	(v2sf) =	vpush v9, $0xA  }
0x186: {  	s2 =	smin.f32 s30, s2;
	s30 =	spop (v2sf);
	(v2sf) =	vpush v9, $0x9  }
0x187: {  	s7 =	smin.f32 s7, s13;
	s13 =	spop (v2sf);
	(v2sf) =	vpush v9, $0x0  }
0x188: {  	v57 =	vmin.f32 v37, v30;
	s0 =	smin.f32 s0, s16;
	s31 =	spop (v2sf);
	(v2sf) =	vpush v9, $0x1  }
0x189: {  	v8 =	vmin.f32 v57, v32;
	s5 =	smin.f32 s7, s5;
	s7 =	spop (v2sf);
	(v2sf) =	vpush v9, $0x6  }
0x18a: {  	v8 =	vmin.f32 v8, v33;
	s13 =	smin.f32 s30, s13;
	(v2sf) =	vpush v9, $0x2;
	s30 =	spop (v2sf)  }
0x18b: {  	v8 =	vmin.f32 v8, v36;
	s16 =	smin.f32 s31, s28;
	s31 =	spop (v2sf);
	(v2sf) =	vpush v9, $0x8  }
0x18c: {  	s7 =	smin.f32 s7, s8;
	s8 =	spop (v2sf);
	(v2sf) =	vpush v8, $0xF  }
0x18d: {  	s2 =	smin.f32 s2, s16;
	s16 =	spop (v2sf);
	(v2sf) =	vpush v8, $0x7  }
0x18e: {  	s7 =	smin.f32 s13, s7;
	s13 =	spop (v2sf);
	(v2sf) =	vpush v8, $0xE  }
0x18f: {  	s30 =	smin.f32 s30, s29;
	s29 =	spop (v2sf);
	(v2sf) =	vpush v8, $0xB  }
0x190: {  	s0 =	smin.f32 s30, s0;
	s30 =	spop (v2sf);
	(v2sf) =	vpush v8, $0x4  }
0x191: {  	s0 =	smin.f32 s0, s5;
	s5 =	spop (v2sf);
	(v2sf) =	vpush v8, $0x3  }
0x192: {  	s2 =	smin.f32 s7, s2;
	s7 =	spop (v2sf);
	(v2sf) =	vpush v8, $0xD  }
0x193: {  	s28 =	smin.f32 s2, s0;
	s0 =	spop (v2sf);
	(v2sf) =	vpush v8, $0x5  }
0x194: {  	s2 =	smin.f32 s16, s31;
	s31 =	spop (v2sf);
	(v2sf) =	vpush v8, $0xC  }
0x195: {  	s7 =	smin.f32 s29, s7;
	s29 =	spop (v2sf);
	(v2sf) =	vpush v8, $0xA  }
0x196: {  	s0 =	smin.f32 s0, s5;
	s5 =	spop (v2sf);
	(v2sf) =	vpush v8, $0x9  }
0x197: {  	s13 =	smin.f32 s31, s13;
	s16 =	spop (v2sf);
	(v2sf) =	vpush v8, $0x0  }
0x198: {  	s0 =	smin.f32 s0, s2;
	s31 =	spop (v2sf);
	(v2sf) =	vpush v8, $0x1  }
0x199: {  	s5 =	smin.f32 s5, s16;
	s16 =	spop (v2sf);
	(v2sf) =	vpush v8, $0x6  }
0x19a: {  	s2 =	smin.f32 s31, s8;
	(v2sf) =	vpush v8, $0x2;
	s31 =	spop (v2sf)  }
0x19b: {  	s16 =	smin.f32 s16, s30;
	s30 =	spop (v2sf);
	(v2sf) =	vpush v8, $0x8  }
0x19c: {  	s2 =	smin.f32 s7, s2;
	s7 =	spop (v2sf)  }
0x19d: {  	s5 =	smin.f32 s5, s16;
	s16 =	spop (v2sf)  }
0x19e: {  	s8 =	smin.f32 s31, s29;
	s29 =	spop (v2sf)  }
0x19f: {  	s8 =	smin.f32 s8, s13;
	s13 =	spop (v2sf)  }
0x1a0: {  	s0 =	smin.f32 s8, s0;
	s8 =	spop (v2sf)  }
0x1a1: {  	s2 =	smin.f32 s5, s2;
	s5 =	spop (v2sf)  }
0x1a2: {  	s0 =	smin.f32 s2, s0;
	s31 =	spop (v2sf)  }
0x1a3: {  	s16 =	smin.f32 s16, s30;
	s30 =	spop (v2sf)  }
0x1a4: {  	s2 =	smin.f32 s13, s31;
	s31 =	spop (v2sf)  }
0x1a5: {  	v58 =	vmov s20;
	vm1 =	veq.s32 v3, v0;
	v60 =	vmov s24;
	s5 =	smin.f32 s30, s5;
	s20 =	spop (v2sf)  }
0x1a6: {  	vm8 =	veq.s32 v4, v0;
	v61 =	vmov s23;
	vm10 =	veq.s32 v5, v0;
	s13 =	smin.f32 s31, s29;
	s29 =	spop (v2sf)  }
0x1a7: {  	vm0 =	veq.s32 v58, v0;
	v59 =	vmin.f32 v24, s25;
	v3 =	vmin.f32 v25, s25;
	s5 =	smin.f32 s5, s16;
	s30 =	spop (v2sf)  }
0x1a8: {  	vm13 =	veq.s32 v6, v0;
	v3 =	vsel vm1, v3, v25;
	v8 =	vsel vm0, v59, v24;
	s16 =	smin.f32 s29, s30;
	s31 =	spop (v2sf)  }
0x1a9: {  	vm9 =	veq.s32 v60, v0;
	v10 =	vmin.f32 v3, s26;
	v4 =	vmin.f32 v8, s26;
	s7 =	smin.f32 s31, s7;
	s25 =	spop (v2sf)  }
0x1aa: {  	vm14 =	veq.s32 v7, v0;
	v3 =	vsel vm8, v10, v3;
	v4 =	vsel vm9, v4, v8;
	s8 =	smin.f32 s25, s8;
	s26 =	spop (v2sf)  }
0x1ab: {  	vm11 =	veq.s32 v61, v0;
	v62 =	vmin.f32 v3, s28;
	v5 =	vmin.f32 v4, s28;
	s2 =	smin.f32 s2, s7;
	s28 =	smin.f32 s26, s20  }
0x1ac: {  	v3 =	vsel vm10, v62, v3;
	v4 =	vsel vm11, v5, v4;
	v5 =	vmov s22;
	s8 =	smin.f32 s16, s8;
	s7 =	smin.f32 s28, s13  }
0x1ad: {  	v63 =	vmin.f32 v4, s0;
	vm12 =	veq.s32 v5, v0;
	v5 =	vmin.f32 v3, s0;
	s2 =	smin.f32 s8, s2;
	s29 =	smin.f32 s7, s5  }
0x1ae: {  	v4 =	vsel vm12, v63, v4;
	v3 =	vsel vm13, v5, v3;
	v5 =	vmov s21;
	s0 =	smin.f32 s2, s29  }
0x1af: {  	vm15 =	veq.s32 v5, v0;
	v6 =	vmin.f32 v4, s0;
	v7 =	vmin.f32 v3, s0  }
0x1b0: {  	v4 =	vsel vm15, v6, v4;
	v3 =	vsel vm14, v7, v3  }
0x1b1: {  	v5 =	vmax.f32 v4, v3  }
0x1b2: {  	(v2sf) =	vpush v5, $0x0  }
0x1b3: {  	(v2sf) =	vpush v5, $0x1  }
0x1b4: {  	(v2sf) =	vpush v5, $0x2  }
0x1b5: {  	(v2sf) =	vpush v5, $0x3  }
0x1b6: {  	(v2sf) =	vpush v5, $0x4  }
0x1b7: {  	(v2sf) =	vpush v5, $0x5  }
0x1b8: {  	(v2sf) =	vpush v5, $0x6  }
0x1b9: {  	(v2sf) =	vpush v5, $0x7  }
0x1ba: {  	(v2sf) =	vpush v5, $0x8  }
0x1bb: {  	(v2sf) =	vpush v5, $0x9  }
0x1bc: {  	(v2sf) =	vpush v5, $0xA  }
0x1bd: {  	(v2sf) =	vpush v5, $0xB  }
0x1be: {  	(v2sf) =	vpush v5, $0xC  }
0x1bf: {  	(v2sf) =	vpush v5, $0xD  }
0x1c0: {  	(v2sf) =	vpush v5, $0xE  }
0x1c1: {  	s0 =	spop (v2sf);
	(v2sf) =	vpush v5, $0xF  }
0x1c2: {  	s2 =	spop (v2sf)  }
0x1c3: {  	s5 =	spop (v2sf)  }
0x1c4: {  	s7 =	spop (v2sf)  }
0x1c5: {  	s8 =	spop (v2sf)  }
0x1c6: {  	s13 =	spop (v2sf)  }
0x1c7: {  	s16 =	spop (v2sf)  }
0x1c8: {  	s0 =	smax.f32 s0, s2;
	s20 =	spop (v2sf)  }
0x1c9: {  	s7 =	smax.f32 s5, s7;
	s21 =	spop (v2sf)  }
0x1ca: {  	s0 =	smax.f32 s0, s7;
	s22 =	spop (v2sf)  }
0x1cb: {  	s13 =	smax.f32 s8, s13;
	s23 =	spop (v2sf)  }
0x1cc: {  	s20 =	smax.f32 s16, s20;
	s24 =	spop (v2sf)  }
0x1cd: {  	s28 =	smax.f32 s13, s20;
	s25 =	spop (v2sf)  }
0x1ce: {  	s22 =	smax.f32 s21, s22;
	s26 =	spop (v2sf)  }
0x1cf: {  	s0 =	smax.f32 s0, s28;
	s30 =	spop (v2sf)  }
0x1d0: {  	s24 =	smax.f32 s23, s24;
	s31 =	spop (v2sf)  }
0x1d1: {  	s25 =	smax.f32 s25, s26;
	s26 =	smax.f32 s30, s31  }
0x1d2: {  	s29 =	smax.f32 s22, s24;
	s30 =	smax.f32 s25, s26  }
.Ltmp7:
0x1d3: {  	s31 =	smax.f32 s29, s30;
	(pc) =	sbr.rel .LBB2_8-.Ltmp7, $4  }
0x1d4: {  	s0 =	smax.f32 s0, s31  }
0x1d5: {  	p0 =	slt.f32 s0, s18  }
0x1d6: {  	[tilespmem:$0x1180] =	vst v4;
	s0 =	simm.s32 $0x1  }
0x1d7: {  	[tilespmem:$0x1190] =	vst v3;
	s0 =	simm.s32 @!p0 $0x0  }
.LBB2_10:
0x1d8: {  	_ =	sfence.sel $0x180000  }
0x1d9: {  	[bflag:$0x0] =	sbarrier.arrive $0xFFFF  }
0x1da: {  	_ =	strace $0x90000047  }
0x1db: {  	s0 =	stileid.u32;
	[bflag:$0x2] =	sbarrier.arrive $0xFFFF  }
0x1dc: {  	p0 =	sne.s32 s0, $0x0;
	s0 =	rddreg [dreg:$0x3]  }
0x1dd: {  	s0 =	sadd.s32 @!p0 $0x100000, s0  }
0x1de: {  	[sflag:s0] =	ssyncadd.tile.s32 @!p0 $0x1;
	_ =	shalt  }
.Lfunc_end2:
_tile_overlayer_lowered:
.L_overlay_start_2:
0x1df: {  	(tag) =	ssettag $0x2  }
0x1e0: {  	s0 =	rddreg [dreg:$0x0];
	s2 =	stileid.u32  }
0x1e1: {  	s1 =	rddreg [dreg:$0x1];
	p0 =	sne.s32 s2, $0x0  }
0x1e2: {  	s3 =	rddreg [dreg:$0x2];
	[bflag:$0x3] =	sbarrier.arrive $0xFFFF;
	s2 =	simm.s32 @!p0 $0x1C02  }
0x1e3: {  	[timem:s3], [sflag:s2] =	dma.local @!p0 [hbm:s0], s1  }
0x1e4: {  	s0 =	simm.s32 @!p0 $0x2  }
0x1e5: {  	_ =	swait.ge @!p0 [sflag:s0], s1  }
0x1e6: {  	s1 =	ssub.s32 @!p0 $0x0, s1;
	[sflag:s0] =	ssyncset.done @!p0 $0x0  }
0x1e7: {  	[sflag:s0] =	ssyncadd.s32 @!p0 s1  }
0x1e8: {  	[bflag:$0x3] =	sbarrier.arrive $0xFFFF  }
0x1e9: {  	_ =	shalt  }

</sc_bundles>
